<compile_context>
chip_gen: v7x
topology: tpu7x:2x2x1
jax: 0.10.2.dev20260603
libtpu: 0.0.44.dev20260713+nightly
codegen_flags: <defaults>
</compile_context>

<pallas_src>
import dataclasses
import functools

import jax
import jax.numpy as jnp
from jax import lax
from jax.experimental import pallas as pl
from jax.experimental.pallas import tpu as pltpu
from jax.experimental.pallas import tpu_sc as plsc

N = 10000
E = 320000
C_FEAT = 128
WIDEC = 512
NG = 16

NW = 32
CH = 128
NCHUNK = E // CH
ITERS = -(-NCHUNK // NW)
CHE = 80
NCHE = E // CHE
ITE = NCHE // NW
NPAD = 10240
STRIPE = NPAD // 16

_MESH = plsc.VectorSubcoreMesh(core_axis_name="c", subcore_axis_name="s")
_HI = jax.lax.Precision.HIGHEST

_CP = pltpu.CompilerParams()
if "needs_layout_passes" in pltpu.CompilerParams.__dataclass_fields__:
    _CP = dataclasses.replace(_CP, needs_layout_passes=False)


def _dot(a, b):
    return jnp.dot(a, b, preferred_element_type=jnp.float32, precision=_HI)


@functools.partial(
    pl.kernel,
    out_type=jax.ShapeDtypeStruct((E,), jnp.float32),
    mesh=_MESH,
    compiler_params=_CP,
    scratch_types=[
        pltpu.VMEM((N,), jnp.float32),
        pltpu.VMEM((N,), jnp.float32),
        pltpu.VMEM((N,), jnp.float32),
        pltpu.VMEM((CH,), jnp.int32),
        pltpu.VMEM((CH,), jnp.int32),
        pltpu.VMEM((CH,), jnp.float32),
    ],
)
def _sc_dist(px_hbm, py_hbm, pz_hbm, src_hbm, dst_hbm, d2_hbm,
             px_v, py_v, pz_v, src_v, dst_v, d2_v):
    wid = lax.axis_index("s") * 2 + lax.axis_index("c")
    pltpu.sync_copy(px_hbm, px_v)
    pltpu.sync_copy(py_hbm, py_v)
    pltpu.sync_copy(pz_hbm, pz_v)

    @pl.loop(0, ITERS)
    def _(i):
        cid = i * NW + wid

        @pl.when(cid < NCHUNK)
        def _():
            base = cid * CH
            pltpu.sync_copy(src_hbm.at[pl.ds(base, CH)], src_v)
            pltpu.sync_copy(dst_hbm.at[pl.ds(base, CH)], dst_v)
            for j in range(CH // 16):
                sl = pl.ds(j * 16, 16)
                si = src_v[sl]
                di = dst_v[sl]
                dx = plsc.load_gather(px_v, [si]) - plsc.load_gather(px_v, [di])
                dy = plsc.load_gather(py_v, [si]) - plsc.load_gather(py_v, [di])
                dz = plsc.load_gather(pz_v, [si]) - plsc.load_gather(pz_v, [di])
                d2_v[sl] = dx * dx + dy * dy + dz * dz
            pltpu.sync_copy(d2_v, d2_hbm.at[pl.ds(base, CH)])


@functools.partial(
    pl.kernel,
    out_type=jax.ShapeDtypeStruct((2, NPAD, C_FEAT), jnp.float32),
    mesh=_MESH,
    scratch_types=[
        pltpu.VMEM((CHE,), jnp.int32), pltpu.VMEM((CHE,), jnp.int32),
        pltpu.VMEM((CHE,), jnp.int32), pltpu.VMEM((CHE,), jnp.int32),
        pltpu.VMEM((CHE, C_FEAT), jnp.float32),
        pltpu.VMEM((CHE, C_FEAT), jnp.float32),
        pltpu.VMEM((CHE, C_FEAT), jnp.float32),
        pltpu.VMEM((CHE, C_FEAT), jnp.float32),
        pltpu.VMEM_SHARED((NPAD, C_FEAT), jnp.float32),
        pltpu.SemaphoreType.DMA, pltpu.SemaphoreType.DMA,
        pltpu.SemaphoreType.DMA, pltpu.SemaphoreType.DMA,
    ],
)
def _sc_edge(h_hbm, k_hbm, src_hbm, dst_hbm, out_hbm,
             src0, src1, dst0, dst1, hb0, hb1, kb0, kb1, acc_sh,
             sg0, sg1, sk0, sk1):
    cix = lax.axis_index("c")
    sid = lax.axis_index("s")
    wid = sid * 2 + cix
    srcv = [src0, src1]
    dstv = [dst0, dst1]
    hv = [hb0, hb1]
    kv = [kb0, kb1]
    sg = [sg0, sg1]
    sk = [sk0, sk1]

    @pl.loop(0, CHE)
    def _(r):
        for c in range(8):
            kb0[r, pl.ds(c * 16, 16)] = jnp.zeros((16,), jnp.float32)

    @pl.loop(0, STRIPE // CHE)
    def _(j):
        pltpu.sync_copy(kb0, acc_sh.at[pl.ds(sid * STRIPE + j * CHE, CHE)])

    plsc.subcore_barrier()

    @pl.loop(0, (ITE + 1) // 2)
    def _(t):
        for b in range(2):
            ju = t * 2 + b

            @pl.when(ju < ITE)
            def _():
                base = (ju * NW + wid) * CHE
                pltpu.sync_copy(src_hbm.at[pl.ds(base, CHE)], srcv[b])
                pltpu.sync_copy(dst_hbm.at[pl.ds(base, CHE)], dstv[b])
                pltpu.make_async_copy(h_hbm.at[srcv[b]], hv[b], sg[b]).start()
                pltpu.make_async_copy(
                    k_hbm.at[pl.ds(base, CHE)], kv[b], sk[b]).start()

            jp = ju - 1
            p = 1 - b

            @pl.when(jp >= 0)
            def _():
                pltpu.make_async_copy(h_hbm.at[srcv[p]], hv[p], sg[p]).wait()
                pltpu.make_async_copy(
                    k_hbm.at[pl.ds(0, CHE)], kv[p], sk[p]).wait()

                @pl.loop(0, CHE)
                def _(r):
                    for c in range(8):
                        sl = pl.ds(c * 16, 16)
                        kv[p][r, sl] = kv[p][r, sl] * hv[p][r, sl]

                pltpu.sync_copy(kv[p], acc_sh.at[dstv[p]], add=True)

    plsc.subcore_barrier()
    pltpu.sync_copy(acc_sh.at[pl.ds(sid * STRIPE, STRIPE)],
                    out_hbm.at[cix, pl.ds(sid * STRIPE, STRIPE)])


def _embed_body(x_ref, w_ref, o_ref):
    o_ref[...] = _dot(x_ref[...], w_ref[...])


def _basis_body(d2_ref, w1_ref, b1_ref, w2_ref, b2_ref, wk0_ref, wk1_ref,
                k0_ref, k1_ref):
    d2t = jnp.transpose(d2_ref[...])
    d2 = jnp.concatenate([d2t[:, j:j + 1] for j in range(8)], axis=0)
    d = jnp.sqrt(d2)
    d3 = d2 * d
    w1 = w1_ref[...]
    t = d * w1[0:1, :] + d2 * w1[1:2, :] + d3 * w1[2:3, :] + b1_ref[...]
    t = jax.nn.gelu(t)
    t = jax.nn.gelu(_dot(t, w2_ref[...]) + b2_ref[...])
    k0_ref[...] = _dot(t, wk0_ref[...])
    k1_ref[...] = _dot(t, wk1_ref[...])


def _node_body(p0_ref, p1_ref, h_ref, g_ref, b_ref, wm1_ref, bm1_ref,
               wm2_ref, bm2_ref, o_ref):
    agg = p0_ref[...] + p1_ref[...]
    mu = jnp.mean(agg, axis=1, keepdims=True)
    var = jnp.mean((agg - mu) ** 2, axis=1, keepdims=True)
    y = (agg - mu) / jnp.sqrt(var + 1e-5) * g_ref[...] + b_ref[...]
    z = jax.nn.gelu(_dot(y, wm1_ref[...]) + bm1_ref[...])
    o_ref[...] = h_ref[...] + _dot(z, wm2_ref[...]) + bm2_ref[...]


def _final_body(p0_ref, p1_ref, h_ref, bat_ref, g_ref, b_ref, wm1_ref,
                bm1_ref, wm2_ref, bm2_ref, wr0_ref, br0_ref, wr1_ref,
                br1_ref, o_ref):
    agg = p0_ref[...] + p1_ref[...]
    mu = jnp.mean(agg, axis=1, keepdims=True)
    var = jnp.mean((agg - mu) ** 2, axis=1, keepdims=True)
    y = (agg - mu) / jnp.sqrt(var + 1e-5) * g_ref[...] + b_ref[...]
    z = jax.nn.gelu(_dot(y, wm1_ref[...]) + bm1_ref[...])
    h1 = h_ref[...]
    h2 = h1 + _dot(z, wm2_ref[...]) + bm2_ref[...]
    tot = (jnp.sum(h1 * wr0_ref[...], axis=1, keepdims=True) + br0_ref[...]
           + jnp.sum(h2 * wr1_ref[...], axis=1, keepdims=True) + br1_ref[...])
    rows = tot.shape[0]
    gid = lax.broadcasted_iota(jnp.int32, (rows, NG), 1)
    onehot = (bat_ref[...] == gid).astype(jnp.float32)
    contrib = jnp.sum(onehot * tot, axis=0, keepdims=True)

    @pl.when(pl.program_id(0) == 0)
    def _():
        o_ref[...] = jnp.zeros_like(o_ref)

    o_ref[...] += contrib


def _full(shape):
    return pl.BlockSpec(shape, lambda i: tuple(0 for _ in shape))


def kernel(pos, x, batch, edge_index, W_embed, basis_W1, basis_b1, basis_W2,
           basis_b2, Wk0, ln_g0, ln_b0, Wm1_0, bm1_0, Wm2_0, bm2_0, Wr0, br0,
           Wk1, ln_g1, ln_b1, Wm1_1, bm1_1, Wm2_1, bm2_1, Wr1, br1):
    src = edge_index[0]
    dst = edge_index[1]

    RB = 1000
    h0 = pl.pallas_call(
        _embed_body,
        grid=(N // RB,),
        in_specs=[pl.BlockSpec((RB, C_FEAT), lambda i: (i, 0)),
                  _full((C_FEAT, C_FEAT))],
        out_specs=pl.BlockSpec((RB, C_FEAT), lambda i: (i, 0)),
        out_shape=jax.ShapeDtypeStruct((N, C_FEAT), jnp.float32),
    )(x, W_embed)

    d2 = _sc_dist(pos[:, 0], pos[:, 1], pos[:, 2], src, dst)

    D2R = NCHUNK + 4
    E2 = (D2R // 8) * 1024
    d2p = jnp.pad(d2.reshape(NCHUNK, CH), ((0, 4), (0, 0)))
    w1p = jnp.zeros((8, C_FEAT), jnp.float32).at[:3].set(basis_W1)
    k0e, k1e = pl.pallas_call(
        _basis_body,
        grid=(D2R // 8,),
        in_specs=[pl.BlockSpec((8, CH), lambda i: (i, 0)),
                  _full((8, C_FEAT)), _full((1, C_FEAT)),
                  _full((C_FEAT, C_FEAT)), _full((1, C_FEAT)),
                  _full((C_FEAT, C_FEAT)), _full((C_FEAT, C_FEAT))],
        out_specs=[pl.BlockSpec((1024, C_FEAT), lambda i: (i, 0)),
                   pl.BlockSpec((1024, C_FEAT), lambda i: (i, 0))],
        out_shape=[jax.ShapeDtypeStruct((E2, C_FEAT), jnp.float32),
                   jax.ShapeDtypeStruct((E2, C_FEAT), jnp.float32)],
    )(d2p, w1p, basis_b1.reshape(1, -1), basis_W2,
      basis_b2.reshape(1, -1), Wk0, Wk1)

    node_specs = [pl.BlockSpec((RB, C_FEAT), lambda i: (i, 0))] * 3 + [
        _full((1, C_FEAT)), _full((1, C_FEAT)),
        _full((C_FEAT, WIDEC)), _full((1, WIDEC)),
        _full((WIDEC, C_FEAT)), _full((1, C_FEAT))]

    part = _sc_edge(h0, k0e, src, dst)
    h1 = pl.pallas_call(
        _node_body,
        grid=(N // RB,),
        in_specs=node_specs,
        out_specs=pl.BlockSpec((RB, C_FEAT), lambda i: (i, 0)),
        out_shape=jax.ShapeDtypeStruct((N, C_FEAT), jnp.float32),
    )(part[0, :N], part[1, :N], h0, ln_g0.reshape(1, -1),
      ln_b0.reshape(1, -1), Wm1_0, bm1_0.reshape(1, -1), Wm2_0,
      bm2_0.reshape(1, -1))

    part = _sc_edge(h1, k1e, src, dst)
    out = pl.pallas_call(
        _final_body,
        grid=(N // RB,),
        in_specs=node_specs[:3] + [pl.BlockSpec((RB, 1), lambda i: (i, 0))]
        + node_specs[3:] + [_full((1, C_FEAT)), _full((1, 1)),
                            _full((1, C_FEAT)), _full((1, 1))],
        out_specs=_full((1, NG)),
        out_shape=jax.ShapeDtypeStruct((1, NG), jnp.float32),
    )(part[0, :N], part[1, :N], h1, batch.reshape(N, 1),
      ln_g1.reshape(1, -1), ln_b1.reshape(1, -1), Wm1_1,
      bm1_1.reshape(1, -1), Wm2_1, bm2_1.reshape(1, -1),
      Wr0.reshape(1, -1), br0.reshape(1, 1), Wr1.reshape(1, -1),
      br1.reshape(1, 1))
    return out.reshape(NG, 1)

# --- scband reference (transcript-rebuilt; emitter-appended) ---
"""Pipeline reference for scband-siva-82617990906074 (READ-ONLY COPY).

The authoritative reference and input builder live on the scoring server;
editing this copy changes nothing except your own understanding.
"""

import jax, jax.numpy as jnp
import numpy as np

N_NODES = 10000
N_EDGES = 320000
D_FEAT = 128
HIDDEN = 128
BASIS_DIM = 128
OUT_DIM = 1
WIDE = 4
DEGREE = 2
N_GRAPHS = 16


def polynomial_features(x, degree=DEGREE):
    feats = [x]
    cur = x
    for _ in range(degree):
        cur = (cur[..., :, None] * x[..., None, :]).reshape(x.shape[:-1] + (-1,))
        feats.append(cur)
    return jnp.concatenate(feats, axis=-1)


def layer_norm(x, g, b, eps=1e-5):
    mu = jnp.mean(x, axis=-1, keepdims=True)
    var = jnp.mean((x - mu) ** 2, axis=-1, keepdims=True)
    return (x - mu) / jnp.sqrt(var + eps) * g + b


def setup_inputs(seed: int = 0):
    key = jax.random.key(seed)
    ks = jax.random.split(key, 32)
    inp = {}
    inp["pos"] = jax.random.normal(ks[0], (N_NODES, 3), jnp.float32) * 3.0
    inp["x"] = jax.random.normal(ks[1], (N_NODES, D_FEAT), jnp.float32)
    inp["batch"] = jnp.sort(jax.random.randint(ks[2], (N_NODES,), 0, N_GRAPHS, dtype=jnp.int32))
    inp["edge_index"] = jax.random.randint(ks[3], (2, N_EDGES), 0, N_NODES, dtype=jnp.int32)
    poly_dim = 3  # distance invariant (dim 1) -> degree-2 polynomial features: 1 + 1 + 1

    def lin(k, fi, fo):
        return jax.random.normal(k, (fi, fo), jnp.float32) / np.sqrt(fi)

    inp["W_embed"] = lin(ks[4], D_FEAT, HIDDEN)
    inp["basis_W1"] = lin(ks[5], poly_dim, HIDDEN)
    inp["basis_b1"] = jnp.zeros((HIDDEN,), jnp.float32)
    inp["basis_W2"] = lin(ks[6], HIDDEN, BASIS_DIM)
    inp["basis_b2"] = jnp.zeros((BASIS_DIM,), jnp.float32)
    for l in range(2):
        o = 7 + l * 5
        inp[f"Wk{l}"] = lin(ks[o], BASIS_DIM, HIDDEN)
        inp[f"ln_g{l}"] = jnp.ones((HIDDEN,), jnp.float32)
        inp[f"ln_b{l}"] = jnp.zeros((HIDDEN,), jnp.float32)
        inp[f"Wm1_{l}"] = lin(ks[o + 1], HIDDEN, WIDE * HIDDEN)
        inp[f"bm1_{l}"] = jnp.zeros((WIDE * HIDDEN,), jnp.float32)
        inp[f"Wm2_{l}"] = lin(ks[o + 2], WIDE * HIDDEN, HIDDEN)
        inp[f"bm2_{l}"] = jnp.zeros((HIDDEN,), jnp.float32)
        inp[f"Wr{l}"] = lin(ks[o + 3], HIDDEN, OUT_DIM)
        inp[f"br{l}"] = jnp.zeros((OUT_DIM,), jnp.float32)
    return inp


def reference(pos, x, batch, edge_index, W_embed, basis_W1, basis_b1, basis_W2, basis_b2,
              Wk0, ln_g0, ln_b0, Wm1_0, bm1_0, Wm2_0, bm2_0, Wr0, br0,
              Wk1, ln_g1, ln_b1, Wm1_1, bm1_1, Wm2_1, bm2_1, Wr1, br1):
    src, dst = edge_index[0], edge_index[1]
    # M='R3': n=1, grid=None, separable=False. Euclidean invariant = pairwise distance.
    rel = pos[src] - pos[dst]
    dist = jnp.linalg.norm(rel, axis=-1, keepdims=True)  # [E, 1]
    edge_inv = dist[:, None, None, :]                    # [E, 1, 1, 1] (n_out=n_in=1)
    attr = polynomial_features(edge_inv)                 # [E, 1, 1, 3]
    basis = jax.nn.gelu(jax.nn.gelu(attr @ basis_W1 + basis_b1) @ basis_W2 + basis_b2)
    h = (x @ W_embed)[:, None, :]                        # [N, n=1, C]
    local_pred = 0.0
    layers = [(Wk0, ln_g0, ln_b0, Wm1_0, bm1_0, Wm2_0, bm2_0, Wr0, br0),
              (Wk1, ln_g1, ln_b1, Wm1_1, bm1_1, Wm2_1, bm2_1, Wr1, br1)]
    for Wk, g, b, Wm1, bm1, Wm2, bm2, Wr, br in layers:
        inp_h = h
        kernel = basis @ Wk                              # [E, 1, 1, C]
        msg = jnp.einsum('eoic,eic->eoc', kernel, h[src])
        agg = jax.ops.segment_sum(msg, dst, num_segments=N_NODES)  # aggr='add'
        y = layer_norm(agg, g, b)
        y = jax.nn.gelu(y @ Wm1 + bm1) @ Wm2 + bm2
        h = inp_h + y                                    # ConvNext residual
        local_pred = local_pred + (h @ Wr + br)
    node_pred = jnp.mean(local_pred, axis=1)             # mean over fiber dim (n=1)
    return jax.ops.segment_sum(node_pred, batch, num_segments=N_GRAPHS)

if __name__ == "__main__":
    import jax
    _d = setup_inputs()
    print(jax.jit(kernel)(*tuple(_d.values())))

</pallas_src>

<mosaic_0001>
#map = affine_map<(d0, d1) -> (0, 0)>
#map1 = affine_map<(d0, d1) -> (0)>
#map2 = affine_map<(d0, d1) -> (0, 0, 0)>
module attributes {stable_mosaic.version = 14 : i64} {
  func.func @_sc_edge(%arg0: i32, %arg1: i32, %arg2: memref<10000x128xf32, #tpu.memory_space<hbm>>, %arg3: memref<320512x128xf32, #tpu.memory_space<hbm>>, %arg4: memref<320000xi32, #tpu.memory_space<hbm>>, %arg5: memref<320000xi32, #tpu.memory_space<hbm>>, %arg6: memref<2x10240x128xf32, #tpu.memory_space<hbm>>, %arg7: memref<80xi32, #tpu.memory_space<vmem>>, %arg8: memref<80xi32, #tpu.memory_space<vmem>>, %arg9: memref<80xi32, #tpu.memory_space<vmem>>, %arg10: memref<80xi32, #tpu.memory_space<vmem>>, %arg11: memref<80x128xf32, #tpu.memory_space<vmem>>, %arg12: memref<80x128xf32, #tpu.memory_space<vmem>>, %arg13: memref<80x128xf32, #tpu.memory_space<vmem>>, %arg14: memref<80x128xf32, #tpu.memory_space<vmem>>, %arg15: memref<10240x128xf32, #tpu.memory_space<vmem_shared>>, %arg16: memref<!tpu.dma_semaphore, #tpu.memory_space<semaphore_mem>>, %arg17: memref<!tpu.dma_semaphore, #tpu.memory_space<semaphore_mem>>, %arg18: memref<!tpu.dma_semaphore, #tpu.memory_space<semaphore_mem>>, %arg19: memref<!tpu.dma_semaphore, #tpu.memory_space<semaphore_mem>>) attributes {dimension_semantics = [#tpu.dimension_semantics<core_parallel>, #tpu.dimension_semantics<subcore_parallel>], iteration_bounds = array<i64: 2, 16>, scalar_prefetch = 0 : i64, scratch_operands = 13 : i64, tpu.core_type = #tpu.core_type<sc_vector_subcore>, window_params = [{transform_indices = #map}, {transform_indices = #map}, {transform_indices = #map1}, {transform_indices = #map1}, {transform_indices = #map2}]} {
    %mul3A = arith.constant 2 : i32
    %mul3A_0 = arith.muli %arg1, %mul3A : i32
    %add3A = arith.addi %mul3A_0, %arg0 : i32
    %scan3A = arith.constant 0 : i32
    %scan3A_1 = arith.constant 80 : i32
    %scan3A_2 = arith.addi %scan3A, %scan3A_1 : i32
    %scan3A_3 = arith.constant 1 : i32
    scf.for %scan3A_20 = %scan3A to %scan3A_2 step %scan3A_3  : i32 {
      %mul3A_21 = arith.constant 1 : i32
      %mul3A_22 = arith.muli %scan3A_20, %mul3A_21 : i32
      %add3A_23 = arith.constant 0 : i32
      %add3A_24 = arith.addi %add3A_23, %mul3A_22 : i32
      %broadcast_in_dim3A = arith.constant 0.000000e+00 : f32
      %broadcast_in_dim3A_25 = vector.broadcast %broadcast_in_dim3A : f32 to vector<16xf32>
      %swap3A = arith.index_cast %add3A_24 : i32 to index
      %swap3A_26 = arith.constant 0 : index
      %swap3A_27 = tpu.vector_load %arg13[%swap3A, %swap3A_26] {strides = array<i32>} : memref<80x128xf32, #tpu.memory_space<vmem>>, vector<1x16xf32>,
      %swap3A_28 = vector.shape_cast %swap3A_27 : vector<1x16xf32> to vector<16xf32>
      %swap3A_29 = vector.shape_cast %broadcast_in_dim3A_25 : vector<16xf32> to vector<1x16xf32>
      tpu.vector_store %arg13[%swap3A, %swap3A_26], %swap3A_29 {strides = array<i32>} : memref<80x128xf32, #tpu.memory_space<vmem>>, vector<1x16xf32>,
      %broadcast_in_dim3A_30 = arith.constant 0.000000e+00 : f32
      %broadcast_in_dim3A_31 = vector.broadcast %broadcast_in_dim3A_30 : f32 to vector<16xf32>
      %swap3A_32 = arith.index_cast %add3A_24 : i32 to index
      %swap3A_33 = arith.constant 16 : index
      %swap3A_34 = tpu.vector_load %arg13[%swap3A_32, %swap3A_33] {strides = array<i32>} : memref<80x128xf32, #tpu.memory_space<vmem>>, vector<1x16xf32>,
      %swap3A_35 = vector.shape_cast %swap3A_34 : vector<1x16xf32> to vector<16xf32>
      %swap3A_36 = vector.shape_cast %broadcast_in_dim3A_31 : vector<16xf32> to vector<1x16xf32>
      tpu.vector_store %arg13[%swap3A_32, %swap3A_33], %swap3A_36 {strides = array<i32>} : memref<80x128xf32, #tpu.memory_space<vmem>>, vector<1x16xf32>,
      %broadcast_in_dim3A_37 = arith.constant 0.000000e+00 : f32
      %broadcast_in_dim3A_38 = vector.broadcast %broadcast_in_dim3A_37 : f32 to vector<16xf32>
      %swap3A_39 = arith.index_cast %add3A_24 : i32 to index
      %swap3A_40 = arith.constant 32 : index
      %swap3A_41 = tpu.vector_load %arg13[%swap3A_39, %swap3A_40] {strides = array<i32>} : memref<80x128xf32, #tpu.memory_space<vmem>>, vector<1x16xf32>,
      %swap3A_42 = vector.shape_cast %swap3A_41 : vector<1x16xf32> to vector<16xf32>
      %swap3A_43 = vector.shape_cast %broadcast_in_dim3A_38 : vector<16xf32> to vector<1x16xf32>
      tpu.vector_store %arg13[%swap3A_39, %swap3A_40], %swap3A_43 {strides = array<i32>} : memref<80x128xf32, #tpu.memory_space<vmem>>, vector<1x16xf32>,
      %broadcast_in_dim3A_44 = arith.constant 0.000000e+00 : f32
      %broadcast_in_dim3A_45 = vector.broadcast %broadcast_in_dim3A_44 : f32 to vector<16xf32>
      %swap3A_46 = arith.index_cast %add3A_24 : i32 to index
      %swap3A_47 = arith.constant 48 : index
      %swap3A_48 = tpu.vector_load %arg13[%swap3A_46, %swap3A_47] {strides = array<i32>} : memref<80x128xf32, #tpu.memory_space<vmem>>, vector<1x16xf32>,
      %swap3A_49 = vector.shape_cast %swap3A_48 : vector<1x16xf32> to vector<16xf32>
      %swap3A_50 = vector.shape_cast %broadcast_in_dim3A_45 : vector<16xf32> to vector<1x16xf32>
      tpu.vector_store %arg13[%swap3A_46, %swap3A_47], %swap3A_50 {strides = array<i32>} : memref<80x128xf32, #tpu.memory_space<vmem>>, vector<1x16xf32>,
      %broadcast_in_dim3A_51 = arith.constant 0.000000e+00 : f32
      %broadcast_in_dim3A_52 = vector.broadcast %broadcast_in_dim3A_51 : f32 to vector<16xf32>
      %swap3A_53 = arith.index_cast %add3A_24 : i32 to index
      %swap3A_54 = arith.constant 64 : index
      %swap3A_55 = tpu.vector_load %arg13[%swap3A_53, %swap3A_54] {strides = array<i32>} : memref<80x128xf32, #tpu.memory_space<vmem>>, vector<1x16xf32>,
      %swap3A_56 = vector.shape_cast %swap3A_55 : vector<1x16xf32> to vector<16xf32>
      %swap3A_57 = vector.shape_cast %broadcast_in_dim3A_52 : vector<16xf32> to vector<1x16xf32>
      tpu.vector_store %arg13[%swap3A_53, %swap3A_54], %swap3A_57 {strides = array<i32>} : memref<80x128xf32, #tpu.memory_space<vmem>>, vector<1x16xf32>,
      %broadcast_in_dim3A_58 = arith.constant 0.000000e+00 : f32
      %broadcast_in_dim3A_59 = vector.broadcast %broadcast_in_dim3A_58 : f32 to vector<16xf32>
      %swap3A_60 = arith.index_cast %add3A_24 : i32 to index
      %swap3A_61 = arith.constant 80 : index
      %swap3A_62 = tpu.vector_load %arg13[%swap3A_60, %swap3A_61] {strides = array<i32>} : memref<80x128xf32, #tpu.memory_space<vmem>>, vector<1x16xf32>,
      %swap3A_63 = vector.shape_cast %swap3A_62 : vector<1x16xf32> to vector<16xf32>
      %swap3A_64 = vector.shape_cast %broadcast_in_dim3A_59 : vector<16xf32> to vector<1x16xf32>
      tpu.vector_store %arg13[%swap3A_60, %swap3A_61], %swap3A_64 {strides = array<i32>} : memref<80x128xf32, #tpu.memory_space<vmem>>, vector<1x16xf32>,
      %broadcast_in_dim3A_65 = arith.constant 0.000000e+00 : f32
      %broadcast_in_dim3A_66 = vector.broadcast %broadcast_in_dim3A_65 : f32 to vector<16xf32>
      %swap3A_67 = arith.index_cast %add3A_24 : i32 to index
      %swap3A_68 = arith.constant 96 : index
      %swap3A_69 = tpu.vector_load %arg13[%swap3A_67, %swap3A_68] {strides = array<i32>} : memref<80x128xf32, #tpu.memory_space<vmem>>, vector<1x16xf32>,
      %swap3A_70 = vector.shape_cast %swap3A_69 : vector<1x16xf32> to vector<16xf32>
      %swap3A_71 = vector.shape_cast %broadcast_in_dim3A_66 : vector<16xf32> to vector<1x16xf32>
      tpu.vector_store %arg13[%swap3A_67, %swap3A_68], %swap3A_71 {strides = array<i32>} : memref<80x128xf32, #tpu.memory_space<vmem>>, vector<1x16xf32>,
      %broadcast_in_dim3A_72 = arith.constant 0.000000e+00 : f32
      %broadcast_in_dim3A_73 = vector.broadcast %broadcast_in_dim3A_72 : f32 to vector<16xf32>
      %swap3A_74 = arith.index_cast %add3A_24 : i32 to index
      %swap3A_75 = arith.constant 112 : index
      %swap3A_76 = tpu.vector_load %arg13[%swap3A_74, %swap3A_75] {strides = array<i32>} : memref<80x128xf32, #tpu.memory_space<vmem>>, vector<1x16xf32>,
      %swap3A_77 = vector.shape_cast %swap3A_76 : vector<1x16xf32> to vector<16xf32>
      %swap3A_78 = vector.shape_cast %broadcast_in_dim3A_73 : vector<16xf32> to vector<1x16xf32>
      tpu.vector_store %arg13[%swap3A_74, %swap3A_75], %swap3A_78 {strides = array<i32>} : memref<80x128xf32, #tpu.memory_space<vmem>>, vector<1x16xf32>,
    }
    %scan3A_4 = arith.constant 80 : i32
    %scan3A_5 = arith.constant 0 : i32
    %scan3A_6 = arith.constant 8 : i32
    %scan3A_7 = arith.addi %scan3A_5, %scan3A_6 : i32
    %scan3A_8 = arith.constant 1 : i32
    scf.for %scan3A_20 = %scan3A_5 to %scan3A_7 step %scan3A_8  : i32 {
      %mul3A_21 = arith.constant 1 : i32
      %mul3A_22 = arith.muli %scan3A_20, %mul3A_21 : i32
      %add3A_23 = arith.constant 0 : i32
      %add3A_24 = arith.addi %add3A_23, %mul3A_22 : i32
      %mul3A_25 = arith.constant 640 : i32
      %mul3A_26 = arith.muli %arg1, %mul3A_25 : i32
      %mul3A_27 = arith.constant 80 : i32
      %mul3A_28 = arith.muli %add3A_24, %mul3A_27 : i32
      %add3A_29 = arith.addi %mul3A_26, %mul3A_28 : i32
      "tpu.region"() ({
        %run_scoped3A = tpu.sem_alloc : memref<!tpu.dma_semaphore, #tpu.memory_space<semaphore_mem>>
        %dma_start3A = arith.constant 0 : i32
        %dma_start3A_30 = tpu.memref_slice %arg15[%add3A_29, %dma_start3A] : memref<10240x128xf32, #tpu.memory_space<vmem_shared>> -> memref<80x128xf32, #tpu.memory_space<vmem_shared>>
        %dma_start3A_31 = arith.constant 0 : i32
        %dma_start3A_32 = tpu.memref_slice %arg15[%add3A_29, %dma_start3A_31] : memref<10240x128xf32, #tpu.memory_space<vmem_shared>> -> memref<80x128xf32, #tpu.memory_space<vmem_shared>>
        tpu.enqueue_dma source(%arg13 : memref<80x128xf32, #tpu.memory_space<vmem>>) target(%dma_start3A_32 : memref<80x128xf32, #tpu.memory_space<vmem_shared>>) target_semaphore(%run_scoped3A : memref<!tpu.dma_semaphore, #tpu.memory_space<semaphore_mem>>)
        %dma_wait3A = arith.constant 0 : i32
        %dma_wait3A_33 = tpu.memref_slice %arg15[%add3A_29, %dma_wait3A] : memref<10240x128xf32, #tpu.memory_space<vmem_shared>> -> memref<80x128xf32, #tpu.memory_space<vmem_shared>>
        %dma_wait3A_34 = arith.constant 0 : i32
        %dma_wait3A_35 = tpu.memref_slice %arg15[%add3A_29, %dma_wait3A_34] : memref<10240x128xf32, #tpu.memory_space<vmem_shared>> -> memref<80x128xf32, #tpu.memory_space<vmem_shared>>
        tpu.wait_dma2 semaphore(%run_scoped3A : memref<!tpu.dma_semaphore, #tpu.memory_space<semaphore_mem>>) src(%arg13 : memref<80x128xf32, #tpu.memory_space<vmem>>) dst(%dma_wait3A_35 : memref<80x128xf32, #tpu.memory_space<vmem_shared>>)
        tpu.yield
      }) : () -> ()
    }
    %scan3A_9 = arith.constant 8 : i32
    %barrier3A = arith.constant 0 : index
    tpu.barrier barrier_id(%barrier3A)
    %scan3A_10 = arith.constant 0 : i32
    %scan3A_11 = arith.constant 63 : i32
    %scan3A_12 = arith.addi %scan3A_10, %scan3A_11 : i32
    %scan3A_13 = arith.constant 1 : i32
    scf.for %scan3A_20 = %scan3A_10 to %scan3A_12 step %scan3A_13  : i32 {
      %mul3A_21 = arith.constant 1 : i32
      %mul3A_22 = arith.muli %scan3A_20, %mul3A_21 : i32
      %add3A_23 = arith.constant 0 : i32
      %add3A_24 = arith.addi %add3A_23, %mul3A_22 : i32
      %mul3A_25 = arith.constant 2 : i32
      %mul3A_26 = arith.muli %add3A_24, %mul3A_25 : i32
      %add3A_27 = arith.constant 0 : i32
      %add3A_28 = arith.addi %mul3A_26, %add3A_27 : i32
      %lt3A = arith.constant 125 : i32
      %lt3A_29 = arith.cmpi slt, %add3A_28, %lt3A : i32
      %convert_element_type3A = arith.extui %lt3A_29 : i1 to i32
      %cond3A = arith.constant 0 : i32
      %cond3A_30 = arith.cmpi ne, %convert_element_type3A, %cond3A : i32
      scf.if %cond3A_30 {
        %mul3A_52 = arith.constant 32 : i32
        %mul3A_53 = arith.muli %add3A_28, %mul3A_52 : i32
        %add3A_54 = arith.addi %mul3A_53, %add3A : i32
        %mul3A_55 = arith.constant 80 : i32
        %mul3A_56 = arith.muli %add3A_54, %mul3A_55 : i32
        "tpu.region"() ({
          %run_scoped3A = tpu.sem_alloc : memref<!tpu.dma_semaphore, #tpu.memory_space<semaphore_mem>>
          %dma_start3A_63 = tpu.memref_slice %arg4[%mul3A_56] : memref<320000xi32, #tpu.memory_space<hbm>> -> memref<80xi32, #tpu.memory_space<hbm>>
          %dma_start3A_64 = tpu.memref_slice %arg4[%mul3A_56] : memref<320000xi32, #tpu.memory_space<hbm>> -> memref<80xi32, #tpu.memory_space<hbm>>
          tpu.enqueue_dma source(%dma_start3A_64 : memref<80xi32, #tpu.memory_space<hbm>>) target(%arg7 : memref<80xi32, #tpu.memory_space<vmem>>) target_semaphore(%run_scoped3A : memref<!tpu.dma_semaphore, #tpu.memory_space<semaphore_mem>>)
          %dma_wait3A = tpu.memref_slice %arg4[%mul3A_56] : memref<320000xi32, #tpu.memory_space<hbm>> -> memref<80xi32, #tpu.memory_space<hbm>>
          %dma_wait3A_65 = tpu.memref_slice %arg4[%mul3A_56] : memref<320000xi32, #tpu.memory_space<hbm>> -> memref<80xi32, #tpu.memory_space<hbm>>
          tpu.wait_dma2 semaphore(%run_scoped3A : memref<!tpu.dma_semaphore, #tpu.memory_space<semaphore_mem>>) src(%dma_wait3A_65 : memref<80xi32, #tpu.memory_space<hbm>>) dst(%arg7 : memref<80xi32, #tpu.memory_space<vmem>>)
          tpu.yield
        }) : () -> ()
        "tpu.region"() ({
          %run_scoped3A = tpu.sem_alloc : memref<!tpu.dma_semaphore, #tpu.memory_space<semaphore_mem>>
          %dma_start3A_63 = tpu.memref_slice %arg5[%mul3A_56] : memref<320000xi32, #tpu.memory_space<hbm>> -> memref<80xi32, #tpu.memory_space<hbm>>
          %dma_start3A_64 = tpu.memref_slice %arg5[%mul3A_56] : memref<320000xi32, #tpu.memory_space<hbm>> -> memref<80xi32, #tpu.memory_space<hbm>>
          tpu.enqueue_dma source(%dma_start3A_64 : memref<80xi32, #tpu.memory_space<hbm>>) target(%arg9 : memref<80xi32, #tpu.memory_space<vmem>>) target_semaphore(%run_scoped3A : memref<!tpu.dma_semaphore, #tpu.memory_space<semaphore_mem>>)
          %dma_wait3A = tpu.memref_slice %arg5[%mul3A_56] : memref<320000xi32, #tpu.memory_space<hbm>> -> memref<80xi32, #tpu.memory_space<hbm>>
          %dma_wait3A_65 = tpu.memref_slice %arg5[%mul3A_56] : memref<320000xi32, #tpu.memory_space<hbm>> -> memref<80xi32, #tpu.memory_space<hbm>>
          tpu.wait_dma2 semaphore(%run_scoped3A : memref<!tpu.dma_semaphore, #tpu.memory_space<semaphore_mem>>) src(%dma_wait3A_65 : memref<80xi32, #tpu.memory_space<hbm>>) dst(%arg9 : memref<80xi32, #tpu.memory_space<vmem>>)
          tpu.yield
        }) : () -> ()
        %dma_start3A = arith.constant 0 : i32
        %dma_start3A_57 = arith.constant 0 : i32
        %dma_start3A_58 = tpu.memref_slice %arg2[%dma_start3A, %dma_start3A_57] : memref<10000x128xf32, #tpu.memory_space<hbm>> -> memref<10000x128xf32, #tpu.memory_space<hbm>>
        tpu.enqueue_indirect_dma source(%dma_start3A_58 : memref<10000x128xf32, #tpu.memory_space<hbm>>) target(%arg11 : memref<80x128xf32, #tpu.memory_space<vmem>>) offsets(%arg7 : memref<80xi32, #tpu.memory_space<vmem>>) semaphore(%arg16 : memref<!tpu.dma_semaphore, #tpu.memory_space<semaphore_mem>>)
        %dma_start3A_59 = arith.constant 0 : i32
        %dma_start3A_60 = tpu.memref_slice %arg3[%mul3A_56, %dma_start3A_59] : memref<320512x128xf32, #tpu.memory_space<hbm>> -> memref<80x128xf32, #tpu.memory_space<hbm>>
        %dma_start3A_61 = arith.constant 0 : i32
        %dma_start3A_62 = tpu.memref_slice %arg3[%mul3A_56, %dma_start3A_61] : memref<320512x128xf32, #tpu.memory_space<hbm>> -> memref<80x128xf32, #tpu.memory_space<hbm>>
        tpu.enqueue_dma source(%dma_start3A_62 : memref<80x128xf32, #tpu.memory_space<hbm>>) target(%arg13 : memref<80x128xf32, #tpu.memory_space<vmem>>) target_semaphore(%arg18 : memref<!tpu.dma_semaphore, #tpu.memory_space<semaphore_mem>>)
      } else {
      }
      %sub3A = arith.constant 1 : i32
      %sub3A_31 = arith.subi %add3A_28, %sub3A : i32
      %ge3A = arith.constant 0 : i32
      %ge3A_32 = arith.cmpi sge, %sub3A_31, %ge3A : i32
      %convert_element_type3A_33 = arith.extui %ge3A_32 : i1 to i32
      %cond3A_34 = arith.constant 0 : i32
      %cond3A_35 = arith.cmpi ne, %convert_element_type3A_33, %cond3A_34 : i32
      scf.if %cond3A_35 {
        %dma_wait3A = arith.constant 0 : i32
        %dma_wait3A_52 = arith.constant 0 : i32
        %dma_wait3A_53 = tpu.memref_slice %arg2[%dma_wait3A, %dma_wait3A_52] : memref<10000x128xf32, #tpu.memory_space<hbm>> -> memref<10000x128xf32, #tpu.memory_space<hbm>>
        tpu.wait_indirect_dma semaphore(%arg17 : memref<!tpu.dma_semaphore, #tpu.memory_space<semaphore_mem>>) src(%dma_wait3A_53 : memref<10000x128xf32, #tpu.memory_space<hbm>>) dst(%arg12 : memref<80x128xf32, #tpu.memory_space<vmem>>)
        %dma_wait3A_54 = arith.constant 0 : i32
        %dma_wait3A_55 = arith.constant 0 : i32
        %dma_wait3A_56 = tpu.memref_slice %arg3[%dma_wait3A_54, %dma_wait3A_55] : memref<320512x128xf32, #tpu.memory_space<hbm>> -> memref<80x128xf32, #tpu.memory_space<hbm>>
        %dma_wait3A_57 = arith.constant 0 : i32
        %dma_wait3A_58 = arith.constant 0 : i32
        %dma_wait3A_59 = tpu.memref_slice %arg3[%dma_wait3A_57, %dma_wait3A_58] : memref<320512x128xf32, #tpu.memory_space<hbm>> -> memref<80x128xf32, #tpu.memory_space<hbm>>
        tpu.wait_dma2 semaphore(%arg19 : memref<!tpu.dma_semaphore, #tpu.memory_space<semaphore_mem>>) src(%dma_wait3A_59 : memref<80x128xf32, #tpu.memory_space<hbm>>) dst(%arg14 : memref<80x128xf32, #tpu.memory_space<vmem>>)
        %scan3A_60 = arith.constant 0 : i32
        %scan3A_61 = arith.constant 80 : i32
        %scan3A_62 = arith.addi %scan3A_60, %scan3A_61 : i32
        %scan3A_63 = arith.constant 1 : i32
        scf.for %scan3A_65 = %scan3A_60 to %scan3A_62 step %scan3A_63  : i32 {
          %mul3A_66 = arith.constant 1 : i32
          %mul3A_67 = arith.muli %scan3A_65, %mul3A_66 : i32
          %add3A_68 = arith.constant 0 : i32
          %add3A_69 = arith.addi %add3A_68, %mul3A_67 : i32
          %get3A = arith.index_cast %add3A_69 : i32 to index
          %get3A_70 = arith.constant 0 : index
          %get3A_71 = tpu.vector_load %arg14[%get3A, %get3A_70] {strides = array<i32>} : memref<80x128xf32, #tpu.memory_space<vmem>>, vector<1x16xf32>,
          %get3A_72 = vector.shape_cast %get3A_71 : vector<1x16xf32> to vector<16xf32>
          %get3A_73 = arith.index_cast %add3A_69 : i32 to index
          %get3A_74 = arith.constant 0 : index
          %get3A_75 = tpu.vector_load %arg12[%get3A_73, %get3A_74] {strides = array<i32>} : memref<80x128xf32, #tpu.memory_space<vmem>>, vector<1x16xf32>,
          %get3A_76 = vector.shape_cast %get3A_75 : vector<1x16xf32> to vector<16xf32>
          %mul3A_77 = arith.mulf %get3A_72, %get3A_76 : vector<16xf32>
          %swap3A = arith.index_cast %add3A_69 : i32 to index
          %swap3A_78 = arith.constant 0 : index
          %swap3A_79 = tpu.vector_load %arg14[%swap3A, %swap3A_78] {strides = array<i32>} : memref<80x128xf32, #tpu.memory_space<vmem>>, vector<1x16xf32>,
          %swap3A_80 = vector.shape_cast %swap3A_79 : vector<1x16xf32> to vector<16xf32>
          %swap3A_81 = vector.shape_cast %mul3A_77 : vector<16xf32> to vector<1x16xf32>
          tpu.vector_store %arg14[%swap3A, %swap3A_78], %swap3A_81 {strides = array<i32>} : memref<80x128xf32, #tpu.memory_space<vmem>>, vector<1x16xf32>,
          %get3A_82 = arith.index_cast %add3A_69 : i32 to index
          %get3A_83 = arith.constant 16 : index
          %get3A_84 = tpu.vector_load %arg14[%get3A_82, %get3A_83] {strides = array<i32>} : memref<80x128xf32, #tpu.memory_space<vmem>>, vector<1x16xf32>,
          %get3A_85 = vector.shape_cast %get3A_84 : vector<1x16xf32> to vector<16xf32>
          %get3A_86 = arith.index_cast %add3A_69 : i32 to index
          %get3A_87 = arith.constant 16 : index
          %get3A_88 = tpu.vector_load %arg12[%get3A_86, %get3A_87] {strides = array<i32>} : memref<80x128xf32, #tpu.memory_space<vmem>>, vector<1x16xf32>,
          %get3A_89 = vector.shape_cast %get3A_88 : vector<1x16xf32> to vector<16xf32>
          %mul3A_90 = arith.mulf %get3A_85, %get3A_89 : vector<16xf32>
          %swap3A_91 = arith.index_cast %add3A_69 : i32 to index
          %swap3A_92 = arith.constant 16 : index
          %swap3A_93 = tpu.vector_load %arg14[%swap3A_91, %swap3A_92] {strides = array<i32>} : memref<80x128xf32, #tpu.memory_space<vmem>>, vector<1x16xf32>,
          %swap3A_94 = vector.shape_cast %swap3A_93 : vector<1x16xf32> to vector<16xf32>
          %swap3A_95 = vector.shape_cast %mul3A_90 : vector<16xf32> to vector<1x16xf32>
          tpu.vector_store %arg14[%swap3A_91, %swap3A_92], %swap3A_95 {strides = array<i32>} : memref<80x128xf32, #tpu.memory_space<vmem>>, vector<1x16xf32>,
          %get3A_96 = arith.index_cast %add3A_69 : i32 to index
          %get3A_97 = arith.constant 32 : index
          %get3A_98 = tpu.vector_load %arg14[%get3A_96, %get3A_97] {strides = array<i32>} : memref<80x128xf32, #tpu.memory_space<vmem>>, vector<1x16xf32>,
          %get3A_99 = vector.shape_cast %get3A_98 : vector<1x16xf32> to vector<16xf32>
          %get3A_100 = arith.index_cast %add3A_69 : i32 to index
          %get3A_101 = arith.constant 32 : index
          %get3A_102 = tpu.vector_load %arg12[%get3A_100, %get3A_101] {strides = array<i32>} : memref<80x128xf32, #tpu.memory_space<vmem>>, vector<1x16xf32>,
          %get3A_103 = vector.shape_cast %get3A_102 : vector<1x16xf32> to vector<16xf32>
          %mul3A_104 = arith.mulf %get3A_99, %get3A_103 : vector<16xf32>
          %swap3A_105 = arith.index_cast %add3A_69 : i32 to index
          %swap3A_106 = arith.constant 32 : index
          %swap3A_107 = tpu.vector_load %arg14[%swap3A_105, %swap3A_106] {strides = array<i32>} : memref<80x128xf32, #tpu.memory_space<vmem>>, vector<1x16xf32>,
          %swap3A_108 = vector.shape_cast %swap3A_107 : vector<1x16xf32> to vector<16xf32>
          %swap3A_109 = vector.shape_cast %mul3A_104 : vector<16xf32> to vector<1x16xf32>
          tpu.vector_store %arg14[%swap3A_105, %swap3A_106], %swap3A_109 {strides = array<i32>} : memref<80x128xf32, #tpu.memory_space<vmem>>, vector<1x16xf32>,
          %get3A_110 = arith.index_cast %add3A_69 : i32 to index
          %get3A_111 = arith.constant 48 : index
          %get3A_112 = tpu.vector_load %arg14[%get3A_110, %get3A_111] {strides = array<i32>} : memref<80x128xf32, #tpu.memory_space<vmem>>, vector<1x16xf32>,
          %get3A_113 = vector.shape_cast %get3A_112 : vector<1x16xf32> to vector<16xf32>
          %get3A_114 = arith.index_cast %add3A_69 : i32 to index
          %get3A_115 = arith.constant 48 : index
          %get3A_116 = tpu.vector_load %arg12[%get3A_114, %get3A_115] {strides = array<i32>} : memref<80x128xf32, #tpu.memory_space<vmem>>, vector<1x16xf32>,
          %get3A_117 = vector.shape_cast %get3A_116 : vector<1x16xf32> to vector<16xf32>
          %mul3A_118 = arith.mulf %get3A_113, %get3A_117 : vector<16xf32>
          %swap3A_119 = arith.index_cast %add3A_69 : i32 to index
          %swap3A_120 = arith.constant 48 : index
          %swap3A_121 = tpu.vector_load %arg14[%swap3A_119, %swap3A_120] {strides = array<i32>} : memref<80x128xf32, #tpu.memory_space<vmem>>, vector<1x16xf32>,
          %swap3A_122 = vector.shape_cast %swap3A_121 : vector<1x16xf32> to vector<16xf32>
          %swap3A_123 = vector.shape_cast %mul3A_118 : vector<16xf32> to vector<1x16xf32>
          tpu.vector_store %arg14[%swap3A_119, %swap3A_120], %swap3A_123 {strides = array<i32>} : memref<80x128xf32, #tpu.memory_space<vmem>>, vector<1x16xf32>,
          %get3A_124 = arith.index_cast %add3A_69 : i32 to index
          %get3A_125 = arith.constant 64 : index
          %get3A_126 = tpu.vector_load %arg14[%get3A_124, %get3A_125] {strides = array<i32>} : memref<80x128xf32, #tpu.memory_space<vmem>>, vector<1x16xf32>,
          %get3A_127 = vector.shape_cast %get3A_126 : vector<1x16xf32> to vector<16xf32>
          %get3A_128 = arith.index_cast %add3A_69 : i32 to index
          %get3A_129 = arith.constant 64 : index
          %get3A_130 = tpu.vector_load %arg12[%get3A_128, %get3A_129] {strides = array<i32>} : memref<80x128xf32, #tpu.memory_space<vmem>>, vector<1x16xf32>,
          %get3A_131 = vector.shape_cast %get3A_130 : vector<1x16xf32> to vector<16xf32>
          %mul3A_132 = arith.mulf %get3A_127, %get3A_131 : vector<16xf32>
          %swap3A_133 = arith.index_cast %add3A_69 : i32 to index
          %swap3A_134 = arith.constant 64 : index
          %swap3A_135 = tpu.vector_load %arg14[%swap3A_133, %swap3A_134] {strides = array<i32>} : memref<80x128xf32, #tpu.memory_space<vmem>>, vector<1x16xf32>,
          %swap3A_136 = vector.shape_cast %swap3A_135 : vector<1x16xf32> to vector<16xf32>
          %swap3A_137 = vector.shape_cast %mul3A_132 : vector<16xf32> to vector<1x16xf32>
          tpu.vector_store %arg14[%swap3A_133, %swap3A_134], %swap3A_137 {strides = array<i32>} : memref<80x128xf32, #tpu.memory_space<vmem>>, vector<1x16xf32>,
          %get3A_138 = arith.index_cast %add3A_69 : i32 to index
          %get3A_139 = arith.constant 80 : index
          %get3A_140 = tpu.vector_load %arg14[%get3A_138, %get3A_139] {strides = array<i32>} : memref<80x128xf32, #tpu.memory_space<vmem>>, vector<1x16xf32>,
          %get3A_141 = vector.shape_cast %get3A_140 : vector<1x16xf32> to vector<16xf32>
          %get3A_142 = arith.index_cast %add3A_69 : i32 to index
          %get3A_143 = arith.constant 80 : index
          %get3A_144 = tpu.vector_load %arg12[%get3A_142, %get3A_143] {strides = array<i32>} : memref<80x128xf32, #tpu.memory_space<vmem>>, vector<1x16xf32>,
          %get3A_145 = vector.shape_cast %get3A_144 : vector<1x16xf32> to vector<16xf32>
          %mul3A_146 = arith.mulf %get3A_141, %get3A_145 : vector<16xf32>
          %swap3A_147 = arith.index_cast %add3A_69 : i32 to index
          %swap3A_148 = arith.constant 80 : index
          %swap3A_149 = tpu.vector_load %arg14[%swap3A_147, %swap3A_148] {strides = array<i32>} : memref<80x128xf32, #tpu.memory_space<vmem>>, vector<1x16xf32>,
          %swap3A_150 = vector.shape_cast %swap3A_149 : vector<1x16xf32> to vector<16xf32>
          %swap3A_151 = vector.shape_cast %mul3A_146 : vector<16xf32> to vector<1x16xf32>
          tpu.vector_store %arg14[%swap3A_147, %swap3A_148], %swap3A_151 {strides = array<i32>} : memref<80x128xf32, #tpu.memory_space<vmem>>, vector<1x16xf32>,
          %get3A_152 = arith.index_cast %add3A_69 : i32 to index
          %get3A_153 = arith.constant 96 : index
          %get3A_154 = tpu.vector_load %arg14[%get3A_152, %get3A_153] {strides = array<i32>} : memref<80x128xf32, #tpu.memory_space<vmem>>, vector<1x16xf32>,
          %get3A_155 = vector.shape_cast %get3A_154 : vector<1x16xf32> to vector<16xf32>
          %get3A_156 = arith.index_cast %add3A_69 : i32 to index
          %get3A_157 = arith.constant 96 : index
          %get3A_158 = tpu.vector_load %arg12[%get3A_156, %get3A_157] {strides = array<i32>} : memref<80x128xf32, #tpu.memory_space<vmem>>, vector<1x16xf32>,
          %get3A_159 = vector.shape_cast %get3A_158 : vector<1x16xf32> to vector<16xf32>
          %mul3A_160 = arith.mulf %get3A_155, %get3A_159 : vector<16xf32>
          %swap3A_161 = arith.index_cast %add3A_69 : i32 to index
          %swap3A_162 = arith.constant 96 : index
          %swap3A_163 = tpu.vector_load %arg14[%swap3A_161, %swap3A_162] {strides = array<i32>} : memref<80x128xf32, #tpu.memory_space<vmem>>, vector<1x16xf32>,
          %swap3A_164 = vector.shape_cast %swap3A_163 : vector<1x16xf32> to vector<16xf32>
          %swap3A_165 = vector.shape_cast %mul3A_160 : vector<16xf32> to vector<1x16xf32>
          tpu.vector_store %arg14[%swap3A_161, %swap3A_162], %swap3A_165 {strides = array<i32>} : memref<80x128xf32, #tpu.memory_space<vmem>>, vector<1x16xf32>,
          %get3A_166 = arith.index_cast %add3A_69 : i32 to index
          %get3A_167 = arith.constant 112 : index
          %get3A_168 = tpu.vector_load %arg14[%get3A_166, %get3A_167] {strides = array<i32>} : memref<80x128xf32, #tpu.memory_space<vmem>>, vector<1x16xf32>,
          %get3A_169 = vector.shape_cast %get3A_168 : vector<1x16xf32> to vector<16xf32>
          %get3A_170 = arith.index_cast %add3A_69 : i32 to index
          %get3A_171 = arith.constant 112 : index
          %get3A_172 = tpu.vector_load %arg12[%get3A_170, %get3A_171] {strides = array<i32>} : memref<80x128xf32, #tpu.memory_space<vmem>>, vector<1x16xf32>,
          %get3A_173 = vector.shape_cast %get3A_172 : vector<1x16xf32> to vector<16xf32>
          %mul3A_174 = arith.mulf %get3A_169, %get3A_173 : vector<16xf32>
          %swap3A_175 = arith.index_cast %add3A_69 : i32 to index
          %swap3A_176 = arith.constant 112 : index
          %swap3A_177 = tpu.vector_load %arg14[%swap3A_175, %swap3A_176] {strides = array<i32>} : memref<80x128xf32, #tpu.memory_space<vmem>>, vector<1x16xf32>,
          %swap3A_178 = vector.shape_cast %swap3A_177 : vector<1x16xf32> to vector<16xf32>
          %swap3A_179 = vector.shape_cast %mul3A_174 : vector<16xf32> to vector<1x16xf32>
          tpu.vector_store %arg14[%swap3A_175, %swap3A_176], %swap3A_179 {strides = array<i32>} : memref<80x128xf32, #tpu.memory_space<vmem>>, vector<1x16xf32>,
        }
        %scan3A_64 = arith.constant 80 : i32
        "tpu.region"() ({
          %run_scoped3A = tpu.sem_alloc : memref<!tpu.dma_semaphore, #tpu.memory_space<semaphore_mem>>
          %dma_start3A = arith.constant 0 : i32
          %dma_start3A_65 = arith.constant 0 : i32
          %dma_start3A_66 = tpu.memref_slice %arg15[%dma_start3A, %dma_start3A_65] : memref<10240x128xf32, #tpu.memory_space<vmem_shared>> -> memref<10240x128xf32, #tpu.memory_space<vmem_shared>>
          tpu.enqueue_indirect_dma source(%arg14 : memref<80x128xf32, #tpu.memory_space<vmem>>) target(%dma_start3A_66 : memref<10240x128xf32, #tpu.memory_space<vmem_shared>>) offsets(%arg10 : memref<80xi32, #tpu.memory_space<vmem>>) semaphore(%run_scoped3A : memref<!tpu.dma_semaphore, #tpu.memory_space<semaphore_mem>>) {add = true}
          %dma_wait3A_67 = arith.constant 0 : i32
          %dma_wait3A_68 = arith.constant 0 : i32
          %dma_wait3A_69 = tpu.memref_slice %arg15[%dma_wait3A_67, %dma_wait3A_68] : memref<10240x128xf32, #tpu.memory_space<vmem_shared>> -> memref<10240x128xf32, #tpu.memory_space<vmem_shared>>
          tpu.wait_indirect_dma semaphore(%run_scoped3A : memref<!tpu.dma_semaphore, #tpu.memory_space<semaphore_mem>>) src(%arg14 : memref<80x128xf32, #tpu.memory_space<vmem>>) dst(%dma_wait3A_69 : memref<10240x128xf32, #tpu.memory_space<vmem_shared>>)
          tpu.yield
        }) : () -> ()
      } else {
      }
      %mul3A_36 = arith.constant 2 : i32
      %mul3A_37 = arith.muli %add3A_24, %mul3A_36 : i32
      %add3A_38 = arith.constant 1 : i32
      %add3A_39 = arith.addi %mul3A_37, %add3A_38 : i32
      %lt3A_40 = arith.constant 125 : i32
      %lt3A_41 = arith.cmpi slt, %add3A_39, %lt3A_40 : i32
      %convert_element_type3A_42 = arith.extui %lt3A_41 : i1 to i32
      %cond3A_43 = arith.constant 0 : i32
      %cond3A_44 = arith.cmpi ne, %convert_element_type3A_42, %cond3A_43 : i32
      scf.if %cond3A_44 {
        %mul3A_52 = arith.constant 32 : i32
        %mul3A_53 = arith.muli %add3A_39, %mul3A_52 : i32
        %add3A_54 = arith.addi %mul3A_53, %add3A : i32
        %mul3A_55 = arith.constant 80 : i32
        %mul3A_56 = arith.muli %add3A_54, %mul3A_55 : i32
        "tpu.region"() ({
          %run_scoped3A = tpu.sem_alloc : memref<!tpu.dma_semaphore, #tpu.memory_space<semaphore_mem>>
          %dma_start3A_63 = tpu.memref_slice %arg4[%mul3A_56] : memref<320000xi32, #tpu.memory_space<hbm>> -> memref<80xi32, #tpu.memory_space<hbm>>
          %dma_start3A_64 = tpu.memref_slice %arg4[%mul3A_56] : memref<320000xi32, #tpu.memory_space<hbm>> -> memref<80xi32, #tpu.memory_space<hbm>>
          tpu.enqueue_dma source(%dma_start3A_64 : memref<80xi32, #tpu.memory_space<hbm>>) target(%arg8 : memref<80xi32, #tpu.memory_space<vmem>>) target_semaphore(%run_scoped3A : memref<!tpu.dma_semaphore, #tpu.memory_space<semaphore_mem>>)
          %dma_wait3A = tpu.memref_slice %arg4[%mul3A_56] : memref<320000xi32, #tpu.memory_space<hbm>> -> memref<80xi32, #tpu.memory_space<hbm>>
          %dma_wait3A_65 = tpu.memref_slice %arg4[%mul3A_56] : memref<320000xi32, #tpu.memory_space<hbm>> -> memref<80xi32, #tpu.memory_space<hbm>>
          tpu.wait_dma2 semaphore(%run_scoped3A : memref<!tpu.dma_semaphore, #tpu.memory_space<semaphore_mem>>) src(%dma_wait3A_65 : memref<80xi32, #tpu.memory_space<hbm>>) dst(%arg8 : memref<80xi32, #tpu.memory_space<vmem>>)
          tpu.yield
        }) : () -> ()
        "tpu.region"() ({
          %run_scoped3A = tpu.sem_alloc : memref<!tpu.dma_semaphore, #tpu.memory_space<semaphore_mem>>
          %dma_start3A_63 = tpu.memref_slice %arg5[%mul3A_56] : memref<320000xi32, #tpu.memory_space<hbm>> -> memref<80xi32, #tpu.memory_space<hbm>>
          %dma_start3A_64 = tpu.memref_slice %arg5[%mul3A_56] : memref<320000xi32, #tpu.memory_space<hbm>> -> memref<80xi32, #tpu.memory_space<hbm>>
          tpu.enqueue_dma source(%dma_start3A_64 : memref<80xi32, #tpu.memory_space<hbm>>) target(%arg10 : memref<80xi32, #tpu.memory_space<vmem>>) target_semaphore(%run_scoped3A : memref<!tpu.dma_semaphore, #tpu.memory_space<semaphore_mem>>)
          %dma_wait3A = tpu.memref_slice %arg5[%mul3A_56] : memref<320000xi32, #tpu.memory_space<hbm>> -> memref<80xi32, #tpu.memory_space<hbm>>
          %dma_wait3A_65 = tpu.memref_slice %arg5[%mul3A_56] : memref<320000xi32, #tpu.memory_space<hbm>> -> memref<80xi32, #tpu.memory_space<hbm>>
          tpu.wait_dma2 semaphore(%run_scoped3A : memref<!tpu.dma_semaphore, #tpu.memory_space<semaphore_mem>>) src(%dma_wait3A_65 : memref<80xi32, #tpu.memory_space<hbm>>) dst(%arg10 : memref<80xi32, #tpu.memory_space<vmem>>)
          tpu.yield
        }) : () -> ()
        %dma_start3A = arith.constant 0 : i32
        %dma_start3A_57 = arith.constant 0 : i32
        %dma_start3A_58 = tpu.memref_slice %arg2[%dma_start3A, %dma_start3A_57] : memref<10000x128xf32, #tpu.memory_space<hbm>> -> memref<10000x128xf32, #tpu.memory_space<hbm>>
        tpu.enqueue_indirect_dma source(%dma_start3A_58 : memref<10000x128xf32, #tpu.memory_space<hbm>>) target(%arg12 : memref<80x128xf32, #tpu.memory_space<vmem>>) offsets(%arg8 : memref<80xi32, #tpu.memory_space<vmem>>) semaphore(%arg17 : memref<!tpu.dma_semaphore, #tpu.memory_space<semaphore_mem>>)
        %dma_start3A_59 = arith.constant 0 : i32
        %dma_start3A_60 = tpu.memref_slice %arg3[%mul3A_56, %dma_start3A_59] : memref<320512x128xf32, #tpu.memory_space<hbm>> -> memref<80x128xf32, #tpu.memory_space<hbm>>
        %dma_start3A_61 = arith.constant 0 : i32
        %dma_start3A_62 = tpu.memref_slice %arg3[%mul3A_56, %dma_start3A_61] : memref<320512x128xf32, #tpu.memory_space<hbm>> -> memref<80x128xf32, #tpu.memory_space<hbm>>
        tpu.enqueue_dma source(%dma_start3A_62 : memref<80x128xf32, #tpu.memory_space<hbm>>) target(%arg14 : memref<80x128xf32, #tpu.memory_space<vmem>>) target_semaphore(%arg19 : memref<!tpu.dma_semaphore, #tpu.memory_space<semaphore_mem>>)
      } else {
      }
      %sub3A_45 = arith.constant 1 : i32
      %sub3A_46 = arith.subi %add3A_39, %sub3A_45 : i32
      %ge3A_47 = arith.constant 0 : i32
      %ge3A_48 = arith.cmpi sge, %sub3A_46, %ge3A_47 : i32
      %convert_element_type3A_49 = arith.extui %ge3A_48 : i1 to i32
      %cond3A_50 = arith.constant 0 : i32
      %cond3A_51 = arith.cmpi ne, %convert_element_type3A_49, %cond3A_50 : i32
      scf.if %cond3A_51 {
        %dma_wait3A = arith.constant 0 : i32
        %dma_wait3A_52 = arith.constant 0 : i32
        %dma_wait3A_53 = tpu.memref_slice %arg2[%dma_wait3A, %dma_wait3A_52] : memref<10000x128xf32, #tpu.memory_space<hbm>> -> memref<10000x128xf32, #tpu.memory_space<hbm>>
        tpu.wait_indirect_dma semaphore(%arg16 : memref<!tpu.dma_semaphore, #tpu.memory_space<semaphore_mem>>) src(%dma_wait3A_53 : memref<10000x128xf32, #tpu.memory_space<hbm>>) dst(%arg11 : memref<80x128xf32, #tpu.memory_space<vmem>>)
        %dma_wait3A_54 = arith.constant 0 : i32
        %dma_wait3A_55 = arith.constant 0 : i32
        %dma_wait3A_56 = tpu.memref_slice %arg3[%dma_wait3A_54, %dma_wait3A_55] : memref<320512x128xf32, #tpu.memory_space<hbm>> -> memref<80x128xf32, #tpu.memory_space<hbm>>
        %dma_wait3A_57 = arith.constant 0 : i32
        %dma_wait3A_58 = arith.constant 0 : i32
        %dma_wait3A_59 = tpu.memref_slice %arg3[%dma_wait3A_57, %dma_wait3A_58] : memref<320512x128xf32, #tpu.memory_space<hbm>> -> memref<80x128xf32, #tpu.memory_space<hbm>>
        tpu.wait_dma2 semaphore(%arg18 : memref<!tpu.dma_semaphore, #tpu.memory_space<semaphore_mem>>) src(%dma_wait3A_59 : memref<80x128xf32, #tpu.memory_space<hbm>>) dst(%arg13 : memref<80x128xf32, #tpu.memory_space<vmem>>)
        %scan3A_60 = arith.constant 0 : i32
        %scan3A_61 = arith.constant 80 : i32
        %scan3A_62 = arith.addi %scan3A_60, %scan3A_61 : i32
        %scan3A_63 = arith.constant 1 : i32
        scf.for %scan3A_65 = %scan3A_60 to %scan3A_62 step %scan3A_63  : i32 {
          %mul3A_66 = arith.constant 1 : i32
          %mul3A_67 = arith.muli %scan3A_65, %mul3A_66 : i32
          %add3A_68 = arith.constant 0 : i32
          %add3A_69 = arith.addi %add3A_68, %mul3A_67 : i32
          %get3A = arith.index_cast %add3A_69 : i32 to index
          %get3A_70 = arith.constant 0 : index
          %get3A_71 = tpu.vector_load %arg13[%get3A, %get3A_70] {strides = array<i32>} : memref<80x128xf32, #tpu.memory_space<vmem>>, vector<1x16xf32>,
          %get3A_72 = vector.shape_cast %get3A_71 : vector<1x16xf32> to vector<16xf32>
          %get3A_73 = arith.index_cast %add3A_69 : i32 to index
          %get3A_74 = arith.constant 0 : index
          %get3A_75 = tpu.vector_load %arg11[%get3A_73, %get3A_74] {strides = array<i32>} : memref<80x128xf32, #tpu.memory_space<vmem>>, vector<1x16xf32>,
          %get3A_76 = vector.shape_cast %get3A_75 : vector<1x16xf32> to vector<16xf32>
          %mul3A_77 = arith.mulf %get3A_72, %get3A_76 : vector<16xf32>
          %swap3A = arith.index_cast %add3A_69 : i32 to index
          %swap3A_78 = arith.constant 0 : index
          %swap3A_79 = tpu.vector_load %arg13[%swap3A, %swap3A_78] {strides = array<i32>} : memref<80x128xf32, #tpu.memory_space<vmem>>, vector<1x16xf32>,
          %swap3A_80 = vector.shape_cast %swap3A_79 : vector<1x16xf32> to vector<16xf32>
          %swap3A_81 = vector.shape_cast %mul3A_77 : vector<16xf32> to vector<1x16xf32>
          tpu.vector_store %arg13[%swap3A, %swap3A_78], %swap3A_81 {strides = array<i32>} : memref<80x128xf32, #tpu.memory_space<vmem>>, vector<1x16xf32>,
          %get3A_82 = arith.index_cast %add3A_69 : i32 to index
          %get3A_83 = arith.constant 16 : index
          %get3A_84 = tpu.vector_load %arg13[%get3A_82, %get3A_83] {strides = array<i32>} : memref<80x128xf32, #tpu.memory_space<vmem>>, vector<1x16xf32>,
          %get3A_85 = vector.shape_cast %get3A_84 : vector<1x16xf32> to vector<16xf32>
          %get3A_86 = arith.index_cast %add3A_69 : i32 to index
          %get3A_87 = arith.constant 16 : index
          %get3A_88 = tpu.vector_load %arg11[%get3A_86, %get3A_87] {strides = array<i32>} : memref<80x128xf32, #tpu.memory_space<vmem>>, vector<1x16xf32>,
          %get3A_89 = vector.shape_cast %get3A_88 : vector<1x16xf32> to vector<16xf32>
          %mul3A_90 = arith.mulf %get3A_85, %get3A_89 : vector<16xf32>
          %swap3A_91 = arith.index_cast %add3A_69 : i32 to index
          %swap3A_92 = arith.constant 16 : index
          %swap3A_93 = tpu.vector_load %arg13[%swap3A_91, %swap3A_92] {strides = array<i32>} : memref<80x128xf32, #tpu.memory_space<vmem>>, vector<1x16xf32>,
          %swap3A_94 = vector.shape_cast %swap3A_93 : vector<1x16xf32> to vector<16xf32>
          %swap3A_95 = vector.shape_cast %mul3A_90 : vector<16xf32> to vector<1x16xf32>
          tpu.vector_store %arg13[%swap3A_91, %swap3A_92], %swap3A_95 {strides = array<i32>} : memref<80x128xf32, #tpu.memory_space<vmem>>, vector<1x16xf32>,
          %get3A_96 = arith.index_cast %add3A_69 : i32 to index
          %get3A_97 = arith.constant 32 : index
          %get3A_98 = tpu.vector_load %arg13[%get3A_96, %get3A_97] {strides = array<i32>} : memref<80x128xf32, #tpu.memory_space<vmem>>, vector<1x16xf32>,
          %get3A_99 = vector.shape_cast %get3A_98 : vector<1x16xf32> to vector<16xf32>
          %get3A_100 = arith.index_cast %add3A_69 : i32 to index
          %get3A_101 = arith.constant 32 : index
          %get3A_102 = tpu.vector_load %arg11[%get3A_100, %get3A_101] {strides = array<i32>} : memref<80x128xf32, #tpu.memory_space<vmem>>, vector<1x16xf32>,
          %get3A_103 = vector.shape_cast %get3A_102 : vector<1x16xf32> to vector<16xf32>
          %mul3A_104 = arith.mulf %get3A_99, %get3A_103 : vector<16xf32>
          %swap3A_105 = arith.index_cast %add3A_69 : i32 to index
          %swap3A_106 = arith.constant 32 : index
          %swap3A_107 = tpu.vector_load %arg13[%swap3A_105, %swap3A_106] {strides = array<i32>} : memref<80x128xf32, #tpu.memory_space<vmem>>, vector<1x16xf32>,
          %swap3A_108 = vector.shape_cast %swap3A_107 : vector<1x16xf32> to vector<16xf32>
          %swap3A_109 = vector.shape_cast %mul3A_104 : vector<16xf32> to vector<1x16xf32>
          tpu.vector_store %arg13[%swap3A_105, %swap3A_106], %swap3A_109 {strides = array<i32>} : memref<80x128xf32, #tpu.memory_space<vmem>>, vector<1x16xf32>,
          %get3A_110 = arith.index_cast %add3A_69 : i32 to index
          %get3A_111 = arith.constant 48 : index
          %get3A_112 = tpu.vector_load %arg13[%get3A_110, %get3A_111] {strides = array<i32>} : memref<80x128xf32, #tpu.memory_space<vmem>>, vector<1x16xf32>,
          %get3A_113 = vector.shape_cast %get3A_112 : vector<1x16xf32> to vector<16xf32>
          %get3A_114 = arith.index_cast %add3A_69 : i32 to index
          %get3A_115 = arith.constant 48 : index
          %get3A_116 = tpu.vector_load %arg11[%get3A_114, %get3A_115] {strides = array<i32>} : memref<80x128xf32, #tpu.memory_space<vmem>>, vector<1x16xf32>,
          %get3A_117 = vector.shape_cast %get3A_116 : vector<1x16xf32> to vector<16xf32>
          %mul3A_118 = arith.mulf %get3A_113, %get3A_117 : vector<16xf32>
          %swap3A_119 = arith.index_cast %add3A_69 : i32 to index
          %swap3A_120 = arith.constant 48 : index
          %swap3A_121 = tpu.vector_load %arg13[%swap3A_119, %swap3A_120] {strides = array<i32>} : memref<80x128xf32, #tpu.memory_space<vmem>>, vector<1x16xf32>,
          %swap3A_122 = vector.shape_cast %swap3A_121 : vector<1x16xf32> to vector<16xf32>
          %swap3A_123 = vector.shape_cast %mul3A_118 : vector<16xf32> to vector<1x16xf32>
          tpu.vector_store %arg13[%swap3A_119, %swap3A_120], %swap3A_123 {strides = array<i32>} : memref<80x128xf32, #tpu.memory_space<vmem>>, vector<1x16xf32>,
          %get3A_124 = arith.index_cast %add3A_69 : i32 to index
          %get3A_125 = arith.constant 64 : index
          %get3A_126 = tpu.vector_load %arg13[%get3A_124, %get3A_125] {strides = array<i32>} : memref<80x128xf32, #tpu.memory_space<vmem>>, vector<1x16xf32>,
          %get3A_127 = vector.shape_cast %get3A_126 : vector<1x16xf32> to vector<16xf32>
          %get3A_128 = arith.index_cast %add3A_69 : i32 to index
          %get3A_129 = arith.constant 64 : index
          %get3A_130 = tpu.vector_load %arg11[%get3A_128, %get3A_129] {strides = array<i32>} : memref<80x128xf32, #tpu.memory_space<vmem>>, vector<1x16xf32>,
          %get3A_131 = vector.shape_cast %get3A_130 : vector<1x16xf32> to vector<16xf32>
          %mul3A_132 = arith.mulf %get3A_127, %get3A_131 : vector<16xf32>
          %swap3A_133 = arith.index_cast %add3A_69 : i32 to index
          %swap3A_134 = arith.constant 64 : index
          %swap3A_135 = tpu.vector_load %arg13[%swap3A_133, %swap3A_134] {strides = array<i32>} : memref<80x128xf32, #tpu.memory_space<vmem>>, vector<1x16xf32>,
          %swap3A_136 = vector.shape_cast %swap3A_135 : vector<1x16xf32> to vector<16xf32>
          %swap3A_137 = vector.shape_cast %mul3A_132 : vector<16xf32> to vector<1x16xf32>
          tpu.vector_store %arg13[%swap3A_133, %swap3A_134], %swap3A_137 {strides = array<i32>} : memref<80x128xf32, #tpu.memory_space<vmem>>, vector<1x16xf32>,
          %get3A_138 = arith.index_cast %add3A_69 : i32 to index
          %get3A_139 = arith.constant 80 : index
          %get3A_140 = tpu.vector_load %arg13[%get3A_138, %get3A_139] {strides = array<i32>} : memref<80x128xf32, #tpu.memory_space<vmem>>, vector<1x16xf32>,
          %get3A_141 = vector.shape_cast %get3A_140 : vector<1x16xf32> to vector<16xf32>
          %get3A_142 = arith.index_cast %add3A_69 : i32 to index
          %get3A_143 = arith.constant 80 : index
          %get3A_144 = tpu.vector_load %arg11[%get3A_142, %get3A_143] {strides = array<i32>} : memref<80x128xf32, #tpu.memory_space<vmem>>, vector<1x16xf32>,
          %get3A_145 = vector.shape_cast %get3A_144 : vector<1x16xf32> to vector<16xf32>
          %mul3A_146 = arith.mulf %get3A_141, %get3A_145 : vector<16xf32>
          %swap3A_147 = arith.index_cast %add3A_69 : i32 to index
          %swap3A_148 = arith.constant 80 : index
          %swap3A_149 = tpu.vector_load %arg13[%swap3A_147, %swap3A_148] {strides = array<i32>} : memref<80x128xf32, #tpu.memory_space<vmem>>, vector<1x16xf32>,
          %swap3A_150 = vector.shape_cast %swap3A_149 : vector<1x16xf32> to vector<16xf32>
          %swap3A_151 = vector.shape_cast %mul3A_146 : vector<16xf32> to vector<1x16xf32>
          tpu.vector_store %arg13[%swap3A_147, %swap3A_148], %swap3A_151 {strides = array<i32>} : memref<80x128xf32, #tpu.memory_space<vmem>>, vector<1x16xf32>,
          %get3A_152 = arith.index_cast %add3A_69 : i32 to index
          %get3A_153 = arith.constant 96 : index
          %get3A_154 = tpu.vector_load %arg13[%get3A_152, %get3A_153] {strides = array<i32>} : memref<80x128xf32, #tpu.memory_space<vmem>>, vector<1x16xf32>,
          %get3A_155 = vector.shape_cast %get3A_154 : vector<1x16xf32> to vector<16xf32>
          %get3A_156 = arith.index_cast %add3A_69 : i32 to index
          %get3A_157 = arith.constant 96 : index
          %get3A_158 = tpu.vector_load %arg11[%get3A_156, %get3A_157] {strides = array<i32>} : memref<80x128xf32, #tpu.memory_space<vmem>>, vector<1x16xf32>,
          %get3A_159 = vector.shape_cast %get3A_158 : vector<1x16xf32> to vector<16xf32>
          %mul3A_160 = arith.mulf %get3A_155, %get3A_159 : vector<16xf32>
          %swap3A_161 = arith.index_cast %add3A_69 : i32 to index
          %swap3A_162 = arith.constant 96 : index
          %swap3A_163 = tpu.vector_load %arg13[%swap3A_161, %swap3A_162] {strides = array<i32>} : memref<80x128xf32, #tpu.memory_space<vmem>>, vector<1x16xf32>,
          %swap3A_164 = vector.shape_cast %swap3A_163 : vector<1x16xf32> to vector<16xf32>
          %swap3A_165 = vector.shape_cast %mul3A_160 : vector<16xf32> to vector<1x16xf32>
          tpu.vector_store %arg13[%swap3A_161, %swap3A_162], %swap3A_165 {strides = array<i32>} : memref<80x128xf32, #tpu.memory_space<vmem>>, vector<1x16xf32>,
          %get3A_166 = arith.index_cast %add3A_69 : i32 to index
          %get3A_167 = arith.constant 112 : index
          %get3A_168 = tpu.vector_load %arg13[%get3A_166, %get3A_167] {strides = array<i32>} : memref<80x128xf32, #tpu.memory_space<vmem>>, vector<1x16xf32>,
          %get3A_169 = vector.shape_cast %get3A_168 : vector<1x16xf32> to vector<16xf32>
          %get3A_170 = arith.index_cast %add3A_69 : i32 to index
          %get3A_171 = arith.constant 112 : index
          %get3A_172 = tpu.vector_load %arg11[%get3A_170, %get3A_171] {strides = array<i32>} : memref<80x128xf32, #tpu.memory_space<vmem>>, vector<1x16xf32>,
          %get3A_173 = vector.shape_cast %get3A_172 : vector<1x16xf32> to vector<16xf32>
          %mul3A_174 = arith.mulf %get3A_169, %get3A_173 : vector<16xf32>
          %swap3A_175 = arith.index_cast %add3A_69 : i32 to index
          %swap3A_176 = arith.constant 112 : index
          %swap3A_177 = tpu.vector_load %arg13[%swap3A_175, %swap3A_176] {strides = array<i32>} : memref<80x128xf32, #tpu.memory_space<vmem>>, vector<1x16xf32>,
          %swap3A_178 = vector.shape_cast %swap3A_177 : vector<1x16xf32> to vector<16xf32>
          %swap3A_179 = vector.shape_cast %mul3A_174 : vector<16xf32> to vector<1x16xf32>
          tpu.vector_store %arg13[%swap3A_175, %swap3A_176], %swap3A_179 {strides = array<i32>} : memref<80x128xf32, #tpu.memory_space<vmem>>, vector<1x16xf32>,
        }
        %scan3A_64 = arith.constant 80 : i32
        "tpu.region"() ({
          %run_scoped3A = tpu.sem_alloc : memref<!tpu.dma_semaphore, #tpu.memory_space<semaphore_mem>>
          %dma_start3A = arith.constant 0 : i32
          %dma_start3A_65 = arith.constant 0 : i32
          %dma_start3A_66 = tpu.memref_slice %arg15[%dma_start3A, %dma_start3A_65] : memref<10240x128xf32, #tpu.memory_space<vmem_shared>> -> memref<10240x128xf32, #tpu.memory_space<vmem_shared>>
          tpu.enqueue_indirect_dma source(%arg13 : memref<80x128xf32, #tpu.memory_space<vmem>>) target(%dma_start3A_66 : memref<10240x128xf32, #tpu.memory_space<vmem_shared>>) offsets(%arg9 : memref<80xi32, #tpu.memory_space<vmem>>) semaphore(%run_scoped3A : memref<!tpu.dma_semaphore, #tpu.memory_space<semaphore_mem>>) {add = true}
          %dma_wait3A_67 = arith.constant 0 : i32
          %dma_wait3A_68 = arith.constant 0 : i32
          %dma_wait3A_69 = tpu.memref_slice %arg15[%dma_wait3A_67, %dma_wait3A_68] : memref<10240x128xf32, #tpu.memory_space<vmem_shared>> -> memref<10240x128xf32, #tpu.memory_space<vmem_shared>>
          tpu.wait_indirect_dma semaphore(%run_scoped3A : memref<!tpu.dma_semaphore, #tpu.memory_space<semaphore_mem>>) src(%arg13 : memref<80x128xf32, #tpu.memory_space<vmem>>) dst(%dma_wait3A_69 : memref<10240x128xf32, #tpu.memory_space<vmem_shared>>)
          tpu.yield
        }) : () -> ()
      } else {
      }
    }
    %scan3A_14 = arith.constant 63 : i32
    %barrier3A_15 = arith.constant 0 : index
    tpu.barrier barrier_id(%barrier3A_15)
    %mul3A_16 = arith.constant 640 : i32
    %mul3A_17 = arith.muli %arg1, %mul3A_16 : i32
    %mul3A_18 = arith.constant 640 : i32
    %mul3A_19 = arith.muli %arg1, %mul3A_18 : i32
    "tpu.region"() ({
      %run_scoped3A = tpu.sem_alloc : memref<!tpu.dma_semaphore, #tpu.memory_space<semaphore_mem>>
      %dma_start3A = arith.constant 0 : i32
      %dma_start3A_20 = tpu.memref_slice %arg6[%arg0, %mul3A_19, %dma_start3A] : memref<2x10240x128xf32, #tpu.memory_space<hbm>> -> memref<1x640x128xf32, #tpu.memory_space<hbm>>
      %dma_start3A_21 = tpu.memref_squeeze %dma_start3A_20 : memref<1x640x128xf32, #tpu.memory_space<hbm>> -> memref<640x128xf32, #tpu.memory_space<hbm>>
      %dma_start3A_22 = arith.constant 0 : i32
      %dma_start3A_23 = tpu.memref_slice %arg15[%mul3A_17, %dma_start3A_22] : memref<10240x128xf32, #tpu.memory_space<vmem_shared>> -> memref<640x128xf32, #tpu.memory_space<vmem_shared>>
      tpu.enqueue_dma source(%dma_start3A_23 : memref<640x128xf32, #tpu.memory_space<vmem_shared>>) target(%dma_start3A_21 : memref<640x128xf32, #tpu.memory_space<hbm>>) target_semaphore(%run_scoped3A : memref<!tpu.dma_semaphore, #tpu.memory_space<semaphore_mem>>)
      %dma_wait3A = arith.constant 0 : i32
      %dma_wait3A_24 = tpu.memref_slice %arg6[%arg0, %mul3A_19, %dma_wait3A] : memref<2x10240x128xf32, #tpu.memory_space<hbm>> -> memref<1x640x128xf32, #tpu.memory_space<hbm>>
      %dma_wait3A_25 = tpu.memref_squeeze %dma_wait3A_24 : memref<1x640x128xf32, #tpu.memory_space<hbm>> -> memref<640x128xf32, #tpu.memory_space<hbm>>
      %dma_wait3A_26 = arith.constant 0 : i32
      %dma_wait3A_27 = tpu.memref_slice %arg15[%mul3A_17, %dma_wait3A_26] : memref<10240x128xf32, #tpu.memory_space<vmem_shared>> -> memref<640x128xf32, #tpu.memory_space<vmem_shared>>
      tpu.wait_dma2 semaphore(%run_scoped3A : memref<!tpu.dma_semaphore, #tpu.memory_space<semaphore_mem>>) src(%dma_wait3A_27 : memref<640x128xf32, #tpu.memory_space<vmem_shared>>) dst(%dma_wait3A_25 : memref<640x128xf32, #tpu.memory_space<hbm>>)
      tpu.yield
    }) : () -> ()
    return
  }
}

#map = affine_map<(d0, d1) -> (0)>
module attributes {stable_mosaic.version = 14 : i64} {
  func.func @_sc_dist(%arg0: i32, %arg1: i32, %arg2: memref<10000xf32, #tpu.memory_space<hbm>>, %arg3: memref<10000xf32, #tpu.memory_space<hbm>>, %arg4: memref<10000xf32, #tpu.memory_space<hbm>>, %arg5: memref<320000xi32, #tpu.memory_space<hbm>>, %arg6: memref<320000xi32, #tpu.memory_space<hbm>>, %arg7: memref<320000xf32, #tpu.memory_space<hbm>>, %arg8: memref<10000xf32, #tpu.memory_space<vmem>>, %arg9: memref<10000xf32, #tpu.memory_space<vmem>>, %arg10: memref<10000xf32, #tpu.memory_space<vmem>>, %arg11: memref<128xi32, #tpu.memory_space<vmem>>, %arg12: memref<128xi32, #tpu.memory_space<vmem>>, %arg13: memref<128xf32, #tpu.memory_space<vmem>>) attributes {dimension_semantics = [#tpu.dimension_semantics<core_parallel>, #tpu.dimension_semantics<subcore_parallel>], iteration_bounds = array<i64: 2, 16>, scalar_prefetch = 0 : i64, scratch_operands = 6 : i64, tpu.core_type = #tpu.core_type<sc_vector_subcore>, window_params = [{transform_indices = #map}, {transform_indices = #map}, {transform_indices = #map}, {transform_indices = #map}, {transform_indices = #map}, {transform_indices = #map}]} {
    %mul3A = arith.constant 2 : i32
    %mul3A_0 = arith.muli %arg1, %mul3A : i32
    %add3A = arith.addi %mul3A_0, %arg0 : i32
    "tpu.region"() ({
      %run_scoped3A = tpu.sem_alloc : memref<!tpu.dma_semaphore, #tpu.memory_space<semaphore_mem>>
      tpu.enqueue_dma source(%arg2 : memref<10000xf32, #tpu.memory_space<hbm>>) target(%arg8 : memref<10000xf32, #tpu.memory_space<vmem>>) target_semaphore(%run_scoped3A : memref<!tpu.dma_semaphore, #tpu.memory_space<semaphore_mem>>)
      tpu.wait_dma2 semaphore(%run_scoped3A : memref<!tpu.dma_semaphore, #tpu.memory_space<semaphore_mem>>) src(%arg2 : memref<10000xf32, #tpu.memory_space<hbm>>) dst(%arg8 : memref<10000xf32, #tpu.memory_space<vmem>>)
      tpu.yield
    }) : () -> ()
    "tpu.region"() ({
      %run_scoped3A = tpu.sem_alloc : memref<!tpu.dma_semaphore, #tpu.memory_space<semaphore_mem>>
      tpu.enqueue_dma source(%arg3 : memref<10000xf32, #tpu.memory_space<hbm>>) target(%arg9 : memref<10000xf32, #tpu.memory_space<vmem>>) target_semaphore(%run_scoped3A : memref<!tpu.dma_semaphore, #tpu.memory_space<semaphore_mem>>)
      tpu.wait_dma2 semaphore(%run_scoped3A : memref<!tpu.dma_semaphore, #tpu.memory_space<semaphore_mem>>) src(%arg3 : memref<10000xf32, #tpu.memory_space<hbm>>) dst(%arg9 : memref<10000xf32, #tpu.memory_space<vmem>>)
      tpu.yield
    }) : () -> ()
    "tpu.region"() ({
      %run_scoped3A = tpu.sem_alloc : memref<!tpu.dma_semaphore, #tpu.memory_space<semaphore_mem>>
      tpu.enqueue_dma source(%arg4 : memref<10000xf32, #tpu.memory_space<hbm>>) target(%arg10 : memref<10000xf32, #tpu.memory_space<vmem>>) target_semaphore(%run_scoped3A : memref<!tpu.dma_semaphore, #tpu.memory_space<semaphore_mem>>)
      tpu.wait_dma2 semaphore(%run_scoped3A : memref<!tpu.dma_semaphore, #tpu.memory_space<semaphore_mem>>) src(%arg4 : memref<10000xf32, #tpu.memory_space<hbm>>) dst(%arg10 : memref<10000xf32, #tpu.memory_space<vmem>>)
      tpu.yield
    }) : () -> ()
    %scan3A = arith.constant 0 : i32
    %scan3A_1 = arith.constant 79 : i32
    %scan3A_2 = arith.addi %scan3A, %scan3A_1 : i32
    %scan3A_3 = arith.constant 1 : i32
    scf.for %scan3A_5 = %scan3A to %scan3A_2 step %scan3A_3  : i32 {
      %mul3A_6 = arith.constant 1 : i32
      %mul3A_7 = arith.muli %scan3A_5, %mul3A_6 : i32
      %add3A_8 = arith.constant 0 : i32
      %add3A_9 = arith.addi %add3A_8, %mul3A_7 : i32
      %mul3A_10 = arith.constant 32 : i32
      %mul3A_11 = arith.muli %add3A_9, %mul3A_10 : i32
      %add3A_12 = arith.addi %mul3A_11, %add3A : i32
      %lt3A = arith.constant 2500 : i32
      %lt3A_13 = arith.cmpi slt, %add3A_12, %lt3A : i32
      %convert_element_type3A = arith.extui %lt3A_13 : i1 to i32
      %cond3A = arith.constant 0 : i32
      %cond3A_14 = arith.cmpi ne, %convert_element_type3A, %cond3A : i32
      scf.if %cond3A_14 {
        %mul3A_15 = arith.constant 128 : i32
        %mul3A_16 = arith.muli %add3A_12, %mul3A_15 : i32
        "tpu.region"() ({
          %run_scoped3A = tpu.sem_alloc : memref<!tpu.dma_semaphore, #tpu.memory_space<semaphore_mem>>
          %dma_start3A = tpu.memref_slice %arg5[%mul3A_16] : memref<320000xi32, #tpu.memory_space<hbm>> -> memref<128xi32, #tpu.memory_space<hbm>>
          %dma_start3A_173 = tpu.memref_slice %arg5[%mul3A_16] : memref<320000xi32, #tpu.memory_space<hbm>> -> memref<128xi32, #tpu.memory_space<hbm>>
          tpu.enqueue_dma source(%dma_start3A_173 : memref<128xi32, #tpu.memory_space<hbm>>) target(%arg11 : memref<128xi32, #tpu.memory_space<vmem>>) target_semaphore(%run_scoped3A : memref<!tpu.dma_semaphore, #tpu.memory_space<semaphore_mem>>)
          %dma_wait3A = tpu.memref_slice %arg5[%mul3A_16] : memref<320000xi32, #tpu.memory_space<hbm>> -> memref<128xi32, #tpu.memory_space<hbm>>
          %dma_wait3A_174 = tpu.memref_slice %arg5[%mul3A_16] : memref<320000xi32, #tpu.memory_space<hbm>> -> memref<128xi32, #tpu.memory_space<hbm>>
          tpu.wait_dma2 semaphore(%run_scoped3A : memref<!tpu.dma_semaphore, #tpu.memory_space<semaphore_mem>>) src(%dma_wait3A_174 : memref<128xi32, #tpu.memory_space<hbm>>) dst(%arg11 : memref<128xi32, #tpu.memory_space<vmem>>)
          tpu.yield
        }) : () -> ()
        "tpu.region"() ({
          %run_scoped3A = tpu.sem_alloc : memref<!tpu.dma_semaphore, #tpu.memory_space<semaphore_mem>>
          %dma_start3A = tpu.memref_slice %arg6[%mul3A_16] : memref<320000xi32, #tpu.memory_space<hbm>> -> memref<128xi32, #tpu.memory_space<hbm>>
          %dma_start3A_173 = tpu.memref_slice %arg6[%mul3A_16] : memref<320000xi32, #tpu.memory_space<hbm>> -> memref<128xi32, #tpu.memory_space<hbm>>
          tpu.enqueue_dma source(%dma_start3A_173 : memref<128xi32, #tpu.memory_space<hbm>>) target(%arg12 : memref<128xi32, #tpu.memory_space<vmem>>) target_semaphore(%run_scoped3A : memref<!tpu.dma_semaphore, #tpu.memory_space<semaphore_mem>>)
          %dma_wait3A = tpu.memref_slice %arg6[%mul3A_16] : memref<320000xi32, #tpu.memory_space<hbm>> -> memref<128xi32, #tpu.memory_space<hbm>>
          %dma_wait3A_174 = tpu.memref_slice %arg6[%mul3A_16] : memref<320000xi32, #tpu.memory_space<hbm>> -> memref<128xi32, #tpu.memory_space<hbm>>
          tpu.wait_dma2 semaphore(%run_scoped3A : memref<!tpu.dma_semaphore, #tpu.memory_space<semaphore_mem>>) src(%dma_wait3A_174 : memref<128xi32, #tpu.memory_space<hbm>>) dst(%arg12 : memref<128xi32, #tpu.memory_space<vmem>>)
          tpu.yield
        }) : () -> ()
        %get3A = arith.constant 0 : index
        %get3A_17 = tpu.vector_load %arg11[%get3A] {strides = array<i32>} : memref<128xi32, #tpu.memory_space<vmem>>, vector<16xi32>,
        %get3A_18 = arith.constant 0 : index
        %get3A_19 = tpu.vector_load %arg12[%get3A_18] {strides = array<i32>} : memref<128xi32, #tpu.memory_space<vmem>>, vector<16xi32>,
        %gather3A = tpu.vector_load_idx %arg8[%get3A_17] : memref<10000xf32, #tpu.memory_space<vmem>>[vector<16xi32>], vector<16xf32>,
        %gather3A_20 = tpu.vector_load_idx %arg8[%get3A_19] : memref<10000xf32, #tpu.memory_space<vmem>>[vector<16xi32>], vector<16xf32>,
        %sub3A = arith.subf %gather3A, %gather3A_20 : vector<16xf32>
        %gather3A_21 = tpu.vector_load_idx %arg9[%get3A_17] : memref<10000xf32, #tpu.memory_space<vmem>>[vector<16xi32>], vector<16xf32>,
        %gather3A_22 = tpu.vector_load_idx %arg9[%get3A_19] : memref<10000xf32, #tpu.memory_space<vmem>>[vector<16xi32>], vector<16xf32>,
        %sub3A_23 = arith.subf %gather3A_21, %gather3A_22 : vector<16xf32>
        %gather3A_24 = tpu.vector_load_idx %arg10[%get3A_17] : memref<10000xf32, #tpu.memory_space<vmem>>[vector<16xi32>], vector<16xf32>,
        %gather3A_25 = tpu.vector_load_idx %arg10[%get3A_19] : memref<10000xf32, #tpu.memory_space<vmem>>[vector<16xi32>], vector<16xf32>,
        %sub3A_26 = arith.subf %gather3A_24, %gather3A_25 : vector<16xf32>
        %mul3A_27 = arith.mulf %sub3A, %sub3A : vector<16xf32>
        %mul3A_28 = arith.mulf %sub3A_23, %sub3A_23 : vector<16xf32>
        %add3A_29 = arith.addf %mul3A_27, %mul3A_28 : vector<16xf32>
        %mul3A_30 = arith.mulf %sub3A_26, %sub3A_26 : vector<16xf32>
        %add3A_31 = arith.addf %add3A_29, %mul3A_30 : vector<16xf32>
        %swap3A = arith.constant 0 : index
        %swap3A_32 = tpu.vector_load %arg13[%swap3A] {strides = array<i32>} : memref<128xf32, #tpu.memory_space<vmem>>, vector<16xf32>,
        tpu.vector_store %arg13[%swap3A], %add3A_31 {strides = array<i32>} : memref<128xf32, #tpu.memory_space<vmem>>, vector<16xf32>,
        %get3A_33 = arith.constant 16 : index
        %get3A_34 = tpu.vector_load %arg11[%get3A_33] {strides = array<i32>} : memref<128xi32, #tpu.memory_space<vmem>>, vector<16xi32>,
        %get3A_35 = arith.constant 16 : index
        %get3A_36 = tpu.vector_load %arg12[%get3A_35] {strides = array<i32>} : memref<128xi32, #tpu.memory_space<vmem>>, vector<16xi32>,
        %gather3A_37 = tpu.vector_load_idx %arg8[%get3A_34] : memref<10000xf32, #tpu.memory_space<vmem>>[vector<16xi32>], vector<16xf32>,
        %gather3A_38 = tpu.vector_load_idx %arg8[%get3A_36] : memref<10000xf32, #tpu.memory_space<vmem>>[vector<16xi32>], vector<16xf32>,
        %sub3A_39 = arith.subf %gather3A_37, %gather3A_38 : vector<16xf32>
        %gather3A_40 = tpu.vector_load_idx %arg9[%get3A_34] : memref<10000xf32, #tpu.memory_space<vmem>>[vector<16xi32>], vector<16xf32>,
        %gather3A_41 = tpu.vector_load_idx %arg9[%get3A_36] : memref<10000xf32, #tpu.memory_space<vmem>>[vector<16xi32>], vector<16xf32>,
        %sub3A_42 = arith.subf %gather3A_40, %gather3A_41 : vector<16xf32>
        %gather3A_43 = tpu.vector_load_idx %arg10[%get3A_34] : memref<10000xf32, #tpu.memory_space<vmem>>[vector<16xi32>], vector<16xf32>,
        %gather3A_44 = tpu.vector_load_idx %arg10[%get3A_36] : memref<10000xf32, #tpu.memory_space<vmem>>[vector<16xi32>], vector<16xf32>,
        %sub3A_45 = arith.subf %gather3A_43, %gather3A_44 : vector<16xf32>
        %mul3A_46 = arith.mulf %sub3A_39, %sub3A_39 : vector<16xf32>
        %mul3A_47 = arith.mulf %sub3A_42, %sub3A_42 : vector<16xf32>
        %add3A_48 = arith.addf %mul3A_46, %mul3A_47 : vector<16xf32>
        %mul3A_49 = arith.mulf %sub3A_45, %sub3A_45 : vector<16xf32>
        %add3A_50 = arith.addf %add3A_48, %mul3A_49 : vector<16xf32>
        %swap3A_51 = arith.constant 16 : index
        %swap3A_52 = tpu.vector_load %arg13[%swap3A_51] {strides = array<i32>} : memref<128xf32, #tpu.memory_space<vmem>>, vector<16xf32>,
        tpu.vector_store %arg13[%swap3A_51], %add3A_50 {strides = array<i32>} : memref<128xf32, #tpu.memory_space<vmem>>, vector<16xf32>,
        %get3A_53 = arith.constant 32 : index
        %get3A_54 = tpu.vector_load %arg11[%get3A_53] {strides = array<i32>} : memref<128xi32, #tpu.memory_space<vmem>>, vector<16xi32>,
        %get3A_55 = arith.constant 32 : index
        %get3A_56 = tpu.vector_load %arg12[%get3A_55] {strides = array<i32>} : memref<128xi32, #tpu.memory_space<vmem>>, vector<16xi32>,
        %gather3A_57 = tpu.vector_load_idx %arg8[%get3A_54] : memref<10000xf32, #tpu.memory_space<vmem>>[vector<16xi32>], vector<16xf32>,
        %gather3A_58 = tpu.vector_load_idx %arg8[%get3A_56] : memref<10000xf32, #tpu.memory_space<vmem>>[vector<16xi32>], vector<16xf32>,
        %sub3A_59 = arith.subf %gather3A_57, %gather3A_58 : vector<16xf32>
        %gather3A_60 = tpu.vector_load_idx %arg9[%get3A_54] : memref<10000xf32, #tpu.memory_space<vmem>>[vector<16xi32>], vector<16xf32>,
        %gather3A_61 = tpu.vector_load_idx %arg9[%get3A_56] : memref<10000xf32, #tpu.memory_space<vmem>>[vector<16xi32>], vector<16xf32>,
        %sub3A_62 = arith.subf %gather3A_60, %gather3A_61 : vector<16xf32>
        %gather3A_63 = tpu.vector_load_idx %arg10[%get3A_54] : memref<10000xf32, #tpu.memory_space<vmem>>[vector<16xi32>], vector<16xf32>,
        %gather3A_64 = tpu.vector_load_idx %arg10[%get3A_56] : memref<10000xf32, #tpu.memory_space<vmem>>[vector<16xi32>], vector<16xf32>,
        %sub3A_65 = arith.subf %gather3A_63, %gather3A_64 : vector<16xf32>
        %mul3A_66 = arith.mulf %sub3A_59, %sub3A_59 : vector<16xf32>
        %mul3A_67 = arith.mulf %sub3A_62, %sub3A_62 : vector<16xf32>
        %add3A_68 = arith.addf %mul3A_66, %mul3A_67 : vector<16xf32>
        %mul3A_69 = arith.mulf %sub3A_65, %sub3A_65 : vector<16xf32>
        %add3A_70 = arith.addf %add3A_68, %mul3A_69 : vector<16xf32>
        %swap3A_71 = arith.constant 32 : index
        %swap3A_72 = tpu.vector_load %arg13[%swap3A_71] {strides = array<i32>} : memref<128xf32, #tpu.memory_space<vmem>>, vector<16xf32>,
        tpu.vector_store %arg13[%swap3A_71], %add3A_70 {strides = array<i32>} : memref<128xf32, #tpu.memory_space<vmem>>, vector<16xf32>,
        %get3A_73 = arith.constant 48 : index
        %get3A_74 = tpu.vector_load %arg11[%get3A_73] {strides = array<i32>} : memref<128xi32, #tpu.memory_space<vmem>>, vector<16xi32>,
        %get3A_75 = arith.constant 48 : index
        %get3A_76 = tpu.vector_load %arg12[%get3A_75] {strides = array<i32>} : memref<128xi32, #tpu.memory_space<vmem>>, vector<16xi32>,
        %gather3A_77 = tpu.vector_load_idx %arg8[%get3A_74] : memref<10000xf32, #tpu.memory_space<vmem>>[vector<16xi32>], vector<16xf32>,
        %gather3A_78 = tpu.vector_load_idx %arg8[%get3A_76] : memref<10000xf32, #tpu.memory_space<vmem>>[vector<16xi32>], vector<16xf32>,
        %sub3A_79 = arith.subf %gather3A_77, %gather3A_78 : vector<16xf32>
        %gather3A_80 = tpu.vector_load_idx %arg9[%get3A_74] : memref<10000xf32, #tpu.memory_space<vmem>>[vector<16xi32>], vector<16xf32>,
        %gather3A_81 = tpu.vector_load_idx %arg9[%get3A_76] : memref<10000xf32, #tpu.memory_space<vmem>>[vector<16xi32>], vector<16xf32>,
        %sub3A_82 = arith.subf %gather3A_80, %gather3A_81 : vector<16xf32>
        %gather3A_83 = tpu.vector_load_idx %arg10[%get3A_74] : memref<10000xf32, #tpu.memory_space<vmem>>[vector<16xi32>], vector<16xf32>,
        %gather3A_84 = tpu.vector_load_idx %arg10[%get3A_76] : memref<10000xf32, #tpu.memory_space<vmem>>[vector<16xi32>], vector<16xf32>,
        %sub3A_85 = arith.subf %gather3A_83, %gather3A_84 : vector<16xf32>
        %mul3A_86 = arith.mulf %sub3A_79, %sub3A_79 : vector<16xf32>
        %mul3A_87 = arith.mulf %sub3A_82, %sub3A_82 : vector<16xf32>
        %add3A_88 = arith.addf %mul3A_86, %mul3A_87 : vector<16xf32>
        %mul3A_89 = arith.mulf %sub3A_85, %sub3A_85 : vector<16xf32>
        %add3A_90 = arith.addf %add3A_88, %mul3A_89 : vector<16xf32>
        %swap3A_91 = arith.constant 48 : index
        %swap3A_92 = tpu.vector_load %arg13[%swap3A_91] {strides = array<i32>} : memref<128xf32, #tpu.memory_space<vmem>>, vector<16xf32>,
        tpu.vector_store %arg13[%swap3A_91], %add3A_90 {strides = array<i32>} : memref<128xf32, #tpu.memory_space<vmem>>, vector<16xf32>,
        %get3A_93 = arith.constant 64 : index
        %get3A_94 = tpu.vector_load %arg11[%get3A_93] {strides = array<i32>} : memref<128xi32, #tpu.memory_space<vmem>>, vector<16xi32>,
        %get3A_95 = arith.constant 64 : index
        %get3A_96 = tpu.vector_load %arg12[%get3A_95] {strides = array<i32>} : memref<128xi32, #tpu.memory_space<vmem>>, vector<16xi32>,
        %gather3A_97 = tpu.vector_load_idx %arg8[%get3A_94] : memref<10000xf32, #tpu.memory_space<vmem>>[vector<16xi32>], vector<16xf32>,
        %gather3A_98 = tpu.vector_load_idx %arg8[%get3A_96] : memref<10000xf32, #tpu.memory_space<vmem>>[vector<16xi32>], vector<16xf32>,
        %sub3A_99 = arith.subf %gather3A_97, %gather3A_98 : vector<16xf32>
        %gather3A_100 = tpu.vector_load_idx %arg9[%get3A_94] : memref<10000xf32, #tpu.memory_space<vmem>>[vector<16xi32>], vector<16xf32>,
        %gather3A_101 = tpu.vector_load_idx %arg9[%get3A_96] : memref<10000xf32, #tpu.memory_space<vmem>>[vector<16xi32>], vector<16xf32>,
        %sub3A_102 = arith.subf %gather3A_100, %gather3A_101 : vector<16xf32>
        %gather3A_103 = tpu.vector_load_idx %arg10[%get3A_94] : memref<10000xf32, #tpu.memory_space<vmem>>[vector<16xi32>], vector<16xf32>,
        %gather3A_104 = tpu.vector_load_idx %arg10[%get3A_96] : memref<10000xf32, #tpu.memory_space<vmem>>[vector<16xi32>], vector<16xf32>,
        %sub3A_105 = arith.subf %gather3A_103, %gather3A_104 : vector<16xf32>
        %mul3A_106 = arith.mulf %sub3A_99, %sub3A_99 : vector<16xf32>
        %mul3A_107 = arith.mulf %sub3A_102, %sub3A_102 : vector<16xf32>
        %add3A_108 = arith.addf %mul3A_106, %mul3A_107 : vector<16xf32>
        %mul3A_109 = arith.mulf %sub3A_105, %sub3A_105 : vector<16xf32>
        %add3A_110 = arith.addf %add3A_108, %mul3A_109 : vector<16xf32>
        %swap3A_111 = arith.constant 64 : index
        %swap3A_112 = tpu.vector_load %arg13[%swap3A_111] {strides = array<i32>} : memref<128xf32, #tpu.memory_space<vmem>>, vector<16xf32>,
        tpu.vector_store %arg13[%swap3A_111], %add3A_110 {strides = array<i32>} : memref<128xf32, #tpu.memory_space<vmem>>, vector<16xf32>,
        %get3A_113 = arith.constant 80 : index
        %get3A_114 = tpu.vector_load %arg11[%get3A_113] {strides = array<i32>} : memref<128xi32, #tpu.memory_space<vmem>>, vector<16xi32>,
        %get3A_115 = arith.constant 80 : index
        %get3A_116 = tpu.vector_load %arg12[%get3A_115] {strides = array<i32>} : memref<128xi32, #tpu.memory_space<vmem>>, vector<16xi32>,
        %gather3A_117 = tpu.vector_load_idx %arg8[%get3A_114] : memref<10000xf32, #tpu.memory_space<vmem>>[vector<16xi32>], vector<16xf32>,
        %gather3A_118 = tpu.vector_load_idx %arg8[%get3A_116] : memref<10000xf32, #tpu.memory_space<vmem>>[vector<16xi32>], vector<16xf32>,
        %sub3A_119 = arith.subf %gather3A_117, %gather3A_118 : vector<16xf32>
        %gather3A_120 = tpu.vector_load_idx %arg9[%get3A_114] : memref<10000xf32, #tpu.memory_space<vmem>>[vector<16xi32>], vector<16xf32>,
        %gather3A_121 = tpu.vector_load_idx %arg9[%get3A_116] : memref<10000xf32, #tpu.memory_space<vmem>>[vector<16xi32>], vector<16xf32>,
        %sub3A_122 = arith.subf %gather3A_120, %gather3A_121 : vector<16xf32>
        %gather3A_123 = tpu.vector_load_idx %arg10[%get3A_114] : memref<10000xf32, #tpu.memory_space<vmem>>[vector<16xi32>], vector<16xf32>,
        %gather3A_124 = tpu.vector_load_idx %arg10[%get3A_116] : memref<10000xf32, #tpu.memory_space<vmem>>[vector<16xi32>], vector<16xf32>,
        %sub3A_125 = arith.subf %gather3A_123, %gather3A_124 : vector<16xf32>
        %mul3A_126 = arith.mulf %sub3A_119, %sub3A_119 : vector<16xf32>
        %mul3A_127 = arith.mulf %sub3A_122, %sub3A_122 : vector<16xf32>
        %add3A_128 = arith.addf %mul3A_126, %mul3A_127 : vector<16xf32>
        %mul3A_129 = arith.mulf %sub3A_125, %sub3A_125 : vector<16xf32>
        %add3A_130 = arith.addf %add3A_128, %mul3A_129 : vector<16xf32>
        %swap3A_131 = arith.constant 80 : index
        %swap3A_132 = tpu.vector_load %arg13[%swap3A_131] {strides = array<i32>} : memref<128xf32, #tpu.memory_space<vmem>>, vector<16xf32>,
        tpu.vector_store %arg13[%swap3A_131], %add3A_130 {strides = array<i32>} : memref<128xf32, #tpu.memory_space<vmem>>, vector<16xf32>,
        %get3A_133 = arith.constant 96 : index
        %get3A_134 = tpu.vector_load %arg11[%get3A_133] {strides = array<i32>} : memref<128xi32, #tpu.memory_space<vmem>>, vector<16xi32>,
        %get3A_135 = arith.constant 96 : index
        %get3A_136 = tpu.vector_load %arg12[%get3A_135] {strides = array<i32>} : memref<128xi32, #tpu.memory_space<vmem>>, vector<16xi32>,
        %gather3A_137 = tpu.vector_load_idx %arg8[%get3A_134] : memref<10000xf32, #tpu.memory_space<vmem>>[vector<16xi32>], vector<16xf32>,
        %gather3A_138 = tpu.vector_load_idx %arg8[%get3A_136] : memref<10000xf32, #tpu.memory_space<vmem>>[vector<16xi32>], vector<16xf32>,
        %sub3A_139 = arith.subf %gather3A_137, %gather3A_138 : vector<16xf32>
        %gather3A_140 = tpu.vector_load_idx %arg9[%get3A_134] : memref<10000xf32, #tpu.memory_space<vmem>>[vector<16xi32>], vector<16xf32>,
        %gather3A_141 = tpu.vector_load_idx %arg9[%get3A_136] : memref<10000xf32, #tpu.memory_space<vmem>>[vector<16xi32>], vector<16xf32>,
        %sub3A_142 = arith.subf %gather3A_140, %gather3A_141 : vector<16xf32>
        %gather3A_143 = tpu.vector_load_idx %arg10[%get3A_134] : memref<10000xf32, #tpu.memory_space<vmem>>[vector<16xi32>], vector<16xf32>,
        %gather3A_144 = tpu.vector_load_idx %arg10[%get3A_136] : memref<10000xf32, #tpu.memory_space<vmem>>[vector<16xi32>], vector<16xf32>,
        %sub3A_145 = arith.subf %gather3A_143, %gather3A_144 : vector<16xf32>
        %mul3A_146 = arith.mulf %sub3A_139, %sub3A_139 : vector<16xf32>
        %mul3A_147 = arith.mulf %sub3A_142, %sub3A_142 : vector<16xf32>
        %add3A_148 = arith.addf %mul3A_146, %mul3A_147 : vector<16xf32>
        %mul3A_149 = arith.mulf %sub3A_145, %sub3A_145 : vector<16xf32>
        %add3A_150 = arith.addf %add3A_148, %mul3A_149 : vector<16xf32>
        %swap3A_151 = arith.constant 96 : index
        %swap3A_152 = tpu.vector_load %arg13[%swap3A_151] {strides = array<i32>} : memref<128xf32, #tpu.memory_space<vmem>>, vector<16xf32>,
        tpu.vector_store %arg13[%swap3A_151], %add3A_150 {strides = array<i32>} : memref<128xf32, #tpu.memory_space<vmem>>, vector<16xf32>,
        %get3A_153 = arith.constant 112 : index
        %get3A_154 = tpu.vector_load %arg11[%get3A_153] {strides = array<i32>} : memref<128xi32, #tpu.memory_space<vmem>>, vector<16xi32>,
        %get3A_155 = arith.constant 112 : index
        %get3A_156 = tpu.vector_load %arg12[%get3A_155] {strides = array<i32>} : memref<128xi32, #tpu.memory_space<vmem>>, vector<16xi32>,
        %gather3A_157 = tpu.vector_load_idx %arg8[%get3A_154] : memref<10000xf32, #tpu.memory_space<vmem>>[vector<16xi32>], vector<16xf32>,
        %gather3A_158 = tpu.vector_load_idx %arg8[%get3A_156] : memref<10000xf32, #tpu.memory_space<vmem>>[vector<16xi32>], vector<16xf32>,
        %sub3A_159 = arith.subf %gather3A_157, %gather3A_158 : vector<16xf32>
        %gather3A_160 = tpu.vector_load_idx %arg9[%get3A_154] : memref<10000xf32, #tpu.memory_space<vmem>>[vector<16xi32>], vector<16xf32>,
        %gather3A_161 = tpu.vector_load_idx %arg9[%get3A_156] : memref<10000xf32, #tpu.memory_space<vmem>>[vector<16xi32>], vector<16xf32>,
        %sub3A_162 = arith.subf %gather3A_160, %gather3A_161 : vector<16xf32>
        %gather3A_163 = tpu.vector_load_idx %arg10[%get3A_154] : memref<10000xf32, #tpu.memory_space<vmem>>[vector<16xi32>], vector<16xf32>,
        %gather3A_164 = tpu.vector_load_idx %arg10[%get3A_156] : memref<10000xf32, #tpu.memory_space<vmem>>[vector<16xi32>], vector<16xf32>,
        %sub3A_165 = arith.subf %gather3A_163, %gather3A_164 : vector<16xf32>
        %mul3A_166 = arith.mulf %sub3A_159, %sub3A_159 : vector<16xf32>
        %mul3A_167 = arith.mulf %sub3A_162, %sub3A_162 : vector<16xf32>
        %add3A_168 = arith.addf %mul3A_166, %mul3A_167 : vector<16xf32>
        %mul3A_169 = arith.mulf %sub3A_165, %sub3A_165 : vector<16xf32>
        %add3A_170 = arith.addf %add3A_168, %mul3A_169 : vector<16xf32>
        %swap3A_171 = arith.constant 112 : index
        %swap3A_172 = tpu.vector_load %arg13[%swap3A_171] {strides = array<i32>} : memref<128xf32, #tpu.memory_space<vmem>>, vector<16xf32>,
        tpu.vector_store %arg13[%swap3A_171], %add3A_170 {strides = array<i32>} : memref<128xf32, #tpu.memory_space<vmem>>, vector<16xf32>,
        "tpu.region"() ({
          %run_scoped3A = tpu.sem_alloc : memref<!tpu.dma_semaphore, #tpu.memory_space<semaphore_mem>>
          %dma_start3A = tpu.memref_slice %arg7[%mul3A_16] : memref<320000xf32, #tpu.memory_space<hbm>> -> memref<128xf32, #tpu.memory_space<hbm>>
          %dma_start3A_173 = tpu.memref_slice %arg7[%mul3A_16] : memref<320000xf32, #tpu.memory_space<hbm>> -> memref<128xf32, #tpu.memory_space<hbm>>
          tpu.enqueue_dma source(%arg13 : memref<128xf32, #tpu.memory_space<vmem>>) target(%dma_start3A_173 : memref<128xf32, #tpu.memory_space<hbm>>) target_semaphore(%run_scoped3A : memref<!tpu.dma_semaphore, #tpu.memory_space<semaphore_mem>>)
          %dma_wait3A = tpu.memref_slice %arg7[%mul3A_16] : memref<320000xf32, #tpu.memory_space<hbm>> -> memref<128xf32, #tpu.memory_space<hbm>>
          %dma_wait3A_174 = tpu.memref_slice %arg7[%mul3A_16] : memref<320000xf32, #tpu.memory_space<hbm>> -> memref<128xf32, #tpu.memory_space<hbm>>
          tpu.wait_dma2 semaphore(%run_scoped3A : memref<!tpu.dma_semaphore, #tpu.memory_space<semaphore_mem>>) src(%arg13 : memref<128xf32, #tpu.memory_space<vmem>>) dst(%dma_wait3A_174 : memref<128xf32, #tpu.memory_space<hbm>>)
          tpu.yield
        }) : () -> ()
      } else {
      }
    }
    %scan3A_4 = arith.constant 79 : i32
    return
  }
}

#map = affine_map<(d0, d1) -> (0, 0)>
#map1 = affine_map<(d0, d1) -> (0)>
#map2 = affine_map<(d0, d1) -> (0, 0, 0)>
module attributes {stable_mosaic.version = 14 : i64} {
  func.func @_sc_edge(%arg0: i32, %arg1: i32, %arg2: memref<10000x128xf32, #tpu.memory_space<hbm>>, %arg3: memref<320512x128xf32, #tpu.memory_space<hbm>>, %arg4: memref<320000xi32, #tpu.memory_space<hbm>>, %arg5: memref<320000xi32, #tpu.memory_space<hbm>>, %arg6: memref<2x10240x128xf32, #tpu.memory_space<hbm>>, %arg7: memref<80xi32, #tpu.memory_space<vmem>>, %arg8: memref<80xi32, #tpu.memory_space<vmem>>, %arg9: memref<80xi32, #tpu.memory_space<vmem>>, %arg10: memref<80xi32, #tpu.memory_space<vmem>>, %arg11: memref<80x128xf32, #tpu.memory_space<vmem>>, %arg12: memref<80x128xf32, #tpu.memory_space<vmem>>, %arg13: memref<80x128xf32, #tpu.memory_space<vmem>>, %arg14: memref<80x128xf32, #tpu.memory_space<vmem>>, %arg15: memref<10240x128xf32, #tpu.memory_space<vmem_shared>>, %arg16: memref<!tpu.dma_semaphore, #tpu.memory_space<semaphore_mem>>, %arg17: memref<!tpu.dma_semaphore, #tpu.memory_space<semaphore_mem>>, %arg18: memref<!tpu.dma_semaphore, #tpu.memory_space<semaphore_mem>>, %arg19: memref<!tpu.dma_semaphore, #tpu.memory_space<semaphore_mem>>) attributes {dimension_semantics = [#tpu.dimension_semantics<core_parallel>, #tpu.dimension_semantics<subcore_parallel>], iteration_bounds = array<i64: 2, 16>, scalar_prefetch = 0 : i64, scratch_operands = 13 : i64, tpu.core_type = #tpu.core_type<sc_vector_subcore>, window_params = [{transform_indices = #map}, {transform_indices = #map}, {transform_indices = #map1}, {transform_indices = #map1}, {transform_indices = #map2}]} {
    %mul3A = arith.constant 2 : i32
    %mul3A_0 = arith.muli %arg1, %mul3A : i32
    %add3A = arith.addi %mul3A_0, %arg0 : i32
    %scan3A = arith.constant 0 : i32
    %scan3A_1 = arith.constant 80 : i32
    %scan3A_2 = arith.addi %scan3A, %scan3A_1 : i32
    %scan3A_3 = arith.constant 1 : i32
    scf.for %scan3A_20 = %scan3A to %scan3A_2 step %scan3A_3  : i32 {
      %mul3A_21 = arith.constant 1 : i32
      %mul3A_22 = arith.muli %scan3A_20, %mul3A_21 : i32
      %add3A_23 = arith.constant 0 : i32
      %add3A_24 = arith.addi %add3A_23, %mul3A_22 : i32
      %broadcast_in_dim3A = arith.constant 0.000000e+00 : f32
      %broadcast_in_dim3A_25 = vector.broadcast %broadcast_in_dim3A : f32 to vector<16xf32>
      %swap3A = arith.index_cast %add3A_24 : i32 to index
      %swap3A_26 = arith.constant 0 : index
      %swap3A_27 = tpu.vector_load %arg13[%swap3A, %swap3A_26] {strides = array<i32>} : memref<80x128xf32, #tpu.memory_space<vmem>>, vector<1x16xf32>,
      %swap3A_28 = vector.shape_cast %swap3A_27 : vector<1x16xf32> to vector<16xf32>
      %swap3A_29 = vector.shape_cast %broadcast_in_dim3A_25 : vector<16xf32> to vector<1x16xf32>
      tpu.vector_store %arg13[%swap3A, %swap3A_26], %swap3A_29 {strides = array<i32>} : memref<80x128xf32, #tpu.memory_space<vmem>>, vector<1x16xf32>,
      %broadcast_in_dim3A_30 = arith.constant 0.000000e+00 : f32
      %broadcast_in_dim3A_31 = vector.broadcast %broadcast_in_dim3A_30 : f32 to vector<16xf32>
      %swap3A_32 = arith.index_cast %add3A_24 : i32 to index
      %swap3A_33 = arith.constant 16 : index
      %swap3A_34 = tpu.vector_load %arg13[%swap3A_32, %swap3A_33] {strides = array<i32>} : memref<80x128xf32, #tpu.memory_space<vmem>>, vector<1x16xf32>,
      %swap3A_35 = vector.shape_cast %swap3A_34 : vector<1x16xf32> to vector<16xf32>
      %swap3A_36 = vector.shape_cast %broadcast_in_dim3A_31 : vector<16xf32> to vector<1x16xf32>
      tpu.vector_store %arg13[%swap3A_32, %swap3A_33], %swap3A_36 {strides = array<i32>} : memref<80x128xf32, #tpu.memory_space<vmem>>, vector<1x16xf32>,
      %broadcast_in_dim3A_37 = arith.constant 0.000000e+00 : f32
      %broadcast_in_dim3A_38 = vector.broadcast %broadcast_in_dim3A_37 : f32 to vector<16xf32>
      %swap3A_39 = arith.index_cast %add3A_24 : i32 to index
      %swap3A_40 = arith.constant 32 : index
      %swap3A_41 = tpu.vector_load %arg13[%swap3A_39, %swap3A_40] {strides = array<i32>} : memref<80x128xf32, #tpu.memory_space<vmem>>, vector<1x16xf32>,
      %swap3A_42 = vector.shape_cast %swap3A_41 : vector<1x16xf32> to vector<16xf32>
      %swap3A_43 = vector.shape_cast %broadcast_in_dim3A_38 : vector<16xf32> to vector<1x16xf32>
      tpu.vector_store %arg13[%swap3A_39, %swap3A_40], %swap3A_43 {strides = array<i32>} : memref<80x128xf32, #tpu.memory_space<vmem>>, vector<1x16xf32>,
      %broadcast_in_dim3A_44 = arith.constant 0.000000e+00 : f32
      %broadcast_in_dim3A_45 = vector.broadcast %broadcast_in_dim3A_44 : f32 to vector<16xf32>
      %swap3A_46 = arith.index_cast %add3A_24 : i32 to index
      %swap3A_47 = arith.constant 48 : index
      %swap3A_48 = tpu.vector_load %arg13[%swap3A_46, %swap3A_47] {strides = array<i32>} : memref<80x128xf32, #tpu.memory_space<vmem>>, vector<1x16xf32>,
      %swap3A_49 = vector.shape_cast %swap3A_48 : vector<1x16xf32> to vector<16xf32>
      %swap3A_50 = vector.shape_cast %broadcast_in_dim3A_45 : vector<16xf32> to vector<1x16xf32>
      tpu.vector_store %arg13[%swap3A_46, %swap3A_47], %swap3A_50 {strides = array<i32>} : memref<80x128xf32, #tpu.memory_space<vmem>>, vector<1x16xf32>,
      %broadcast_in_dim3A_51 = arith.constant 0.000000e+00 : f32
      %broadcast_in_dim3A_52 = vector.broadcast %broadcast_in_dim3A_51 : f32 to vector<16xf32>
      %swap3A_53 = arith.index_cast %add3A_24 : i32 to index
      %swap3A_54 = arith.constant 64 : index
      %swap3A_55 = tpu.vector_load %arg13[%swap3A_53, %swap3A_54] {strides = array<i32>} : memref<80x128xf32, #tpu.memory_space<vmem>>, vector<1x16xf32>,
      %swap3A_56 = vector.shape_cast %swap3A_55 : vector<1x16xf32> to vector<16xf32>
      %swap3A_57 = vector.shape_cast %broadcast_in_dim3A_52 : vector<16xf32> to vector<1x16xf32>
      tpu.vector_store %arg13[%swap3A_53, %swap3A_54], %swap3A_57 {strides = array<i32>} : memref<80x128xf32, #tpu.memory_space<vmem>>, vector<1x16xf32>,
      %broadcast_in_dim3A_58 = arith.constant 0.000000e+00 : f32
      %broadcast_in_dim3A_59 = vector.broadcast %broadcast_in_dim3A_58 : f32 to vector<16xf32>
      %swap3A_60 = arith.index_cast %add3A_24 : i32 to index
      %swap3A_61 = arith.constant 80 : index
      %swap3A_62 = tpu.vector_load %arg13[%swap3A_60, %swap3A_61] {strides = array<i32>} : memref<80x128xf32, #tpu.memory_space<vmem>>, vector<1x16xf32>,
      %swap3A_63 = vector.shape_cast %swap3A_62 : vector<1x16xf32> to vector<16xf32>
      %swap3A_64 = vector.shape_cast %broadcast_in_dim3A_59 : vector<16xf32> to vector<1x16xf32>
      tpu.vector_store %arg13[%swap3A_60, %swap3A_61], %swap3A_64 {strides = array<i32>} : memref<80x128xf32, #tpu.memory_space<vmem>>, vector<1x16xf32>,
      %broadcast_in_dim3A_65 = arith.constant 0.000000e+00 : f32
      %broadcast_in_dim3A_66 = vector.broadcast %broadcast_in_dim3A_65 : f32 to vector<16xf32>
      %swap3A_67 = arith.index_cast %add3A_24 : i32 to index
      %swap3A_68 = arith.constant 96 : index
      %swap3A_69 = tpu.vector_load %arg13[%swap3A_67, %swap3A_68] {strides = array<i32>} : memref<80x128xf32, #tpu.memory_space<vmem>>, vector<1x16xf32>,
      %swap3A_70 = vector.shape_cast %swap3A_69 : vector<1x16xf32> to vector<16xf32>
      %swap3A_71 = vector.shape_cast %broadcast_in_dim3A_66 : vector<16xf32> to vector<1x16xf32>
      tpu.vector_store %arg13[%swap3A_67, %swap3A_68], %swap3A_71 {strides = array<i32>} : memref<80x128xf32, #tpu.memory_space<vmem>>, vector<1x16xf32>,
      %broadcast_in_dim3A_72 = arith.constant 0.000000e+00 : f32
      %broadcast_in_dim3A_73 = vector.broadcast %broadcast_in_dim3A_72 : f32 to vector<16xf32>
      %swap3A_74 = arith.index_cast %add3A_24 : i32 to index
      %swap3A_75 = arith.constant 112 : index
      %swap3A_76 = tpu.vector_load %arg13[%swap3A_74, %swap3A_75] {strides = array<i32>} : memref<80x128xf32, #tpu.memory_space<vmem>>, vector<1x16xf32>,
      %swap3A_77 = vector.shape_cast %swap3A_76 : vector<1x16xf32> to vector<16xf32>
      %swap3A_78 = vector.shape_cast %broadcast_in_dim3A_73 : vector<16xf32> to vector<1x16xf32>
      tpu.vector_store %arg13[%swap3A_74, %swap3A_75], %swap3A_78 {strides = array<i32>} : memref<80x128xf32, #tpu.memory_space<vmem>>, vector<1x16xf32>,
    }
    %scan3A_4 = arith.constant 80 : i32
    %scan3A_5 = arith.constant 0 : i32
    %scan3A_6 = arith.constant 8 : i32
    %scan3A_7 = arith.addi %scan3A_5, %scan3A_6 : i32
    %scan3A_8 = arith.constant 1 : i32
    scf.for %scan3A_20 = %scan3A_5 to %scan3A_7 step %scan3A_8  : i32 {
      %mul3A_21 = arith.constant 1 : i32
      %mul3A_22 = arith.muli %scan3A_20, %mul3A_21 : i32
      %add3A_23 = arith.constant 0 : i32
      %add3A_24 = arith.addi %add3A_23, %mul3A_22 : i32
      %mul3A_25 = arith.constant 640 : i32
      %mul3A_26 = arith.muli %arg1, %mul3A_25 : i32
      %mul3A_27 = arith.constant 80 : i32
      %mul3A_28 = arith.muli %add3A_24, %mul3A_27 : i32
      %add3A_29 = arith.addi %mul3A_26, %mul3A_28 : i32
      "tpu.region"() ({
        %run_scoped3A = tpu.sem_alloc : memref<!tpu.dma_semaphore, #tpu.memory_space<semaphore_mem>>
        %dma_start3A = arith.constant 0 : i32
        %dma_start3A_30 = tpu.memref_slice %arg15[%add3A_29, %dma_start3A] : memref<10240x128xf32, #tpu.memory_space<vmem_shared>> -> memref<80x128xf32, #tpu.memory_space<vmem_shared>>
        %dma_start3A_31 = arith.constant 0 : i32
        %dma_start3A_32 = tpu.memref_slice %arg15[%add3A_29, %dma_start3A_31] : memref<10240x128xf32, #tpu.memory_space<vmem_shared>> -> memref<80x128xf32, #tpu.memory_space<vmem_shared>>
        tpu.enqueue_dma source(%arg13 : memref<80x128xf32, #tpu.memory_space<vmem>>) target(%dma_start3A_32 : memref<80x128xf32, #tpu.memory_space<vmem_shared>>) target_semaphore(%run_scoped3A : memref<!tpu.dma_semaphore, #tpu.memory_space<semaphore_mem>>)
        %dma_wait3A = arith.constant 0 : i32
        %dma_wait3A_33 = tpu.memref_slice %arg15[%add3A_29, %dma_wait3A] : memref<10240x128xf32, #tpu.memory_space<vmem_shared>> -> memref<80x128xf32, #tpu.memory_space<vmem_shared>>
        %dma_wait3A_34 = arith.constant 0 : i32
        %dma_wait3A_35 = tpu.memref_slice %arg15[%add3A_29, %dma_wait3A_34] : memref<10240x128xf32, #tpu.memory_space<vmem_shared>> -> memref<80x128xf32, #tpu.memory_space<vmem_shared>>
        tpu.wait_dma2 semaphore(%run_scoped3A : memref<!tpu.dma_semaphore, #tpu.memory_space<semaphore_mem>>) src(%arg13 : memref<80x128xf32, #tpu.memory_space<vmem>>) dst(%dma_wait3A_35 : memref<80x128xf32, #tpu.memory_space<vmem_shared>>)
        tpu.yield
      }) : () -> ()
    }
    %scan3A_9 = arith.constant 8 : i32
    %barrier3A = arith.constant 0 : index
    tpu.barrier barrier_id(%barrier3A)
    %scan3A_10 = arith.constant 0 : i32
    %scan3A_11 = arith.constant 63 : i32
    %scan3A_12 = arith.addi %scan3A_10, %scan3A_11 : i32
    %scan3A_13 = arith.constant 1 : i32
    scf.for %scan3A_20 = %scan3A_10 to %scan3A_12 step %scan3A_13  : i32 {
      %mul3A_21 = arith.constant 1 : i32
      %mul3A_22 = arith.muli %scan3A_20, %mul3A_21 : i32
      %add3A_23 = arith.constant 0 : i32
      %add3A_24 = arith.addi %add3A_23, %mul3A_22 : i32
      %mul3A_25 = arith.constant 2 : i32
      %mul3A_26 = arith.muli %add3A_24, %mul3A_25 : i32
      %add3A_27 = arith.constant 0 : i32
      %add3A_28 = arith.addi %mul3A_26, %add3A_27 : i32
      %lt3A = arith.constant 125 : i32
      %lt3A_29 = arith.cmpi slt, %add3A_28, %lt3A : i32
      %convert_element_type3A = arith.extui %lt3A_29 : i1 to i32
      %cond3A = arith.constant 0 : i32
      %cond3A_30 = arith.cmpi ne, %convert_element_type3A, %cond3A : i32
      scf.if %cond3A_30 {
        %mul3A_52 = arith.constant 32 : i32
        %mul3A_53 = arith.muli %add3A_28, %mul3A_52 : i32
        %add3A_54 = arith.addi %mul3A_53, %add3A : i32
        %mul3A_55 = arith.constant 80 : i32
        %mul3A_56 = arith.muli %add3A_54, %mul3A_55 : i32
        "tpu.region"() ({
          %run_scoped3A = tpu.sem_alloc : memref<!tpu.dma_semaphore, #tpu.memory_space<semaphore_mem>>
          %dma_start3A_63 = tpu.memref_slice %arg4[%mul3A_56] : memref<320000xi32, #tpu.memory_space<hbm>> -> memref<80xi32, #tpu.memory_space<hbm>>
          %dma_start3A_64 = tpu.memref_slice %arg4[%mul3A_56] : memref<320000xi32, #tpu.memory_space<hbm>> -> memref<80xi32, #tpu.memory_space<hbm>>
          tpu.enqueue_dma source(%dma_start3A_64 : memref<80xi32, #tpu.memory_space<hbm>>) target(%arg7 : memref<80xi32, #tpu.memory_space<vmem>>) target_semaphore(%run_scoped3A : memref<!tpu.dma_semaphore, #tpu.memory_space<semaphore_mem>>)
          %dma_wait3A = tpu.memref_slice %arg4[%mul3A_56] : memref<320000xi32, #tpu.memory_space<hbm>> -> memref<80xi32, #tpu.memory_space<hbm>>
          %dma_wait3A_65 = tpu.memref_slice %arg4[%mul3A_56] : memref<320000xi32, #tpu.memory_space<hbm>> -> memref<80xi32, #tpu.memory_space<hbm>>
          tpu.wait_dma2 semaphore(%run_scoped3A : memref<!tpu.dma_semaphore, #tpu.memory_space<semaphore_mem>>) src(%dma_wait3A_65 : memref<80xi32, #tpu.memory_space<hbm>>) dst(%arg7 : memref<80xi32, #tpu.memory_space<vmem>>)
          tpu.yield
        }) : () -> ()
        "tpu.region"() ({
          %run_scoped3A = tpu.sem_alloc : memref<!tpu.dma_semaphore, #tpu.memory_space<semaphore_mem>>
          %dma_start3A_63 = tpu.memref_slice %arg5[%mul3A_56] : memref<320000xi32, #tpu.memory_space<hbm>> -> memref<80xi32, #tpu.memory_space<hbm>>
          %dma_start3A_64 = tpu.memref_slice %arg5[%mul3A_56] : memref<320000xi32, #tpu.memory_space<hbm>> -> memref<80xi32, #tpu.memory_space<hbm>>
          tpu.enqueue_dma source(%dma_start3A_64 : memref<80xi32, #tpu.memory_space<hbm>>) target(%arg9 : memref<80xi32, #tpu.memory_space<vmem>>) target_semaphore(%run_scoped3A : memref<!tpu.dma_semaphore, #tpu.memory_space<semaphore_mem>>)
          %dma_wait3A = tpu.memref_slice %arg5[%mul3A_56] : memref<320000xi32, #tpu.memory_space<hbm>> -> memref<80xi32, #tpu.memory_space<hbm>>
          %dma_wait3A_65 = tpu.memref_slice %arg5[%mul3A_56] : memref<320000xi32, #tpu.memory_space<hbm>> -> memref<80xi32, #tpu.memory_space<hbm>>
          tpu.wait_dma2 semaphore(%run_scoped3A : memref<!tpu.dma_semaphore, #tpu.memory_space<semaphore_mem>>) src(%dma_wait3A_65 : memref<80xi32, #tpu.memory_space<hbm>>) dst(%arg9 : memref<80xi32, #tpu.memory_space<vmem>>)
          tpu.yield
        }) : () -> ()
        %dma_start3A = arith.constant 0 : i32
        %dma_start3A_57 = arith.constant 0 : i32
        %dma_start3A_58 = tpu.memref_slice %arg2[%dma_start3A, %dma_start3A_57] : memref<10000x128xf32, #tpu.memory_space<hbm>> -> memref<10000x128xf32, #tpu.memory_space<hbm>>
        tpu.enqueue_indirect_dma source(%dma_start3A_58 : memref<10000x128xf32, #tpu.memory_space<hbm>>) target(%arg11 : memref<80x128xf32, #tpu.memory_space<vmem>>) offsets(%arg7 : memref<80xi32, #tpu.memory_space<vmem>>) semaphore(%arg16 : memref<!tpu.dma_semaphore, #tpu.memory_space<semaphore_mem>>)
        %dma_start3A_59 = arith.constant 0 : i32
        %dma_start3A_60 = tpu.memref_slice %arg3[%mul3A_56, %dma_start3A_59] : memref<320512x128xf32, #tpu.memory_space<hbm>> -> memref<80x128xf32, #tpu.memory_space<hbm>>
        %dma_start3A_61 = arith.constant 0 : i32
        %dma_start3A_62 = tpu.memref_slice %arg3[%mul3A_56, %dma_start3A_61] : memref<320512x128xf32, #tpu.memory_space<hbm>> -> memref<80x128xf32, #tpu.memory_space<hbm>>
        tpu.enqueue_dma source(%dma_start3A_62 : memref<80x128xf32, #tpu.memory_space<hbm>>) target(%arg13 : memref<80x128xf32, #tpu.memory_space<vmem>>) target_semaphore(%arg18 : memref<!tpu.dma_semaphore, #tpu.memory_space<semaphore_mem>>)
      } else {
      }
      %sub3A = arith.constant 1 : i32
      %sub3A_31 = arith.subi %add3A_28, %sub3A : i32
      %ge3A = arith.constant 0 : i32
      %ge3A_32 = arith.cmpi sge, %sub3A_31, %ge3A : i32
      %convert_element_type3A_33 = arith.extui %ge3A_32 : i1 to i32
      %cond3A_34 = arith.constant 0 : i32
      %cond3A_35 = arith.cmpi ne, %convert_element_type3A_33, %cond3A_34 : i32
      scf.if %cond3A_35 {
        %dma_wait3A = arith.constant 0 : i32
        %dma_wait3A_52 = arith.constant 0 : i32
        %dma_wait3A_53 = tpu.memref_slice %arg2[%dma_wait3A, %dma_wait3A_52] : memref<10000x128xf32, #tpu.memory_space<hbm>> -> memref<10000x128xf32, #tpu.memory_space<hbm>>
        tpu.wait_indirect_dma semaphore(%arg17 : memref<!tpu.dma_semaphore, #tpu.memory_space<semaphore_mem>>) src(%dma_wait3A_53 : memref<10000x128xf32, #tpu.memory_space<hbm>>) dst(%arg12 : memref<80x128xf32, #tpu.memory_space<vmem>>)
        %dma_wait3A_54 = arith.constant 0 : i32
        %dma_wait3A_55 = arith.constant 0 : i32
        %dma_wait3A_56 = tpu.memref_slice %arg3[%dma_wait3A_54, %dma_wait3A_55] : memref<320512x128xf32, #tpu.memory_space<hbm>> -> memref<80x128xf32, #tpu.memory_space<hbm>>
        %dma_wait3A_57 = arith.constant 0 : i32
        %dma_wait3A_58 = arith.constant 0 : i32
        %dma_wait3A_59 = tpu.memref_slice %arg3[%dma_wait3A_57, %dma_wait3A_58] : memref<320512x128xf32, #tpu.memory_space<hbm>> -> memref<80x128xf32, #tpu.memory_space<hbm>>
        tpu.wait_dma2 semaphore(%arg19 : memref<!tpu.dma_semaphore, #tpu.memory_space<semaphore_mem>>) src(%dma_wait3A_59 : memref<80x128xf32, #tpu.memory_space<hbm>>) dst(%arg14 : memref<80x128xf32, #tpu.memory_space<vmem>>)
        %scan3A_60 = arith.constant 0 : i32
        %scan3A_61 = arith.constant 80 : i32
        %scan3A_62 = arith.addi %scan3A_60, %scan3A_61 : i32
        %scan3A_63 = arith.constant 1 : i32
        scf.for %scan3A_65 = %scan3A_60 to %scan3A_62 step %scan3A_63  : i32 {
          %mul3A_66 = arith.constant 1 : i32
          %mul3A_67 = arith.muli %scan3A_65, %mul3A_66 : i32
          %add3A_68 = arith.constant 0 : i32
          %add3A_69 = arith.addi %add3A_68, %mul3A_67 : i32
          %get3A = arith.index_cast %add3A_69 : i32 to index
          %get3A_70 = arith.constant 0 : index
          %get3A_71 = tpu.vector_load %arg14[%get3A, %get3A_70] {strides = array<i32>} : memref<80x128xf32, #tpu.memory_space<vmem>>, vector<1x16xf32>,
          %get3A_72 = vector.shape_cast %get3A_71 : vector<1x16xf32> to vector<16xf32>
          %get3A_73 = arith.index_cast %add3A_69 : i32 to index
          %get3A_74 = arith.constant 0 : index
          %get3A_75 = tpu.vector_load %arg12[%get3A_73, %get3A_74] {strides = array<i32>} : memref<80x128xf32, #tpu.memory_space<vmem>>, vector<1x16xf32>,
          %get3A_76 = vector.shape_cast %get3A_75 : vector<1x16xf32> to vector<16xf32>
          %mul3A_77 = arith.mulf %get3A_72, %get3A_76 : vector<16xf32>
          %swap3A = arith.index_cast %add3A_69 : i32 to index
          %swap3A_78 = arith.constant 0 : index
          %swap3A_79 = tpu.vector_load %arg14[%swap3A, %swap3A_78] {strides = array<i32>} : memref<80x128xf32, #tpu.memory_space<vmem>>, vector<1x16xf32>,
          %swap3A_80 = vector.shape_cast %swap3A_79 : vector<1x16xf32> to vector<16xf32>
          %swap3A_81 = vector.shape_cast %mul3A_77 : vector<16xf32> to vector<1x16xf32>
          tpu.vector_store %arg14[%swap3A, %swap3A_78], %swap3A_81 {strides = array<i32>} : memref<80x128xf32, #tpu.memory_space<vmem>>, vector<1x16xf32>,
          %get3A_82 = arith.index_cast %add3A_69 : i32 to index
          %get3A_83 = arith.constant 16 : index
          %get3A_84 = tpu.vector_load %arg14[%get3A_82, %get3A_83] {strides = array<i32>} : memref<80x128xf32, #tpu.memory_space<vmem>>, vector<1x16xf32>,
          %get3A_85 = vector.shape_cast %get3A_84 : vector<1x16xf32> to vector<16xf32>
          %get3A_86 = arith.index_cast %add3A_69 : i32 to index
          %get3A_87 = arith.constant 16 : index
          %get3A_88 = tpu.vector_load %arg12[%get3A_86, %get3A_87] {strides = array<i32>} : memref<80x128xf32, #tpu.memory_space<vmem>>, vector<1x16xf32>,
          %get3A_89 = vector.shape_cast %get3A_88 : vector<1x16xf32> to vector<16xf32>
          %mul3A_90 = arith.mulf %get3A_85, %get3A_89 : vector<16xf32>
          %swap3A_91 = arith.index_cast %add3A_69 : i32 to index
          %swap3A_92 = arith.constant 16 : index
          %swap3A_93 = tpu.vector_load %arg14[%swap3A_91, %swap3A_92] {strides = array<i32>} : memref<80x128xf32, #tpu.memory_space<vmem>>, vector<1x16xf32>,
          %swap3A_94 = vector.shape_cast %swap3A_93 : vector<1x16xf32> to vector<16xf32>
          %swap3A_95 = vector.shape_cast %mul3A_90 : vector<16xf32> to vector<1x16xf32>
          tpu.vector_store %arg14[%swap3A_91, %swap3A_92], %swap3A_95 {strides = array<i32>} : memref<80x128xf32, #tpu.memory_space<vmem>>, vector<1x16xf32>,
          %get3A_96 = arith.index_cast %add3A_69 : i32 to index
          %get3A_97 = arith.constant 32 : index
          %get3A_98 = tpu.vector_load %arg14[%get3A_96, %get3A_97] {strides = array<i32>} : memref<80x128xf32, #tpu.memory_space<vmem>>, vector<1x16xf32>,
          %get3A_99 = vector.shape_cast %get3A_98 : vector<1x16xf32> to vector<16xf32>
          %get3A_100 = arith.index_cast %add3A_69 : i32 to index
          %get3A_101 = arith.constant 32 : index
          %get3A_102 = tpu.vector_load %arg12[%get3A_100, %get3A_101] {strides = array<i32>} : memref<80x128xf32, #tpu.memory_space<vmem>>, vector<1x16xf32>,
          %get3A_103 = vector.shape_cast %get3A_102 : vector<1x16xf32> to vector<16xf32>
          %mul3A_104 = arith.mulf %get3A_99, %get3A_103 : vector<16xf32>
          %swap3A_105 = arith.index_cast %add3A_69 : i32 to index
          %swap3A_106 = arith.constant 32 : index
          %swap3A_107 = tpu.vector_load %arg14[%swap3A_105, %swap3A_106] {strides = array<i32>} : memref<80x128xf32, #tpu.memory_space<vmem>>, vector<1x16xf32>,
          %swap3A_108 = vector.shape_cast %swap3A_107 : vector<1x16xf32> to vector<16xf32>
          %swap3A_109 = vector.shape_cast %mul3A_104 : vector<16xf32> to vector<1x16xf32>
          tpu.vector_store %arg14[%swap3A_105, %swap3A_106], %swap3A_109 {strides = array<i32>} : memref<80x128xf32, #tpu.memory_space<vmem>>, vector<1x16xf32>,
          %get3A_110 = arith.index_cast %add3A_69 : i32 to index
          %get3A_111 = arith.constant 48 : index
          %get3A_112 = tpu.vector_load %arg14[%get3A_110, %get3A_111] {strides = array<i32>} : memref<80x128xf32, #tpu.memory_space<vmem>>, vector<1x16xf32>,
          %get3A_113 = vector.shape_cast %get3A_112 : vector<1x16xf32> to vector<16xf32>
          %get3A_114 = arith.index_cast %add3A_69 : i32 to index
          %get3A_115 = arith.constant 48 : index
          %get3A_116 = tpu.vector_load %arg12[%get3A_114, %get3A_115] {strides = array<i32>} : memref<80x128xf32, #tpu.memory_space<vmem>>, vector<1x16xf32>,
          %get3A_117 = vector.shape_cast %get3A_116 : vector<1x16xf32> to vector<16xf32>
          %mul3A_118 = arith.mulf %get3A_113, %get3A_117 : vector<16xf32>
          %swap3A_119 = arith.index_cast %add3A_69 : i32 to index
          %swap3A_120 = arith.constant 48 : index
          %swap3A_121 = tpu.vector_load %arg14[%swap3A_119, %swap3A_120] {strides = array<i32>} : memref<80x128xf32, #tpu.memory_space<vmem>>, vector<1x16xf32>,
          %swap3A_122 = vector.shape_cast %swap3A_121 : vector<1x16xf32> to vector<16xf32>
          %swap3A_123 = vector.shape_cast %mul3A_118 : vector<16xf32> to vector<1x16xf32>
          tpu.vector_store %arg14[%swap3A_119, %swap3A_120], %swap3A_123 {strides = array<i32>} : memref<80x128xf32, #tpu.memory_space<vmem>>, vector<1x16xf32>,
          %get3A_124 = arith.index_cast %add3A_69 : i32 to index
          %get3A_125 = arith.constant 64 : index
          %get3A_126 = tpu.vector_load %arg14[%get3A_124, %get3A_125] {strides = array<i32>} : memref<80x128xf32, #tpu.memory_space<vmem>>, vector<1x16xf32>,
          %get3A_127 = vector.shape_cast %get3A_126 : vector<1x16xf32> to vector<16xf32>
          %get3A_128 = arith.index_cast %add3A_69 : i32 to index
          %get3A_129 = arith.constant 64 : index
          %get3A_130 = tpu.vector_load %arg12[%get3A_128, %get3A_129] {strides = array<i32>} : memref<80x128xf32, #tpu.memory_space<vmem>>, vector<1x16xf32>,
          %get3A_131 = vector.shape_cast %get3A_130 : vector<1x16xf32> to vector<16xf32>
          %mul3A_132 = arith.mulf %get3A_127, %get3A_131 : vector<16xf32>
          %swap3A_133 = arith.index_cast %add3A_69 : i32 to index
          %swap3A_134 = arith.constant 64 : index
          %swap3A_135 = tpu.vector_load %arg14[%swap3A_133, %swap3A_134] {strides = array<i32>} : memref<80x128xf32, #tpu.memory_space<vmem>>, vector<1x16xf32>,
          %swap3A_136 = vector.shape_cast %swap3A_135 : vector<1x16xf32> to vector<16xf32>
          %swap3A_137 = vector.shape_cast %mul3A_132 : vector<16xf32> to vector<1x16xf32>
          tpu.vector_store %arg14[%swap3A_133, %swap3A_134], %swap3A_137 {strides = array<i32>} : memref<80x128xf32, #tpu.memory_space<vmem>>, vector<1x16xf32>,
          %get3A_138 = arith.index_cast %add3A_69 : i32 to index
          %get3A_139 = arith.constant 80 : index
          %get3A_140 = tpu.vector_load %arg14[%get3A_138, %get3A_139] {strides = array<i32>} : memref<80x128xf32, #tpu.memory_space<vmem>>, vector<1x16xf32>,
          %get3A_141 = vector.shape_cast %get3A_140 : vector<1x16xf32> to vector<16xf32>
          %get3A_142 = arith.index_cast %add3A_69 : i32 to index
          %get3A_143 = arith.constant 80 : index
          %get3A_144 = tpu.vector_load %arg12[%get3A_142, %get3A_143] {strides = array<i32>} : memref<80x128xf32, #tpu.memory_space<vmem>>, vector<1x16xf32>,
          %get3A_145 = vector.shape_cast %get3A_144 : vector<1x16xf32> to vector<16xf32>
          %mul3A_146 = arith.mulf %get3A_141, %get3A_145 : vector<16xf32>
          %swap3A_147 = arith.index_cast %add3A_69 : i32 to index
          %swap3A_148 = arith.constant 80 : index
          %swap3A_149 = tpu.vector_load %arg14[%swap3A_147, %swap3A_148] {strides = array<i32>} : memref<80x128xf32, #tpu.memory_space<vmem>>, vector<1x16xf32>,
          %swap3A_150 = vector.shape_cast %swap3A_149 : vector<1x16xf32> to vector<16xf32>
          %swap3A_151 = vector.shape_cast %mul3A_146 : vector<16xf32> to vector<1x16xf32>
          tpu.vector_store %arg14[%swap3A_147, %swap3A_148], %swap3A_151 {strides = array<i32>} : memref<80x128xf32, #tpu.memory_space<vmem>>, vector<1x16xf32>,
          %get3A_152 = arith.index_cast %add3A_69 : i32 to index
          %get3A_153 = arith.constant 96 : index
          %get3A_154 = tpu.vector_load %arg14[%get3A_152, %get3A_153] {strides = array<i32>} : memref<80x128xf32, #tpu.memory_space<vmem>>, vector<1x16xf32>,
          %get3A_155 = vector.shape_cast %get3A_154 : vector<1x16xf32> to vector<16xf32>
          %get3A_156 = arith.index_cast %add3A_69 : i32 to index
          %get3A_157 = arith.constant 96 : index
          %get3A_158 = tpu.vector_load %arg12[%get3A_156, %get3A_157] {strides = array<i32>} : memref<80x128xf32, #tpu.memory_space<vmem>>, vector<1x16xf32>,
          %get3A_159 = vector.shape_cast %get3A_158 : vector<1x16xf32> to vector<16xf32>
          %mul3A_160 = arith.mulf %get3A_155, %get3A_159 : vector<16xf32>
          %swap3A_161 = arith.index_cast %add3A_69 : i32 to index
          %swap3A_162 = arith.constant 96 : index
          %swap3A_163 = tpu.vector_load %arg14[%swap3A_161, %swap3A_162] {strides = array<i32>} : memref<80x128xf32, #tpu.memory_space<vmem>>, vector<1x16xf32>,
          %swap3A_164 = vector.shape_cast %swap3A_163 : vector<1x16xf32> to vector<16xf32>
          %swap3A_165 = vector.shape_cast %mul3A_160 : vector<16xf32> to vector<1x16xf32>
          tpu.vector_store %arg14[%swap3A_161, %swap3A_162], %swap3A_165 {strides = array<i32>} : memref<80x128xf32, #tpu.memory_space<vmem>>, vector<1x16xf32>,
          %get3A_166 = arith.index_cast %add3A_69 : i32 to index
          %get3A_167 = arith.constant 112 : index
          %get3A_168 = tpu.vector_load %arg14[%get3A_166, %get3A_167] {strides = array<i32>} : memref<80x128xf32, #tpu.memory_space<vmem>>, vector<1x16xf32>,
          %get3A_169 = vector.shape_cast %get3A_168 : vector<1x16xf32> to vector<16xf32>
          %get3A_170 = arith.index_cast %add3A_69 : i32 to index
          %get3A_171 = arith.constant 112 : index
          %get3A_172 = tpu.vector_load %arg12[%get3A_170, %get3A_171] {strides = array<i32>} : memref<80x128xf32, #tpu.memory_space<vmem>>, vector<1x16xf32>,
          %get3A_173 = vector.shape_cast %get3A_172 : vector<1x16xf32> to vector<16xf32>
          %mul3A_174 = arith.mulf %get3A_169, %get3A_173 : vector<16xf32>
          %swap3A_175 = arith.index_cast %add3A_69 : i32 to index
          %swap3A_176 = arith.constant 112 : index
          %swap3A_177 = tpu.vector_load %arg14[%swap3A_175, %swap3A_176] {strides = array<i32>} : memref<80x128xf32, #tpu.memory_space<vmem>>, vector<1x16xf32>,
          %swap3A_178 = vector.shape_cast %swap3A_177 : vector<1x16xf32> to vector<16xf32>
          %swap3A_179 = vector.shape_cast %mul3A_174 : vector<16xf32> to vector<1x16xf32>
          tpu.vector_store %arg14[%swap3A_175, %swap3A_176], %swap3A_179 {strides = array<i32>} : memref<80x128xf32, #tpu.memory_space<vmem>>, vector<1x16xf32>,
        }
        %scan3A_64 = arith.constant 80 : i32
        "tpu.region"() ({
          %run_scoped3A = tpu.sem_alloc : memref<!tpu.dma_semaphore, #tpu.memory_space<semaphore_mem>>
          %dma_start3A = arith.constant 0 : i32
          %dma_start3A_65 = arith.constant 0 : i32
          %dma_start3A_66 = tpu.memref_slice %arg15[%dma_start3A, %dma_start3A_65] : memref<10240x128xf32, #tpu.memory_space<vmem_shared>> -> memref<10240x128xf32, #tpu.memory_space<vmem_shared>>
          tpu.enqueue_indirect_dma source(%arg14 : memref<80x128xf32, #tpu.memory_space<vmem>>) target(%dma_start3A_66 : memref<10240x128xf32, #tpu.memory_space<vmem_shared>>) offsets(%arg10 : memref<80xi32, #tpu.memory_space<vmem>>) semaphore(%run_scoped3A : memref<!tpu.dma_semaphore, #tpu.memory_space<semaphore_mem>>) {add = true}
          %dma_wait3A_67 = arith.constant 0 : i32
          %dma_wait3A_68 = arith.constant 0 : i32
          %dma_wait3A_69 = tpu.memref_slice %arg15[%dma_wait3A_67, %dma_wait3A_68] : memref<10240x128xf32, #tpu.memory_space<vmem_shared>> -> memref<10240x128xf32, #tpu.memory_space<vmem_shared>>
          tpu.wait_indirect_dma semaphore(%run_scoped3A : memref<!tpu.dma_semaphore, #tpu.memory_space<semaphore_mem>>) src(%arg14 : memref<80x128xf32, #tpu.memory_space<vmem>>) dst(%dma_wait3A_69 : memref<10240x128xf32, #tpu.memory_space<vmem_shared>>)
          tpu.yield
        }) : () -> ()
      } else {
      }
      %mul3A_36 = arith.constant 2 : i32
      %mul3A_37 = arith.muli %add3A_24, %mul3A_36 : i32
      %add3A_38 = arith.constant 1 : i32
      %add3A_39 = arith.addi %mul3A_37, %add3A_38 : i32
      %lt3A_40 = arith.constant 125 : i32
      %lt3A_41 = arith.cmpi slt, %add3A_39, %lt3A_40 : i32
      %convert_element_type3A_42 = arith.extui %lt3A_41 : i1 to i32
      %cond3A_43 = arith.constant 0 : i32
      %cond3A_44 = arith.cmpi ne, %convert_element_type3A_42, %cond3A_43 : i32
      scf.if %cond3A_44 {
        %mul3A_52 = arith.constant 32 : i32
        %mul3A_53 = arith.muli %add3A_39, %mul3A_52 : i32
        %add3A_54 = arith.addi %mul3A_53, %add3A : i32
        %mul3A_55 = arith.constant 80 : i32
        %mul3A_56 = arith.muli %add3A_54, %mul3A_55 : i32
        "tpu.region"() ({
          %run_scoped3A = tpu.sem_alloc : memref<!tpu.dma_semaphore, #tpu.memory_space<semaphore_mem>>
          %dma_start3A_63 = tpu.memref_slice %arg4[%mul3A_56] : memref<320000xi32, #tpu.memory_space<hbm>> -> memref<80xi32, #tpu.memory_space<hbm>>
          %dma_start3A_64 = tpu.memref_slice %arg4[%mul3A_56] : memref<320000xi32, #tpu.memory_space<hbm>> -> memref<80xi32, #tpu.memory_space<hbm>>
          tpu.enqueue_dma source(%dma_start3A_64 : memref<80xi32, #tpu.memory_space<hbm>>) target(%arg8 : memref<80xi32, #tpu.memory_space<vmem>>) target_semaphore(%run_scoped3A : memref<!tpu.dma_semaphore, #tpu.memory_space<semaphore_mem>>)
          %dma_wait3A = tpu.memref_slice %arg4[%mul3A_56] : memref<320000xi32, #tpu.memory_space<hbm>> -> memref<80xi32, #tpu.memory_space<hbm>>
          %dma_wait3A_65 = tpu.memref_slice %arg4[%mul3A_56] : memref<320000xi32, #tpu.memory_space<hbm>> -> memref<80xi32, #tpu.memory_space<hbm>>
          tpu.wait_dma2 semaphore(%run_scoped3A : memref<!tpu.dma_semaphore, #tpu.memory_space<semaphore_mem>>) src(%dma_wait3A_65 : memref<80xi32, #tpu.memory_space<hbm>>) dst(%arg8 : memref<80xi32, #tpu.memory_space<vmem>>)
          tpu.yield
        }) : () -> ()
        "tpu.region"() ({
          %run_scoped3A = tpu.sem_alloc : memref<!tpu.dma_semaphore, #tpu.memory_space<semaphore_mem>>
          %dma_start3A_63 = tpu.memref_slice %arg5[%mul3A_56] : memref<320000xi32, #tpu.memory_space<hbm>> -> memref<80xi32, #tpu.memory_space<hbm>>
          %dma_start3A_64 = tpu.memref_slice %arg5[%mul3A_56] : memref<320000xi32, #tpu.memory_space<hbm>> -> memref<80xi32, #tpu.memory_space<hbm>>
          tpu.enqueue_dma source(%dma_start3A_64 : memref<80xi32, #tpu.memory_space<hbm>>) target(%arg10 : memref<80xi32, #tpu.memory_space<vmem>>) target_semaphore(%run_scoped3A : memref<!tpu.dma_semaphore, #tpu.memory_space<semaphore_mem>>)
          %dma_wait3A = tpu.memref_slice %arg5[%mul3A_56] : memref<320000xi32, #tpu.memory_space<hbm>> -> memref<80xi32, #tpu.memory_space<hbm>>
          %dma_wait3A_65 = tpu.memref_slice %arg5[%mul3A_56] : memref<320000xi32, #tpu.memory_space<hbm>> -> memref<80xi32, #tpu.memory_space<hbm>>
          tpu.wait_dma2 semaphore(%run_scoped3A : memref<!tpu.dma_semaphore, #tpu.memory_space<semaphore_mem>>) src(%dma_wait3A_65 : memref<80xi32, #tpu.memory_space<hbm>>) dst(%arg10 : memref<80xi32, #tpu.memory_space<vmem>>)
          tpu.yield
        }) : () -> ()
        %dma_start3A = arith.constant 0 : i32
        %dma_start3A_57 = arith.constant 0 : i32
        %dma_start3A_58 = tpu.memref_slice %arg2[%dma_start3A, %dma_start3A_57] : memref<10000x128xf32, #tpu.memory_space<hbm>> -> memref<10000x128xf32, #tpu.memory_space<hbm>>
        tpu.enqueue_indirect_dma source(%dma_start3A_58 : memref<10000x128xf32, #tpu.memory_space<hbm>>) target(%arg12 : memref<80x128xf32, #tpu.memory_space<vmem>>) offsets(%arg8 : memref<80xi32, #tpu.memory_space<vmem>>) semaphore(%arg17 : memref<!tpu.dma_semaphore, #tpu.memory_space<semaphore_mem>>)
        %dma_start3A_59 = arith.constant 0 : i32
        %dma_start3A_60 = tpu.memref_slice %arg3[%mul3A_56, %dma_start3A_59] : memref<320512x128xf32, #tpu.memory_space<hbm>> -> memref<80x128xf32, #tpu.memory_space<hbm>>
        %dma_start3A_61 = arith.constant 0 : i32
        %dma_start3A_62 = tpu.memref_slice %arg3[%mul3A_56, %dma_start3A_61] : memref<320512x128xf32, #tpu.memory_space<hbm>> -> memref<80x128xf32, #tpu.memory_space<hbm>>
        tpu.enqueue_dma source(%dma_start3A_62 : memref<80x128xf32, #tpu.memory_space<hbm>>) target(%arg14 : memref<80x128xf32, #tpu.memory_space<vmem>>) target_semaphore(%arg19 : memref<!tpu.dma_semaphore, #tpu.memory_space<semaphore_mem>>)
      } else {
      }
      %sub3A_45 = arith.constant 1 : i32
      %sub3A_46 = arith.subi %add3A_39, %sub3A_45 : i32
      %ge3A_47 = arith.constant 0 : i32
      %ge3A_48 = arith.cmpi sge, %sub3A_46, %ge3A_47 : i32
      %convert_element_type3A_49 = arith.extui %ge3A_48 : i1 to i32
      %cond3A_50 = arith.constant 0 : i32
      %cond3A_51 = arith.cmpi ne, %convert_element_type3A_49, %cond3A_50 : i32
      scf.if %cond3A_51 {
        %dma_wait3A = arith.constant 0 : i32
        %dma_wait3A_52 = arith.constant 0 : i32
        %dma_wait3A_53 = tpu.memref_slice %arg2[%dma_wait3A, %dma_wait3A_52] : memref<10000x128xf32, #tpu.memory_space<hbm>> -> memref<10000x128xf32, #tpu.memory_space<hbm>>
        tpu.wait_indirect_dma semaphore(%arg16 : memref<!tpu.dma_semaphore, #tpu.memory_space<semaphore_mem>>) src(%dma_wait3A_53 : memref<10000x128xf32, #tpu.memory_space<hbm>>) dst(%arg11 : memref<80x128xf32, #tpu.memory_space<vmem>>)
        %dma_wait3A_54 = arith.constant 0 : i32
        %dma_wait3A_55 = arith.constant 0 : i32
        %dma_wait3A_56 = tpu.memref_slice %arg3[%dma_wait3A_54, %dma_wait3A_55] : memref<320512x128xf32, #tpu.memory_space<hbm>> -> memref<80x128xf32, #tpu.memory_space<hbm>>
        %dma_wait3A_57 = arith.constant 0 : i32
        %dma_wait3A_58 = arith.constant 0 : i32
        %dma_wait3A_59 = tpu.memref_slice %arg3[%dma_wait3A_57, %dma_wait3A_58] : memref<320512x128xf32, #tpu.memory_space<hbm>> -> memref<80x128xf32, #tpu.memory_space<hbm>>
        tpu.wait_dma2 semaphore(%arg18 : memref<!tpu.dma_semaphore, #tpu.memory_space<semaphore_mem>>) src(%dma_wait3A_59 : memref<80x128xf32, #tpu.memory_space<hbm>>) dst(%arg13 : memref<80x128xf32, #tpu.memory_space<vmem>>)
        %scan3A_60 = arith.constant 0 : i32
        %scan3A_61 = arith.constant 80 : i32
        %scan3A_62 = arith.addi %scan3A_60, %scan3A_61 : i32
        %scan3A_63 = arith.constant 1 : i32
        scf.for %scan3A_65 = %scan3A_60 to %scan3A_62 step %scan3A_63  : i32 {
          %mul3A_66 = arith.constant 1 : i32
          %mul3A_67 = arith.muli %scan3A_65, %mul3A_66 : i32
          %add3A_68 = arith.constant 0 : i32
          %add3A_69 = arith.addi %add3A_68, %mul3A_67 : i32
          %get3A = arith.index_cast %add3A_69 : i32 to index
          %get3A_70 = arith.constant 0 : index
          %get3A_71 = tpu.vector_load %arg13[%get3A, %get3A_70] {strides = array<i32>} : memref<80x128xf32, #tpu.memory_space<vmem>>, vector<1x16xf32>,
          %get3A_72 = vector.shape_cast %get3A_71 : vector<1x16xf32> to vector<16xf32>
          %get3A_73 = arith.index_cast %add3A_69 : i32 to index
          %get3A_74 = arith.constant 0 : index
          %get3A_75 = tpu.vector_load %arg11[%get3A_73, %get3A_74] {strides = array<i32>} : memref<80x128xf32, #tpu.memory_space<vmem>>, vector<1x16xf32>,
          %get3A_76 = vector.shape_cast %get3A_75 : vector<1x16xf32> to vector<16xf32>
          %mul3A_77 = arith.mulf %get3A_72, %get3A_76 : vector<16xf32>
          %swap3A = arith.index_cast %add3A_69 : i32 to index
          %swap3A_78 = arith.constant 0 : index
          %swap3A_79 = tpu.vector_load %arg13[%swap3A, %swap3A_78] {strides = array<i32>} : memref<80x128xf32, #tpu.memory_space<vmem>>, vector<1x16xf32>,
          %swap3A_80 = vector.shape_cast %swap3A_79 : vector<1x16xf32> to vector<16xf32>
          %swap3A_81 = vector.shape_cast %mul3A_77 : vector<16xf32> to vector<1x16xf32>
          tpu.vector_store %arg13[%swap3A, %swap3A_78], %swap3A_81 {strides = array<i32>} : memref<80x128xf32, #tpu.memory_space<vmem>>, vector<1x16xf32>,
          %get3A_82 = arith.index_cast %add3A_69 : i32 to index
          %get3A_83 = arith.constant 16 : index
          %get3A_84 = tpu.vector_load %arg13[%get3A_82, %get3A_83] {strides = array<i32>} : memref<80x128xf32, #tpu.memory_space<vmem>>, vector<1x16xf32>,
          %get3A_85 = vector.shape_cast %get3A_84 : vector<1x16xf32> to vector<16xf32>
          %get3A_86 = arith.index_cast %add3A_69 : i32 to index
          %get3A_87 = arith.constant 16 : index
          %get3A_88 = tpu.vector_load %arg11[%get3A_86, %get3A_87] {strides = array<i32>} : memref<80x128xf32, #tpu.memory_space<vmem>>, vector<1x16xf32>,
          %get3A_89 = vector.shape_cast %get3A_88 : vector<1x16xf32> to vector<16xf32>
          %mul3A_90 = arith.mulf %get3A_85, %get3A_89 : vector<16xf32>
          %swap3A_91 = arith.index_cast %add3A_69 : i32 to index
          %swap3A_92 = arith.constant 16 : index
          %swap3A_93 = tpu.vector_load %arg13[%swap3A_91, %swap3A_92] {strides = array<i32>} : memref<80x128xf32, #tpu.memory_space<vmem>>, vector<1x16xf32>,
          %swap3A_94 = vector.shape_cast %swap3A_93 : vector<1x16xf32> to vector<16xf32>
          %swap3A_95 = vector.shape_cast %mul3A_90 : vector<16xf32> to vector<1x16xf32>
          tpu.vector_store %arg13[%swap3A_91, %swap3A_92], %swap3A_95 {strides = array<i32>} : memref<80x128xf32, #tpu.memory_space<vmem>>, vector<1x16xf32>,
          %get3A_96 = arith.index_cast %add3A_69 : i32 to index
          %get3A_97 = arith.constant 32 : index
          %get3A_98 = tpu.vector_load %arg13[%get3A_96, %get3A_97] {strides = array<i32>} : memref<80x128xf32, #tpu.memory_space<vmem>>, vector<1x16xf32>,
          %get3A_99 = vector.shape_cast %get3A_98 : vector<1x16xf32> to vector<16xf32>
          %get3A_100 = arith.index_cast %add3A_69 : i32 to index
          %get3A_101 = arith.constant 32 : index
          %get3A_102 = tpu.vector_load %arg11[%get3A_100, %get3A_101] {strides = array<i32>} : memref<80x128xf32, #tpu.memory_space<vmem>>, vector<1x16xf32>,
          %get3A_103 = vector.shape_cast %get3A_102 : vector<1x16xf32> to vector<16xf32>
          %mul3A_104 = arith.mulf %get3A_99, %get3A_103 : vector<16xf32>
          %swap3A_105 = arith.index_cast %add3A_69 : i32 to index
          %swap3A_106 = arith.constant 32 : index
          %swap3A_107 = tpu.vector_load %arg13[%swap3A_105, %swap3A_106] {strides = array<i32>} : memref<80x128xf32, #tpu.memory_space<vmem>>, vector<1x16xf32>,
          %swap3A_108 = vector.shape_cast %swap3A_107 : vector<1x16xf32> to vector<16xf32>
          %swap3A_109 = vector.shape_cast %mul3A_104 : vector<16xf32> to vector<1x16xf32>
          tpu.vector_store %arg13[%swap3A_105, %swap3A_106], %swap3A_109 {strides = array<i32>} : memref<80x128xf32, #tpu.memory_space<vmem>>, vector<1x16xf32>,
          %get3A_110 = arith.index_cast %add3A_69 : i32 to index
          %get3A_111 = arith.constant 48 : index
          %get3A_112 = tpu.vector_load %arg13[%get3A_110, %get3A_111] {strides = array<i32>} : memref<80x128xf32, #tpu.memory_space<vmem>>, vector<1x16xf32>,
          %get3A_113 = vector.shape_cast %get3A_112 : vector<1x16xf32> to vector<16xf32>
          %get3A_114 = arith.index_cast %add3A_69 : i32 to index
          %get3A_115 = arith.constant 48 : index
          %get3A_116 = tpu.vector_load %arg11[%get3A_114, %get3A_115] {strides = array<i32>} : memref<80x128xf32, #tpu.memory_space<vmem>>, vector<1x16xf32>,
          %get3A_117 = vector.shape_cast %get3A_116 : vector<1x16xf32> to vector<16xf32>
          %mul3A_118 = arith.mulf %get3A_113, %get3A_117 : vector<16xf32>
          %swap3A_119 = arith.index_cast %add3A_69 : i32 to index
          %swap3A_120 = arith.constant 48 : index
          %swap3A_121 = tpu.vector_load %arg13[%swap3A_119, %swap3A_120] {strides = array<i32>} : memref<80x128xf32, #tpu.memory_space<vmem>>, vector<1x16xf32>,
          %swap3A_122 = vector.shape_cast %swap3A_121 : vector<1x16xf32> to vector<16xf32>
          %swap3A_123 = vector.shape_cast %mul3A_118 : vector<16xf32> to vector<1x16xf32>
          tpu.vector_store %arg13[%swap3A_119, %swap3A_120], %swap3A_123 {strides = array<i32>} : memref<80x128xf32, #tpu.memory_space<vmem>>, vector<1x16xf32>,
          %get3A_124 = arith.index_cast %add3A_69 : i32 to index
          %get3A_125 = arith.constant 64 : index
          %get3A_126 = tpu.vector_load %arg13[%get3A_124, %get3A_125] {strides = array<i32>} : memref<80x128xf32, #tpu.memory_space<vmem>>, vector<1x16xf32>,
          %get3A_127 = vector.shape_cast %get3A_126 : vector<1x16xf32> to vector<16xf32>
          %get3A_128 = arith.index_cast %add3A_69 : i32 to index
          %get3A_129 = arith.constant 64 : index
          %get3A_130 = tpu.vector_load %arg11[%get3A_128, %get3A_129] {strides = array<i32>} : memref<80x128xf32, #tpu.memory_space<vmem>>, vector<1x16xf32>,
          %get3A_131 = vector.shape_cast %get3A_130 : vector<1x16xf32> to vector<16xf32>
          %mul3A_132 = arith.mulf %get3A_127, %get3A_131 : vector<16xf32>
          %swap3A_133 = arith.index_cast %add3A_69 : i32 to index
          %swap3A_134 = arith.constant 64 : index
          %swap3A_135 = tpu.vector_load %arg13[%swap3A_133, %swap3A_134] {strides = array<i32>} : memref<80x128xf32, #tpu.memory_space<vmem>>, vector<1x16xf32>,
          %swap3A_136 = vector.shape_cast %swap3A_135 : vector<1x16xf32> to vector<16xf32>
          %swap3A_137 = vector.shape_cast %mul3A_132 : vector<16xf32> to vector<1x16xf32>
          tpu.vector_store %arg13[%swap3A_133, %swap3A_134], %swap3A_137 {strides = array<i32>} : memref<80x128xf32, #tpu.memory_space<vmem>>, vector<1x16xf32>,
          %get3A_138 = arith.index_cast %add3A_69 : i32 to index
          %get3A_139 = arith.constant 80 : index
          %get3A_140 = tpu.vector_load %arg13[%get3A_138, %get3A_139] {strides = array<i32>} : memref<80x128xf32, #tpu.memory_space<vmem>>, vector<1x16xf32>,
          %get3A_141 = vector.shape_cast %get3A_140 : vector<1x16xf32> to vector<16xf32>
          %get3A_142 = arith.index_cast %add3A_69 : i32 to index
          %get3A_143 = arith.constant 80 : index
          %get3A_144 = tpu.vector_load %arg11[%get3A_142, %get3A_143] {strides = array<i32>} : memref<80x128xf32, #tpu.memory_space<vmem>>, vector<1x16xf32>,
          %get3A_145 = vector.shape_cast %get3A_144 : vector<1x16xf32> to vector<16xf32>
          %mul3A_146 = arith.mulf %get3A_141, %get3A_145 : vector<16xf32>
          %swap3A_147 = arith.index_cast %add3A_69 : i32 to index
          %swap3A_148 = arith.constant 80 : index
          %swap3A_149 = tpu.vector_load %arg13[%swap3A_147, %swap3A_148] {strides = array<i32>} : memref<80x128xf32, #tpu.memory_space<vmem>>, vector<1x16xf32>,
          %swap3A_150 = vector.shape_cast %swap3A_149 : vector<1x16xf32> to vector<16xf32>
          %swap3A_151 = vector.shape_cast %mul3A_146 : vector<16xf32> to vector<1x16xf32>
          tpu.vector_store %arg13[%swap3A_147, %swap3A_148], %swap3A_151 {strides = array<i32>} : memref<80x128xf32, #tpu.memory_space<vmem>>, vector<1x16xf32>,
          %get3A_152 = arith.index_cast %add3A_69 : i32 to index
          %get3A_153 = arith.constant 96 : index
          %get3A_154 = tpu.vector_load %arg13[%get3A_152, %get3A_153] {strides = array<i32>} : memref<80x128xf32, #tpu.memory_space<vmem>>, vector<1x16xf32>,
          %get3A_155 = vector.shape_cast %get3A_154 : vector<1x16xf32> to vector<16xf32>
          %get3A_156 = arith.index_cast %add3A_69 : i32 to index
          %get3A_157 = arith.constant 96 : index
          %get3A_158 = tpu.vector_load %arg11[%get3A_156, %get3A_157] {strides = array<i32>} : memref<80x128xf32, #tpu.memory_space<vmem>>, vector<1x16xf32>,
          %get3A_159 = vector.shape_cast %get3A_158 : vector<1x16xf32> to vector<16xf32>
          %mul3A_160 = arith.mulf %get3A_155, %get3A_159 : vector<16xf32>
          %swap3A_161 = arith.index_cast %add3A_69 : i32 to index
          %swap3A_162 = arith.constant 96 : index
          %swap3A_163 = tpu.vector_load %arg13[%swap3A_161, %swap3A_162] {strides = array<i32>} : memref<80x128xf32, #tpu.memory_space<vmem>>, vector<1x16xf32>,
          %swap3A_164 = vector.shape_cast %swap3A_163 : vector<1x16xf32> to vector<16xf32>
          %swap3A_165 = vector.shape_cast %mul3A_160 : vector<16xf32> to vector<1x16xf32>
          tpu.vector_store %arg13[%swap3A_161, %swap3A_162], %swap3A_165 {strides = array<i32>} : memref<80x128xf32, #tpu.memory_space<vmem>>, vector<1x16xf32>,
          %get3A_166 = arith.index_cast %add3A_69 : i32 to index
          %get3A_167 = arith.constant 112 : index
          %get3A_168 = tpu.vector_load %arg13[%get3A_166, %get3A_167] {strides = array<i32>} : memref<80x128xf32, #tpu.memory_space<vmem>>, vector<1x16xf32>,
          %get3A_169 = vector.shape_cast %get3A_168 : vector<1x16xf32> to vector<16xf32>
          %get3A_170 = arith.index_cast %add3A_69 : i32 to index
          %get3A_171 = arith.constant 112 : index
          %get3A_172 = tpu.vector_load %arg11[%get3A_170, %get3A_171] {strides = array<i32>} : memref<80x128xf32, #tpu.memory_space<vmem>>, vector<1x16xf32>,
          %get3A_173 = vector.shape_cast %get3A_172 : vector<1x16xf32> to vector<16xf32>
          %mul3A_174 = arith.mulf %get3A_169, %get3A_173 : vector<16xf32>
          %swap3A_175 = arith.index_cast %add3A_69 : i32 to index
          %swap3A_176 = arith.constant 112 : index
          %swap3A_177 = tpu.vector_load %arg13[%swap3A_175, %swap3A_176] {strides = array<i32>} : memref<80x128xf32, #tpu.memory_space<vmem>>, vector<1x16xf32>,
          %swap3A_178 = vector.shape_cast %swap3A_177 : vector<1x16xf32> to vector<16xf32>
          %swap3A_179 = vector.shape_cast %mul3A_174 : vector<16xf32> to vector<1x16xf32>
          tpu.vector_store %arg13[%swap3A_175, %swap3A_176], %swap3A_179 {strides = array<i32>} : memref<80x128xf32, #tpu.memory_space<vmem>>, vector<1x16xf32>,
        }
        %scan3A_64 = arith.constant 80 : i32
        "tpu.region"() ({
          %run_scoped3A = tpu.sem_alloc : memref<!tpu.dma_semaphore, #tpu.memory_space<semaphore_mem>>
          %dma_start3A = arith.constant 0 : i32
          %dma_start3A_65 = arith.constant 0 : i32
          %dma_start3A_66 = tpu.memref_slice %arg15[%dma_start3A, %dma_start3A_65] : memref<10240x128xf32, #tpu.memory_space<vmem_shared>> -> memref<10240x128xf32, #tpu.memory_space<vmem_shared>>
          tpu.enqueue_indirect_dma source(%arg13 : memref<80x128xf32, #tpu.memory_space<vmem>>) target(%dma_start3A_66 : memref<10240x128xf32, #tpu.memory_space<vmem_shared>>) offsets(%arg9 : memref<80xi32, #tpu.memory_space<vmem>>) semaphore(%run_scoped3A : memref<!tpu.dma_semaphore, #tpu.memory_space<semaphore_mem>>) {add = true}
          %dma_wait3A_67 = arith.constant 0 : i32
          %dma_wait3A_68 = arith.constant 0 : i32
          %dma_wait3A_69 = tpu.memref_slice %arg15[%dma_wait3A_67, %dma_wait3A_68] : memref<10240x128xf32, #tpu.memory_space<vmem_shared>> -> memref<10240x128xf32, #tpu.memory_space<vmem_shared>>
          tpu.wait_indirect_dma semaphore(%run_scoped3A : memref<!tpu.dma_semaphore, #tpu.memory_space<semaphore_mem>>) src(%arg13 : memref<80x128xf32, #tpu.memory_space<vmem>>) dst(%dma_wait3A_69 : memref<10240x128xf32, #tpu.memory_space<vmem_shared>>)
          tpu.yield
        }) : () -> ()
      } else {
      }
    }
    %scan3A_14 = arith.constant 63 : i32
    %barrier3A_15 = arith.constant 0 : index
    tpu.barrier barrier_id(%barrier3A_15)
    %mul3A_16 = arith.constant 640 : i32
    %mul3A_17 = arith.muli %arg1, %mul3A_16 : i32
    %mul3A_18 = arith.constant 640 : i32
    %mul3A_19 = arith.muli %arg1, %mul3A_18 : i32
    "tpu.region"() ({
      %run_scoped3A = tpu.sem_alloc : memref<!tpu.dma_semaphore, #tpu.memory_space<semaphore_mem>>
      %dma_start3A = arith.constant 0 : i32
      %dma_start3A_20 = tpu.memref_slice %arg6[%arg0, %mul3A_19, %dma_start3A] : memref<2x10240x128xf32, #tpu.memory_space<hbm>> -> memref<1x640x128xf32, #tpu.memory_space<hbm>>
      %dma_start3A_21 = tpu.memref_squeeze %dma_start3A_20 : memref<1x640x128xf32, #tpu.memory_space<hbm>> -> memref<640x128xf32, #tpu.memory_space<hbm>>
      %dma_start3A_22 = arith.constant 0 : i32
      %dma_start3A_23 = tpu.memref_slice %arg15[%mul3A_17, %dma_start3A_22] : memref<10240x128xf32, #tpu.memory_space<vmem_shared>> -> memref<640x128xf32, #tpu.memory_space<vmem_shared>>
      tpu.enqueue_dma source(%dma_start3A_23 : memref<640x128xf32, #tpu.memory_space<vmem_shared>>) target(%dma_start3A_21 : memref<640x128xf32, #tpu.memory_space<hbm>>) target_semaphore(%run_scoped3A : memref<!tpu.dma_semaphore, #tpu.memory_space<semaphore_mem>>)
      %dma_wait3A = arith.constant 0 : i32
      %dma_wait3A_24 = tpu.memref_slice %arg6[%arg0, %mul3A_19, %dma_wait3A] : memref<2x10240x128xf32, #tpu.memory_space<hbm>> -> memref<1x640x128xf32, #tpu.memory_space<hbm>>
      %dma_wait3A_25 = tpu.memref_squeeze %dma_wait3A_24 : memref<1x640x128xf32, #tpu.memory_space<hbm>> -> memref<640x128xf32, #tpu.memory_space<hbm>>
      %dma_wait3A_26 = arith.constant 0 : i32
      %dma_wait3A_27 = tpu.memref_slice %arg15[%mul3A_17, %dma_wait3A_26] : memref<10240x128xf32, #tpu.memory_space<vmem_shared>> -> memref<640x128xf32, #tpu.memory_space<vmem_shared>>
      tpu.wait_dma2 semaphore(%run_scoped3A : memref<!tpu.dma_semaphore, #tpu.memory_space<semaphore_mem>>) src(%dma_wait3A_27 : memref<640x128xf32, #tpu.memory_space<vmem_shared>>) dst(%dma_wait3A_25 : memref<640x128xf32, #tpu.memory_space<hbm>>)
      tpu.yield
    }) : () -> ()
    return
  }
}

module attributes {stable_mosaic.version = 14 : i64} {
  func.func @_embed_body(%arg0: i32, %arg1: memref<1000x128xf32, #tpu.memory_space<vmem>>, %arg2: memref<128x128xf32, #tpu.memory_space<vmem>>, %arg3: memref<1000x128xf32, #tpu.memory_space<vmem>>) attributes {dimension_semantics = [#tpu.dimension_semantics<arbitrary>], iteration_bounds = array<i64: 10>, scalar_prefetch = 0 : i64, scratch_operands = 0 : i64, tpu.core_type = #tpu.core_type<tc>, window_params = [{transform_indices = @transform_0, window_bounds = array<i64: 1000, 128>}, {pipeline_mode = #tpu.pipeline_mode<synchronous>, transform_indices = @transform_1, window_bounds = array<i64: 128, 128>}, {transform_indices = @transform_2, window_bounds = array<i64: 1000, 128>}]} {
    %get3A = arith.constant 0 : index
    %get3A_0 = arith.constant 0 : index
    %get3A_1 = vector.load %arg1[%get3A, %get3A_0] : memref<1000x128xf32, #tpu.memory_space<vmem>>, vector<1000x128xf32>
    %get3A_2 = arith.constant 0 : index
    %get3A_3 = arith.constant 0 : index
    %get3A_4 = vector.load %arg2[%get3A_2, %get3A_3] : memref<128x128xf32, #tpu.memory_space<vmem>>, vector<128x128xf32>
    %dot_general3A = arith.constant dense<0.000000e+00> : vector<1000x128xf32>
    %dot_general3A_5 = tpu.matmul %get3A_1, %get3A_4, %dot_general3A {dimension_numbers = #tpu.dot_dimension_numbers<[1], [0], [0], [1], [0, 0, 1, 1], [], []>, precision = #tpu.contract_precision<fp32>, transpose_lhs_hint = false} : vector<1000x128xf32>, vector<128x128xf32>, vector<1000x128xf32> -> vector<1000x128xf32>
    %swap3A = arith.constant 0 : index
    %swap3A_6 = arith.constant 0 : index
    %swap3A_7 = vector.load %arg3[%swap3A, %swap3A_6] : memref<1000x128xf32, #tpu.memory_space<vmem>>, vector<1000x128xf32>
    tpu.vector_store %arg3[%swap3A, %swap3A_6], %dot_general3A_5 {strides = array<i32>} : memref<1000x128xf32, #tpu.memory_space<vmem>>, vector<1000x128xf32>,
    return
  }
  func.func @transform_0(%arg0: i32) -> (i32, i32) {
    %c0_i32 = arith.constant 0 : i32
    %c0_i32_0 = arith.constant 0 : i32
    return %arg0, %c0_i32 : i32, i32
  }
  func.func @transform_1(%arg0: i32) -> (i32, i32) {
    %c0_i32 = arith.constant 0 : i32
    %c0_i32_0 = arith.constant 0 : i32
    %c0_i32_1 = arith.constant 0 : i32
    return %c0_i32, %c0_i32_0 : i32, i32
  }
  func.func @transform_2(%arg0: i32) -> (i32, i32) {
    %c0_i32 = arith.constant 0 : i32
    %c0_i32_0 = arith.constant 0 : i32
    return %arg0, %c0_i32 : i32, i32
  }
}

module attributes {stable_mosaic.version = 14 : i64} {
  func.func @_basis_body(%arg0: i32, %arg1: memref<8x128xf32, #tpu.memory_space<vmem>>, %arg2: memref<8x128xf32, #tpu.memory_space<vmem>>, %arg3: memref<1x128xf32, #tpu.memory_space<vmem>>, %arg4: memref<128x128xf32, #tpu.memory_space<vmem>>, %arg5: memref<1x128xf32, #tpu.memory_space<vmem>>, %arg6: memref<128x128xf32, #tpu.memory_space<vmem>>, %arg7: memref<128x128xf32, #tpu.memory_space<vmem>>, %arg8: memref<1024x128xf32, #tpu.memory_space<vmem>>, %arg9: memref<1024x128xf32, #tpu.memory_space<vmem>>) attributes {dimension_semantics = [#tpu.dimension_semantics<arbitrary>], iteration_bounds = array<i64: 313>, scalar_prefetch = 0 : i64, scratch_operands = 0 : i64, tpu.core_type = #tpu.core_type<tc>, window_params = [{transform_indices = @transform_0, window_bounds = array<i64: 8, 128>}, {pipeline_mode = #tpu.pipeline_mode<synchronous>, transform_indices = @transform_1, window_bounds = array<i64: 8, 128>}, {pipeline_mode = #tpu.pipeline_mode<synchronous>, transform_indices = @transform_2, window_bounds = array<i64: 1, 128>}, {pipeline_mode = #tpu.pipeline_mode<synchronous>, transform_indices = @transform_3, window_bounds = array<i64: 128, 128>}, {pipeline_mode = #tpu.pipeline_mode<synchronous>, transform_indices = @transform_4, window_bounds = array<i64: 1, 128>}, {pipeline_mode = #tpu.pipeline_mode<synchronous>, transform_indices = @transform_5, window_bounds = array<i64: 128, 128>}, {pipeline_mode = #tpu.pipeline_mode<synchronous>, transform_indices = @transform_6, window_bounds = array<i64: 128, 128>}, {transform_indices = @transform_7, window_bounds = array<i64: 1024, 128>}, {transform_indices = @transform_8, window_bounds = array<i64: 1024, 128>}]} {
    %get3A = arith.constant 0 : index
    %get3A_0 = arith.constant 0 : index
    %get3A_1 = vector.load %arg1[%get3A, %get3A_0] : memref<8x128xf32, #tpu.memory_space<vmem>>, vector<8x128xf32>
    %transpose3A = tpu.transpose %get3A_1, [1, 0] : vector<8x128xf32> -> vector<128x8xf32>
    %slice3A = vector.extract_strided_slice %transpose3A {offsets = [0, 0], sizes = [128, 1], strides = [1, 1]} : vector<128x8xf32> to vector<128x1xf32>
    %slice3A_2 = vector.extract_strided_slice %transpose3A {offsets = [0, 1], sizes = [128, 1], strides = [1, 1]} : vector<128x8xf32> to vector<128x1xf32>
    %slice3A_3 = vector.extract_strided_slice %transpose3A {offsets = [0, 2], sizes = [128, 1], strides = [1, 1]} : vector<128x8xf32> to vector<128x1xf32>
    %slice3A_4 = vector.extract_strided_slice %transpose3A {offsets = [0, 3], sizes = [128, 1], strides = [1, 1]} : vector<128x8xf32> to vector<128x1xf32>
    %slice3A_5 = vector.extract_strided_slice %transpose3A {offsets = [0, 4], sizes = [128, 1], strides = [1, 1]} : vector<128x8xf32> to vector<128x1xf32>
    %slice3A_6 = vector.extract_strided_slice %transpose3A {offsets = [0, 5], sizes = [128, 1], strides = [1, 1]} : vector<128x8xf32> to vector<128x1xf32>
    %slice3A_7 = vector.extract_strided_slice %transpose3A {offsets = [0, 6], sizes = [128, 1], strides = [1, 1]} : vector<128x8xf32> to vector<128x1xf32>
    %slice3A_8 = vector.extract_strided_slice %transpose3A {offsets = [0, 7], sizes = [128, 1], strides = [1, 1]} : vector<128x8xf32> to vector<128x1xf32>
    %concatenate3A = tpu.concatenate %slice3A, %slice3A_2, %slice3A_3, %slice3A_4, %slice3A_5, %slice3A_6, %slice3A_7, %slice3A_8 in 0 : vector<128x1xf32>, vector<128x1xf32>, vector<128x1xf32>, vector<128x1xf32>, vector<128x1xf32>, vector<128x1xf32>, vector<128x1xf32>, vector<128x1xf32> -> vector<1024x1xf32>
    %sqrt3A = math.sqrt %concatenate3A : vector<1024x1xf32>
    %mul3A = arith.mulf %concatenate3A, %sqrt3A : vector<1024x1xf32>
    %get3A_9 = arith.constant 0 : index
    %get3A_10 = arith.constant 0 : index
    %get3A_11 = vector.load %arg2[%get3A_9, %get3A_10] : memref<8x128xf32, #tpu.memory_space<vmem>>, vector<8x128xf32>
    %slice3A_12 = vector.extract_strided_slice %get3A_11 {offsets = [0, 0], sizes = [1, 128], strides = [1, 1]} : vector<8x128xf32> to vector<1x128xf32>
    %mul3A_13 = vector.broadcast %sqrt3A : vector<1024x1xf32> to vector<1024x128xf32>
    %mul3A_14 = vector.broadcast %slice3A_12 : vector<1x128xf32> to vector<1024x128xf32>
    %mul3A_15 = arith.mulf %mul3A_13, %mul3A_14 : vector<1024x128xf32>
    %slice3A_16 = vector.extract_strided_slice %get3A_11 {offsets = [1, 0], sizes = [1, 128], strides = [1, 1]} : vector<8x128xf32> to vector<1x128xf32>
    %mul3A_17 = vector.broadcast %concatenate3A : vector<1024x1xf32> to vector<1024x128xf32>
    %mul3A_18 = vector.broadcast %slice3A_16 : vector<1x128xf32> to vector<1024x128xf32>
    %mul3A_19 = arith.mulf %mul3A_17, %mul3A_18 : vector<1024x128xf32>
    %add3A = arith.addf %mul3A_15, %mul3A_19 : vector<1024x128xf32>
    %slice3A_20 = vector.extract_strided_slice %get3A_11 {offsets = [2, 0], sizes = [1, 128], strides = [1, 1]} : vector<8x128xf32> to vector<1x128xf32>
    %mul3A_21 = vector.broadcast %mul3A : vector<1024x1xf32> to vector<1024x128xf32>
    %mul3A_22 = vector.broadcast %slice3A_20 : vector<1x128xf32> to vector<1024x128xf32>
    %mul3A_23 = arith.mulf %mul3A_21, %mul3A_22 : vector<1024x128xf32>
    %add3A_24 = arith.addf %add3A, %mul3A_23 : vector<1024x128xf32>
    %get3A_25 = arith.constant 0 : index
    %get3A_26 = arith.constant 0 : index
    %get3A_27 = vector.load %arg3[%get3A_25, %get3A_26] : memref<1x128xf32, #tpu.memory_space<vmem>>, vector<1x128xf32>
    %add3A_28 = vector.broadcast %get3A_27 : vector<1x128xf32> to vector<1024x128xf32>
    %add3A_29 = arith.addf %add3A_24, %add3A_28 : vector<1024x128xf32>
    %integer_pow3A = arith.mulf %add3A_29, %add3A_29 : vector<1024x128xf32>
    %integer_pow3A_30 = arith.mulf %add3A_29, %integer_pow3A : vector<1024x128xf32>
    %mul3A_31 = arith.constant 4.471500e-02 : f32
    %mul3A_32 = vector.broadcast %mul3A_31 : f32 to vector<1024x128xf32>
    %mul3A_33 = arith.mulf %mul3A_32, %integer_pow3A_30 : vector<1024x128xf32>
    %add3A_34 = arith.addf %add3A_29, %mul3A_33 : vector<1024x128xf32>
    %mul3A_35 = arith.constant 0.797884583 : f32
    %mul3A_36 = vector.broadcast %mul3A_35 : f32 to vector<1024x128xf32>
    %mul3A_37 = arith.mulf %mul3A_36, %add3A_34 : vector<1024x128xf32>
    %tanh3A = math.tanh %mul3A_37 : vector<1024x128xf32>
    %add3A_38 = arith.constant 1.000000e+00 : f32
    %add3A_39 = vector.broadcast %add3A_38 : f32 to vector<1024x128xf32>
    %add3A_40 = arith.addf %add3A_39, %tanh3A : vector<1024x128xf32>
    %mul3A_41 = arith.constant 5.000000e-01 : f32
    %mul3A_42 = vector.broadcast %mul3A_41 : f32 to vector<1024x128xf32>
    %mul3A_43 = arith.mulf %mul3A_42, %add3A_40 : vector<1024x128xf32>
    %mul3A_44 = arith.mulf %add3A_29, %mul3A_43 : vector<1024x128xf32>
    %get3A_45 = arith.constant 0 : index
    %get3A_46 = arith.constant 0 : index
    %get3A_47 = vector.load %arg4[%get3A_45, %get3A_46] : memref<128x128xf32, #tpu.memory_space<vmem>>, vector<128x128xf32>
    %dot_general3A = arith.constant dense<0.000000e+00> : vector<1024x128xf32>
    %dot_general3A_48 = tpu.matmul %mul3A_44, %get3A_47, %dot_general3A {dimension_numbers = #tpu.dot_dimension_numbers<[1], [0], [0], [1], [0, 0, 1, 1], [], []>, precision = #tpu.contract_precision<fp32>, transpose_lhs_hint = false} : vector<1024x128xf32>, vector<128x128xf32>, vector<1024x128xf32> -> vector<1024x128xf32>
    %get3A_49 = arith.constant 0 : index
    %get3A_50 = arith.constant 0 : index
    %get3A_51 = vector.load %arg5[%get3A_49, %get3A_50] : memref<1x128xf32, #tpu.memory_space<vmem>>, vector<1x128xf32>
    %add3A_52 = vector.broadcast %get3A_51 : vector<1x128xf32> to vector<1024x128xf32>
    %add3A_53 = arith.addf %dot_general3A_48, %add3A_52 : vector<1024x128xf32>
    %integer_pow3A_54 = arith.mulf %add3A_53, %add3A_53 : vector<1024x128xf32>
    %integer_pow3A_55 = arith.mulf %add3A_53, %integer_pow3A_54 : vector<1024x128xf32>
    %mul3A_56 = arith.constant 4.471500e-02 : f32
    %mul3A_57 = vector.broadcast %mul3A_56 : f32 to vector<1024x128xf32>
    %mul3A_58 = arith.mulf %mul3A_57, %integer_pow3A_55 : vector<1024x128xf32>
    %add3A_59 = arith.addf %add3A_53, %mul3A_58 : vector<1024x128xf32>
    %mul3A_60 = arith.constant 0.797884583 : f32
    %mul3A_61 = vector.broadcast %mul3A_60 : f32 to vector<1024x128xf32>
    %mul3A_62 = arith.mulf %mul3A_61, %add3A_59 : vector<1024x128xf32>
    %tanh3A_63 = math.tanh %mul3A_62 : vector<1024x128xf32>
    %add3A_64 = arith.constant 1.000000e+00 : f32
    %add3A_65 = vector.broadcast %add3A_64 : f32 to vector<1024x128xf32>
    %add3A_66 = arith.addf %add3A_65, %tanh3A_63 : vector<1024x128xf32>
    %mul3A_67 = arith.constant 5.000000e-01 : f32
    %mul3A_68 = vector.broadcast %mul3A_67 : f32 to vector<1024x128xf32>
    %mul3A_69 = arith.mulf %mul3A_68, %add3A_66 : vector<1024x128xf32>
    %mul3A_70 = arith.mulf %add3A_53, %mul3A_69 : vector<1024x128xf32>
    %get3A_71 = arith.constant 0 : index
    %get3A_72 = arith.constant 0 : index
    %get3A_73 = vector.load %arg6[%get3A_71, %get3A_72] : memref<128x128xf32, #tpu.memory_space<vmem>>, vector<128x128xf32>
    %dot_general3A_74 = arith.constant dense<0.000000e+00> : vector<1024x128xf32>
    %dot_general3A_75 = tpu.matmul %mul3A_70, %get3A_73, %dot_general3A_74 {dimension_numbers = #tpu.dot_dimension_numbers<[1], [0], [0], [1], [0, 0, 1, 1], [], []>, precision = #tpu.contract_precision<fp32>, transpose_lhs_hint = false} : vector<1024x128xf32>, vector<128x128xf32>, vector<1024x128xf32> -> vector<1024x128xf32>
    %swap3A = arith.constant 0 : index
    %swap3A_76 = arith.constant 0 : index
    %swap3A_77 = vector.load %arg8[%swap3A, %swap3A_76] : memref<1024x128xf32, #tpu.memory_space<vmem>>, vector<1024x128xf32>
    tpu.vector_store %arg8[%swap3A, %swap3A_76], %dot_general3A_75 {strides = array<i32>} : memref<1024x128xf32, #tpu.memory_space<vmem>>, vector<1024x128xf32>,
    %get3A_78 = arith.constant 0 : index
    %get3A_79 = arith.constant 0 : index
    %get3A_80 = vector.load %arg7[%get3A_78, %get3A_79] : memref<128x128xf32, #tpu.memory_space<vmem>>, vector<128x128xf32>
    %dot_general3A_81 = arith.constant dense<0.000000e+00> : vector<1024x128xf32>
    %dot_general3A_82 = tpu.matmul %mul3A_70, %get3A_80, %dot_general3A_81 {dimension_numbers = #tpu.dot_dimension_numbers<[1], [0], [0], [1], [0, 0, 1, 1], [], []>, precision = #tpu.contract_precision<fp32>, transpose_lhs_hint = false} : vector<1024x128xf32>, vector<128x128xf32>, vector<1024x128xf32> -> vector<1024x128xf32>
    %swap3A_83 = arith.constant 0 : index
    %swap3A_84 = arith.constant 0 : index
    %swap3A_85 = vector.load %arg9[%swap3A_83, %swap3A_84] : memref<1024x128xf32, #tpu.memory_space<vmem>>, vector<1024x128xf32>
    tpu.vector_store %arg9[%swap3A_83, %swap3A_84], %dot_general3A_82 {strides = array<i32>} : memref<1024x128xf32, #tpu.memory_space<vmem>>, vector<1024x128xf32>,
    return
  }
  func.func @transform_0(%arg0: i32) -> (i32, i32) {
    %c0_i32 = arith.constant 0 : i32
    %c0_i32_0 = arith.constant 0 : i32
    return %arg0, %c0_i32 : i32, i32
  }
  func.func @transform_1(%arg0: i32) -> (i32, i32) {
    %c0_i32 = arith.constant 0 : i32
    %c0_i32_0 = arith.constant 0 : i32
    %c0_i32_1 = arith.constant 0 : i32
    return %c0_i32, %c0_i32_0 : i32, i32
  }
  func.func @transform_2(%arg0: i32) -> (i32, i32) {
    %c0_i32 = arith.constant 0 : i32
    %c0_i32_0 = arith.constant 0 : i32
    %c0_i32_1 = arith.constant 0 : i32
    return %c0_i32, %c0_i32_0 : i32, i32
  }
  func.func @transform_3(%arg0: i32) -> (i32, i32) {
    %c0_i32 = arith.constant 0 : i32
    %c0_i32_0 = arith.constant 0 : i32
    %c0_i32_1 = arith.constant 0 : i32
    return %c0_i32, %c0_i32_0 : i32, i32
  }
  func.func @transform_4(%arg0: i32) -> (i32, i32) {
    %c0_i32 = arith.constant 0 : i32
    %c0_i32_0 = arith.constant 0 : i32
    %c0_i32_1 = arith.constant 0 : i32
    return %c0_i32, %c0_i32_0 : i32, i32
  }
  func.func @transform_5(%arg0: i32) -> (i32, i32) {
    %c0_i32 = arith.constant 0 : i32
    %c0_i32_0 = arith.constant 0 : i32
    %c0_i32_1 = arith.constant 0 : i32
    return %c0_i32, %c0_i32_0 : i32, i32
  }
  func.func @transform_6(%arg0: i32) -> (i32, i32) {
    %c0_i32 = arith.constant 0 : i32
    %c0_i32_0 = arith.constant 0 : i32
    %c0_i32_1 = arith.constant 0 : i32
    return %c0_i32, %c0_i32_0 : i32, i32
  }
  func.func @transform_7(%arg0: i32) -> (i32, i32) {
    %c0_i32 = arith.constant 0 : i32
    %c0_i32_0 = arith.constant 0 : i32
    return %arg0, %c0_i32 : i32, i32
  }
  func.func @transform_8(%arg0: i32) -> (i32, i32) {
    %c0_i32 = arith.constant 0 : i32
    %c0_i32_0 = arith.constant 0 : i32
    return %arg0, %c0_i32 : i32, i32
  }
}

module attributes {stable_mosaic.version = 14 : i64} {
  func.func @_node_body(%arg0: i32, %arg1: memref<1000x128xf32, #tpu.memory_space<vmem>>, %arg2: memref<1000x128xf32, #tpu.memory_space<vmem>>, %arg3: memref<1000x128xf32, #tpu.memory_space<vmem>>, %arg4: memref<1x128xf32, #tpu.memory_space<vmem>>, %arg5: memref<1x128xf32, #tpu.memory_space<vmem>>, %arg6: memref<128x512xf32, #tpu.memory_space<vmem>>, %arg7: memref<1x512xf32, #tpu.memory_space<vmem>>, %arg8: memref<512x128xf32, #tpu.memory_space<vmem>>, %arg9: memref<1x128xf32, #tpu.memory_space<vmem>>, %arg10: memref<1000x128xf32, #tpu.memory_space<vmem>>) attributes {dimension_semantics = [#tpu.dimension_semantics<arbitrary>], iteration_bounds = array<i64: 10>, scalar_prefetch = 0 : i64, scratch_operands = 0 : i64, tpu.core_type = #tpu.core_type<tc>, window_params = [{transform_indices = @transform_0, window_bounds = array<i64: 1000, 128>}, {transform_indices = @transform_1, window_bounds = array<i64: 1000, 128>}, {transform_indices = @transform_2, window_bounds = array<i64: 1000, 128>}, {pipeline_mode = #tpu.pipeline_mode<synchronous>, transform_indices = @transform_3, window_bounds = array<i64: 1, 128>}, {pipeline_mode = #tpu.pipeline_mode<synchronous>, transform_indices = @transform_4, window_bounds = array<i64: 1, 128>}, {pipeline_mode = #tpu.pipeline_mode<synchronous>, transform_indices = @transform_5, window_bounds = array<i64: 128, 512>}, {pipeline_mode = #tpu.pipeline_mode<synchronous>, transform_indices = @transform_6, window_bounds = array<i64: 1, 512>}, {pipeline_mode = #tpu.pipeline_mode<synchronous>, transform_indices = @transform_7, window_bounds = array<i64: 512, 128>}, {pipeline_mode = #tpu.pipeline_mode<synchronous>, transform_indices = @transform_8, window_bounds = array<i64: 1, 128>}, {transform_indices = @transform_9, window_bounds = array<i64: 1000, 128>}]} {
    %get3A = arith.constant 0 : index
    %get3A_0 = arith.constant 0 : index
    %get3A_1 = vector.load %arg1[%get3A, %get3A_0] : memref<1000x128xf32, #tpu.memory_space<vmem>>, vector<1000x128xf32>
    %get3A_2 = arith.constant 0 : index
    %get3A_3 = arith.constant 0 : index
    %get3A_4 = vector.load %arg2[%get3A_2, %get3A_3] : memref<1000x128xf32, #tpu.memory_space<vmem>>, vector<1000x128xf32>
    %add3A = arith.addf %get3A_1, %get3A_4 : vector<1000x128xf32>
    %reduce_sum3A = arith.constant dense<0.000000e+00> : vector<1000xf32>
    %reduce_sum3A_5 = vector.multi_reduction <add>, %add3A, %reduce_sum3A [1] : vector<1000x128xf32> to vector<1000xf32>
    %broadcast_in_dim3A = vector.shape_cast %reduce_sum3A_5 : vector<1000xf32> to vector<1000x1xf32>
    %div3A = arith.constant 1.280000e+02 : f32
    %div3A_6 = vector.broadcast %div3A : f32 to vector<1000x1xf32>
    %div3A_7 = arith.divf %broadcast_in_dim3A, %div3A_6 : vector<1000x1xf32>
    %sub3A = vector.broadcast %div3A_7 : vector<1000x1xf32> to vector<1000x128xf32>
    %sub3A_8 = arith.subf %add3A, %sub3A : vector<1000x128xf32>
    %integer_pow3A = arith.mulf %sub3A_8, %sub3A_8 : vector<1000x128xf32>
    %reduce_sum3A_9 = arith.constant dense<0.000000e+00> : vector<1000xf32>
    %reduce_sum3A_10 = vector.multi_reduction <add>, %integer_pow3A, %reduce_sum3A_9 [1] : vector<1000x128xf32> to vector<1000xf32>
    %broadcast_in_dim3A_11 = vector.shape_cast %reduce_sum3A_10 : vector<1000xf32> to vector<1000x1xf32>
    %div3A_12 = arith.constant 1.280000e+02 : f32
    %div3A_13 = vector.broadcast %div3A_12 : f32 to vector<1000x1xf32>
    %div3A_14 = arith.divf %broadcast_in_dim3A_11, %div3A_13 : vector<1000x1xf32>
    %sub3A_15 = vector.broadcast %div3A_7 : vector<1000x1xf32> to vector<1000x128xf32>
    %sub3A_16 = arith.subf %add3A, %sub3A_15 : vector<1000x128xf32>
    %add3A_17 = arith.constant 9.99999974E-6 : f32
    %add3A_18 = vector.broadcast %add3A_17 : f32 to vector<1000x1xf32>
    %add3A_19 = arith.addf %div3A_14, %add3A_18 : vector<1000x1xf32>
    %sqrt3A = math.sqrt %add3A_19 : vector<1000x1xf32>
    %div3A_20 = vector.broadcast %sqrt3A : vector<1000x1xf32> to vector<1000x128xf32>
    %div3A_21 = arith.divf %sub3A_16, %div3A_20 : vector<1000x128xf32>
    %get3A_22 = arith.constant 0 : index
    %get3A_23 = arith.constant 0 : index
    %get3A_24 = vector.load %arg4[%get3A_22, %get3A_23] : memref<1x128xf32, #tpu.memory_space<vmem>>, vector<1x128xf32>
    %mul3A = vector.broadcast %get3A_24 : vector<1x128xf32> to vector<1000x128xf32>
    %mul3A_25 = arith.mulf %div3A_21, %mul3A : vector<1000x128xf32>
    %get3A_26 = arith.constant 0 : index
    %get3A_27 = arith.constant 0 : index
    %get3A_28 = vector.load %arg5[%get3A_26, %get3A_27] : memref<1x128xf32, #tpu.memory_space<vmem>>, vector<1x128xf32>
    %add3A_29 = vector.broadcast %get3A_28 : vector<1x128xf32> to vector<1000x128xf32>
    %add3A_30 = arith.addf %mul3A_25, %add3A_29 : vector<1000x128xf32>
    %get3A_31 = arith.constant 0 : index
    %get3A_32 = arith.constant 0 : index
    %get3A_33 = vector.load %arg6[%get3A_31, %get3A_32] : memref<128x512xf32, #tpu.memory_space<vmem>>, vector<128x512xf32>
    %dot_general3A = arith.constant dense<0.000000e+00> : vector<1000x512xf32>
    %dot_general3A_34 = tpu.matmul %add3A_30, %get3A_33, %dot_general3A {dimension_numbers = #tpu.dot_dimension_numbers<[1], [0], [0], [1], [0, 0, 1, 1], [], []>, precision = #tpu.contract_precision<fp32>, transpose_lhs_hint = false} : vector<1000x128xf32>, vector<128x512xf32>, vector<1000x512xf32> -> vector<1000x512xf32>
    %get3A_35 = arith.constant 0 : index
    %get3A_36 = arith.constant 0 : index
    %get3A_37 = vector.load %arg7[%get3A_35, %get3A_36] : memref<1x512xf32, #tpu.memory_space<vmem>>, vector<1x512xf32>
    %add3A_38 = vector.broadcast %get3A_37 : vector<1x512xf32> to vector<1000x512xf32>
    %add3A_39 = arith.addf %dot_general3A_34, %add3A_38 : vector<1000x512xf32>
    %integer_pow3A_40 = arith.mulf %add3A_39, %add3A_39 : vector<1000x512xf32>
    %integer_pow3A_41 = arith.mulf %add3A_39, %integer_pow3A_40 : vector<1000x512xf32>
    %mul3A_42 = arith.constant 4.471500e-02 : f32
    %mul3A_43 = vector.broadcast %mul3A_42 : f32 to vector<1000x512xf32>
    %mul3A_44 = arith.mulf %mul3A_43, %integer_pow3A_41 : vector<1000x512xf32>
    %add3A_45 = arith.addf %add3A_39, %mul3A_44 : vector<1000x512xf32>
    %mul3A_46 = arith.constant 0.797884583 : f32
    %mul3A_47 = vector.broadcast %mul3A_46 : f32 to vector<1000x512xf32>
    %mul3A_48 = arith.mulf %mul3A_47, %add3A_45 : vector<1000x512xf32>
    %tanh3A = math.tanh %mul3A_48 : vector<1000x512xf32>
    %add3A_49 = arith.constant 1.000000e+00 : f32
    %add3A_50 = vector.broadcast %add3A_49 : f32 to vector<1000x512xf32>
    %add3A_51 = arith.addf %add3A_50, %tanh3A : vector<1000x512xf32>
    %mul3A_52 = arith.constant 5.000000e-01 : f32
    %mul3A_53 = vector.broadcast %mul3A_52 : f32 to vector<1000x512xf32>
    %mul3A_54 = arith.mulf %mul3A_53, %add3A_51 : vector<1000x512xf32>
    %mul3A_55 = arith.mulf %add3A_39, %mul3A_54 : vector<1000x512xf32>
    %get3A_56 = arith.constant 0 : index
    %get3A_57 = arith.constant 0 : index
    %get3A_58 = vector.load %arg3[%get3A_56, %get3A_57] : memref<1000x128xf32, #tpu.memory_space<vmem>>, vector<1000x128xf32>
    %get3A_59 = arith.constant 0 : index
    %get3A_60 = arith.constant 0 : index
    %get3A_61 = vector.load %arg8[%get3A_59, %get3A_60] : memref<512x128xf32, #tpu.memory_space<vmem>>, vector<512x128xf32>
    %dot_general3A_62 = arith.constant dense<0.000000e+00> : vector<1000x128xf32>
    %dot_general3A_63 = tpu.matmul %mul3A_55, %get3A_61, %dot_general3A_62 {dimension_numbers = #tpu.dot_dimension_numbers<[1], [0], [0], [1], [0, 0, 1, 1], [], []>, precision = #tpu.contract_precision<fp32>, transpose_lhs_hint = false} : vector<1000x512xf32>, vector<512x128xf32>, vector<1000x128xf32> -> vector<1000x128xf32>
    %add3A_64 = arith.addf %get3A_58, %dot_general3A_63 : vector<1000x128xf32>
    %get3A_65 = arith.constant 0 : index
    %get3A_66 = arith.constant 0 : index
    %get3A_67 = vector.load %arg9[%get3A_65, %get3A_66] : memref<1x128xf32, #tpu.memory_space<vmem>>, vector<1x128xf32>
    %add3A_68 = vector.broadcast %get3A_67 : vector<1x128xf32> to vector<1000x128xf32>
    %add3A_69 = arith.addf %add3A_64, %add3A_68 : vector<1000x128xf32>
    %swap3A = arith.constant 0 : index
    %swap3A_70 = arith.constant 0 : index
    %swap3A_71 = vector.load %arg10[%swap3A, %swap3A_70] : memref<1000x128xf32, #tpu.memory_space<vmem>>, vector<1000x128xf32>
    tpu.vector_store %arg10[%swap3A, %swap3A_70], %add3A_69 {strides = array<i32>} : memref<1000x128xf32, #tpu.memory_space<vmem>>, vector<1000x128xf32>,
    return
  }
  func.func @transform_0(%arg0: i32) -> (i32, i32) {
    %c0_i32 = arith.constant 0 : i32
    %c0_i32_0 = arith.constant 0 : i32
    return %arg0, %c0_i32 : i32, i32
  }
  func.func @transform_1(%arg0: i32) -> (i32, i32) {
    %c0_i32 = arith.constant 0 : i32
    %c0_i32_0 = arith.constant 0 : i32
    return %arg0, %c0_i32 : i32, i32
  }
  func.func @transform_2(%arg0: i32) -> (i32, i32) {
    %c0_i32 = arith.constant 0 : i32
    %c0_i32_0 = arith.constant 0 : i32
    return %arg0, %c0_i32 : i32, i32
  }
  func.func @transform_3(%arg0: i32) -> (i32, i32) {
    %c0_i32 = arith.constant 0 : i32
    %c0_i32_0 = arith.constant 0 : i32
    %c0_i32_1 = arith.constant 0 : i32
    return %c0_i32, %c0_i32_0 : i32, i32
  }
  func.func @transform_4(%arg0: i32) -> (i32, i32) {
    %c0_i32 = arith.constant 0 : i32
    %c0_i32_0 = arith.constant 0 : i32
    %c0_i32_1 = arith.constant 0 : i32
    return %c0_i32, %c0_i32_0 : i32, i32
  }
  func.func @transform_5(%arg0: i32) -> (i32, i32) {
    %c0_i32 = arith.constant 0 : i32
    %c0_i32_0 = arith.constant 0 : i32
    %c0_i32_1 = arith.constant 0 : i32
    return %c0_i32, %c0_i32_0 : i32, i32
  }
  func.func @transform_6(%arg0: i32) -> (i32, i32) {
    %c0_i32 = arith.constant 0 : i32
    %c0_i32_0 = arith.constant 0 : i32
    %c0_i32_1 = arith.constant 0 : i32
    return %c0_i32, %c0_i32_0 : i32, i32
  }
  func.func @transform_7(%arg0: i32) -> (i32, i32) {
    %c0_i32 = arith.constant 0 : i32
    %c0_i32_0 = arith.constant 0 : i32
    %c0_i32_1 = arith.constant 0 : i32
    return %c0_i32, %c0_i32_0 : i32, i32
  }
  func.func @transform_8(%arg0: i32) -> (i32, i32) {
    %c0_i32 = arith.constant 0 : i32
    %c0_i32_0 = arith.constant 0 : i32
    %c0_i32_1 = arith.constant 0 : i32
    return %c0_i32, %c0_i32_0 : i32, i32
  }
  func.func @transform_9(%arg0: i32) -> (i32, i32) {
    %c0_i32 = arith.constant 0 : i32
    %c0_i32_0 = arith.constant 0 : i32
    return %arg0, %c0_i32 : i32, i32
  }
}

module attributes {stable_mosaic.version = 14 : i64} {
  func.func @_final_body(%arg0: i32, %arg1: memref<1000x128xf32, #tpu.memory_space<vmem>>, %arg2: memref<1000x128xf32, #tpu.memory_space<vmem>>, %arg3: memref<1000x128xf32, #tpu.memory_space<vmem>>, %arg4: memref<1000x1xi32, #tpu.memory_space<vmem>>, %arg5: memref<1x128xf32, #tpu.memory_space<vmem>>, %arg6: memref<1x128xf32, #tpu.memory_space<vmem>>, %arg7: memref<128x512xf32, #tpu.memory_space<vmem>>, %arg8: memref<1x512xf32, #tpu.memory_space<vmem>>, %arg9: memref<512x128xf32, #tpu.memory_space<vmem>>, %arg10: memref<1x128xf32, #tpu.memory_space<vmem>>, %arg11: memref<1x128xf32, #tpu.memory_space<vmem>>, %arg12: memref<1x1xf32, #tpu.memory_space<vmem>>, %arg13: memref<1x128xf32, #tpu.memory_space<vmem>>, %arg14: memref<1x1xf32, #tpu.memory_space<vmem>>, %arg15: memref<1x16xf32, #tpu.memory_space<vmem>>) attributes {dimension_semantics = [#tpu.dimension_semantics<arbitrary>], iteration_bounds = array<i64: 10>, scalar_prefetch = 0 : i64, scratch_operands = 0 : i64, tpu.core_type = #tpu.core_type<tc>, window_params = [{transform_indices = @transform_0, window_bounds = array<i64: 1000, 128>}, {transform_indices = @transform_1, window_bounds = array<i64: 1000, 128>}, {transform_indices = @transform_2, window_bounds = array<i64: 1000, 128>}, {transform_indices = @transform_3, window_bounds = array<i64: 1000, 1>}, {pipeline_mode = #tpu.pipeline_mode<synchronous>, transform_indices = @transform_4, window_bounds = array<i64: 1, 128>}, {pipeline_mode = #tpu.pipeline_mode<synchronous>, transform_indices = @transform_5, window_bounds = array<i64: 1, 128>}, {pipeline_mode = #tpu.pipeline_mode<synchronous>, transform_indices = @transform_6, window_bounds = array<i64: 128, 512>}, {pipeline_mode = #tpu.pipeline_mode<synchronous>, transform_indices = @transform_7, window_bounds = array<i64: 1, 512>}, {pipeline_mode = #tpu.pipeline_mode<synchronous>, transform_indices = @transform_8, window_bounds = array<i64: 512, 128>}, {pipeline_mode = #tpu.pipeline_mode<synchronous>, transform_indices = @transform_9, window_bounds = array<i64: 1, 128>}, {pipeline_mode = #tpu.pipeline_mode<synchronous>, transform_indices = @transform_10, window_bounds = array<i64: 1, 128>}, {pipeline_mode = #tpu.pipeline_mode<synchronous>, transform_indices = @transform_11, window_bounds = array<i64: 1, 1>}, {pipeline_mode = #tpu.pipeline_mode<synchronous>, transform_indices = @transform_12, window_bounds = array<i64: 1, 128>}, {pipeline_mode = #tpu.pipeline_mode<synchronous>, transform_indices = @transform_13, window_bounds = array<i64: 1, 1>}, {pipeline_mode = #tpu.pipeline_mode<synchronous>, transform_indices = @transform_14, window_bounds = array<i64: 1, 16>}]} {
    %get3A = arith.constant 0 : index
    %get3A_0 = arith.constant 0 : index
    %get3A_1 = vector.load %arg1[%get3A, %get3A_0] : memref<1000x128xf32, #tpu.memory_space<vmem>>, vector<1000x128xf32>
    %get3A_2 = arith.constant 0 : index
    %get3A_3 = arith.constant 0 : index
    %get3A_4 = vector.load %arg2[%get3A_2, %get3A_3] : memref<1000x128xf32, #tpu.memory_space<vmem>>, vector<1000x128xf32>
    %add3A = arith.addf %get3A_1, %get3A_4 : vector<1000x128xf32>
    %reduce_sum3A = arith.constant dense<0.000000e+00> : vector<1000xf32>
    %reduce_sum3A_5 = vector.multi_reduction <add>, %add3A, %reduce_sum3A [1] : vector<1000x128xf32> to vector<1000xf32>
    %broadcast_in_dim3A = vector.shape_cast %reduce_sum3A_5 : vector<1000xf32> to vector<1000x1xf32>
    %div3A = arith.constant 1.280000e+02 : f32
    %div3A_6 = vector.broadcast %div3A : f32 to vector<1000x1xf32>
    %div3A_7 = arith.divf %broadcast_in_dim3A, %div3A_6 : vector<1000x1xf32>
    %sub3A = vector.broadcast %div3A_7 : vector<1000x1xf32> to vector<1000x128xf32>
    %sub3A_8 = arith.subf %add3A, %sub3A : vector<1000x128xf32>
    %integer_pow3A = arith.mulf %sub3A_8, %sub3A_8 : vector<1000x128xf32>
    %reduce_sum3A_9 = arith.constant dense<0.000000e+00> : vector<1000xf32>
    %reduce_sum3A_10 = vector.multi_reduction <add>, %integer_pow3A, %reduce_sum3A_9 [1] : vector<1000x128xf32> to vector<1000xf32>
    %broadcast_in_dim3A_11 = vector.shape_cast %reduce_sum3A_10 : vector<1000xf32> to vector<1000x1xf32>
    %div3A_12 = arith.constant 1.280000e+02 : f32
    %div3A_13 = vector.broadcast %div3A_12 : f32 to vector<1000x1xf32>
    %div3A_14 = arith.divf %broadcast_in_dim3A_11, %div3A_13 : vector<1000x1xf32>
    %sub3A_15 = vector.broadcast %div3A_7 : vector<1000x1xf32> to vector<1000x128xf32>
    %sub3A_16 = arith.subf %add3A, %sub3A_15 : vector<1000x128xf32>
    %add3A_17 = arith.constant 9.99999974E-6 : f32
    %add3A_18 = vector.broadcast %add3A_17 : f32 to vector<1000x1xf32>
    %add3A_19 = arith.addf %div3A_14, %add3A_18 : vector<1000x1xf32>
    %sqrt3A = math.sqrt %add3A_19 : vector<1000x1xf32>
    %div3A_20 = vector.broadcast %sqrt3A : vector<1000x1xf32> to vector<1000x128xf32>
    %div3A_21 = arith.divf %sub3A_16, %div3A_20 : vector<1000x128xf32>
    %get3A_22 = arith.constant 0 : index
    %get3A_23 = arith.constant 0 : index
    %get3A_24 = vector.load %arg5[%get3A_22, %get3A_23] : memref<1x128xf32, #tpu.memory_space<vmem>>, vector<1x128xf32>
    %mul3A = vector.broadcast %get3A_24 : vector<1x128xf32> to vector<1000x128xf32>
    %mul3A_25 = arith.mulf %div3A_21, %mul3A : vector<1000x128xf32>
    %get3A_26 = arith.constant 0 : index
    %get3A_27 = arith.constant 0 : index
    %get3A_28 = vector.load %arg6[%get3A_26, %get3A_27] : memref<1x128xf32, #tpu.memory_space<vmem>>, vector<1x128xf32>
    %add3A_29 = vector.broadcast %get3A_28 : vector<1x128xf32> to vector<1000x128xf32>
    %add3A_30 = arith.addf %mul3A_25, %add3A_29 : vector<1000x128xf32>
    %get3A_31 = arith.constant 0 : index
    %get3A_32 = arith.constant 0 : index
    %get3A_33 = vector.load %arg7[%get3A_31, %get3A_32] : memref<128x512xf32, #tpu.memory_space<vmem>>, vector<128x512xf32>
    %dot_general3A = arith.constant dense<0.000000e+00> : vector<1000x512xf32>
    %dot_general3A_34 = tpu.matmul %add3A_30, %get3A_33, %dot_general3A {dimension_numbers = #tpu.dot_dimension_numbers<[1], [0], [0], [1], [0, 0, 1, 1], [], []>, precision = #tpu.contract_precision<fp32>, transpose_lhs_hint = false} : vector<1000x128xf32>, vector<128x512xf32>, vector<1000x512xf32> -> vector<1000x512xf32>
    %get3A_35 = arith.constant 0 : index
    %get3A_36 = arith.constant 0 : index
    %get3A_37 = vector.load %arg8[%get3A_35, %get3A_36] : memref<1x512xf32, #tpu.memory_space<vmem>>, vector<1x512xf32>
    %add3A_38 = vector.broadcast %get3A_37 : vector<1x512xf32> to vector<1000x512xf32>
    %add3A_39 = arith.addf %dot_general3A_34, %add3A_38 : vector<1000x512xf32>
    %integer_pow3A_40 = arith.mulf %add3A_39, %add3A_39 : vector<1000x512xf32>
    %integer_pow3A_41 = arith.mulf %add3A_39, %integer_pow3A_40 : vector<1000x512xf32>
    %mul3A_42 = arith.constant 4.471500e-02 : f32
    %mul3A_43 = vector.broadcast %mul3A_42 : f32 to vector<1000x512xf32>
    %mul3A_44 = arith.mulf %mul3A_43, %integer_pow3A_41 : vector<1000x512xf32>
    %add3A_45 = arith.addf %add3A_39, %mul3A_44 : vector<1000x512xf32>
    %mul3A_46 = arith.constant 0.797884583 : f32
    %mul3A_47 = vector.broadcast %mul3A_46 : f32 to vector<1000x512xf32>
    %mul3A_48 = arith.mulf %mul3A_47, %add3A_45 : vector<1000x512xf32>
    %tanh3A = math.tanh %mul3A_48 : vector<1000x512xf32>
    %add3A_49 = arith.constant 1.000000e+00 : f32
    %add3A_50 = vector.broadcast %add3A_49 : f32 to vector<1000x512xf32>
    %add3A_51 = arith.addf %add3A_50, %tanh3A : vector<1000x512xf32>
    %mul3A_52 = arith.constant 5.000000e-01 : f32
    %mul3A_53 = vector.broadcast %mul3A_52 : f32 to vector<1000x512xf32>
    %mul3A_54 = arith.mulf %mul3A_53, %add3A_51 : vector<1000x512xf32>
    %mul3A_55 = arith.mulf %add3A_39, %mul3A_54 : vector<1000x512xf32>
    %get3A_56 = arith.constant 0 : index
    %get3A_57 = arith.constant 0 : index
    %get3A_58 = vector.load %arg3[%get3A_56, %get3A_57] : memref<1000x128xf32, #tpu.memory_space<vmem>>, vector<1000x128xf32>
    %get3A_59 = arith.constant 0 : index
    %get3A_60 = arith.constant 0 : index
    %get3A_61 = vector.load %arg9[%get3A_59, %get3A_60] : memref<512x128xf32, #tpu.memory_space<vmem>>, vector<512x128xf32>
    %dot_general3A_62 = arith.constant dense<0.000000e+00> : vector<1000x128xf32>
    %dot_general3A_63 = tpu.matmul %mul3A_55, %get3A_61, %dot_general3A_62 {dimension_numbers = #tpu.dot_dimension_numbers<[1], [0], [0], [1], [0, 0, 1, 1], [], []>, precision = #tpu.contract_precision<fp32>, transpose_lhs_hint = false} : vector<1000x512xf32>, vector<512x128xf32>, vector<1000x128xf32> -> vector<1000x128xf32>
    %add3A_64 = arith.addf %get3A_58, %dot_general3A_63 : vector<1000x128xf32>
    %get3A_65 = arith.constant 0 : index
    %get3A_66 = arith.constant 0 : index
    %get3A_67 = vector.load %arg10[%get3A_65, %get3A_66] : memref<1x128xf32, #tpu.memory_space<vmem>>, vector<1x128xf32>
    %add3A_68 = vector.broadcast %get3A_67 : vector<1x128xf32> to vector<1000x128xf32>
    %add3A_69 = arith.addf %add3A_64, %add3A_68 : vector<1000x128xf32>
    %get3A_70 = arith.constant 0 : index
    %get3A_71 = arith.constant 0 : index
    %get3A_72 = vector.load %arg11[%get3A_70, %get3A_71] : memref<1x128xf32, #tpu.memory_space<vmem>>, vector<1x128xf32>
    %mul3A_73 = vector.broadcast %get3A_72 : vector<1x128xf32> to vector<1000x128xf32>
    %mul3A_74 = arith.mulf %get3A_58, %mul3A_73 : vector<1000x128xf32>
    %reduce_sum3A_75 = arith.constant dense<0.000000e+00> : vector<1000xf32>
    %reduce_sum3A_76 = vector.multi_reduction <add>, %mul3A_74, %reduce_sum3A_75 [1] : vector<1000x128xf32> to vector<1000xf32>
    %broadcast_in_dim3A_77 = vector.shape_cast %reduce_sum3A_76 : vector<1000xf32> to vector<1000x1xf32>
    %get3A_78 = arith.constant 0 : index
    %get3A_79 = arith.constant 0 : index
    %get3A_80 = vector.load %arg12[%get3A_78, %get3A_79] : memref<1x1xf32, #tpu.memory_space<vmem>>, vector<1x1xf32>
    %add3A_81 = vector.broadcast %get3A_80 : vector<1x1xf32> to vector<1000x1xf32>
    %add3A_82 = arith.addf %broadcast_in_dim3A_77, %add3A_81 : vector<1000x1xf32>
    %get3A_83 = arith.constant 0 : index
    %get3A_84 = arith.constant 0 : index
    %get3A_85 = vector.load %arg13[%get3A_83, %get3A_84] : memref<1x128xf32, #tpu.memory_space<vmem>>, vector<1x128xf32>
    %mul3A_86 = vector.broadcast %get3A_85 : vector<1x128xf32> to vector<1000x128xf32>
    %mul3A_87 = arith.mulf %add3A_69, %mul3A_86 : vector<1000x128xf32>
    %reduce_sum3A_88 = arith.constant dense<0.000000e+00> : vector<1000xf32>
    %reduce_sum3A_89 = vector.multi_reduction <add>, %mul3A_87, %reduce_sum3A_88 [1] : vector<1000x128xf32> to vector<1000xf32>
    %broadcast_in_dim3A_90 = vector.shape_cast %reduce_sum3A_89 : vector<1000xf32> to vector<1000x1xf32>
    %add3A_91 = arith.addf %add3A_82, %broadcast_in_dim3A_90 : vector<1000x1xf32>
    %get3A_92 = arith.constant 0 : index
    %get3A_93 = arith.constant 0 : index
    %get3A_94 = vector.load %arg14[%get3A_92, %get3A_93] : memref<1x1xf32, #tpu.memory_space<vmem>>, vector<1x1xf32>
    %add3A_95 = vector.broadcast %get3A_94 : vector<1x1xf32> to vector<1000x1xf32>
    %add3A_96 = arith.addf %add3A_91, %add3A_95 : vector<1000x1xf32>
    %iota3A = tpu.iota {dimensions = array<i32: 1>} : vector<1000x16xi32>
    %get3A_97 = arith.constant 0 : index
    %get3A_98 = arith.constant 0 : index
    %get3A_99 = vector.load %arg4[%get3A_97, %get3A_98] : memref<1000x1xi32, #tpu.memory_space<vmem>>, vector<1000x1xi32>
    %eq3A = vector.broadcast %get3A_99 : vector<1000x1xi32> to vector<1000x16xi32>
    %eq3A_100 = arith.cmpi eq, %eq3A, %iota3A : vector<1000x16xi32>
    %convert_element_type3A = arith.extui %eq3A_100 : vector<1000x16xi1> to vector<1000x16xi32>
    %convert_element_type3A_101 = arith.sitofp %convert_element_type3A : vector<1000x16xi32> to vector<1000x16xf32>
    %mul3A_102 = vector.broadcast %add3A_96 : vector<1000x1xf32> to vector<1000x16xf32>
    %mul3A_103 = arith.mulf %convert_element_type3A_101, %mul3A_102 : vector<1000x16xf32>
    %reduce_sum3A_104 = arith.constant dense<0.000000e+00> : vector<16xf32>
    %reduce_sum3A_105 = vector.multi_reduction <add>, %mul3A_103, %reduce_sum3A_104 [0] : vector<1000x16xf32> to vector<16xf32>
    %broadcast_in_dim3A_106 = vector.shape_cast %reduce_sum3A_105 : vector<16xf32> to vector<1x16xf32>
    %eq3A_107 = arith.constant 0 : i32
    %eq3A_108 = arith.cmpi eq, %arg0, %eq3A_107 : i32
    %convert_element_type3A_109 = arith.extui %eq3A_108 : i1 to i32
    %cond3A = arith.constant 0 : i32
    %cond3A_110 = arith.cmpi ne, %convert_element_type3A_109, %cond3A : i32
    scf.if %cond3A_110 {
      %broadcast_in_dim3A_117 = arith.constant 0.000000e+00 : f32
      %broadcast_in_dim3A_118 = vector.broadcast %broadcast_in_dim3A_117 : f32 to vector<1x16xf32>
      %swap3A_119 = arith.constant 0 : index
      %swap3A_120 = arith.constant 0 : index
      %swap3A_121 = vector.load %arg15[%swap3A_119, %swap3A_120] : memref<1x16xf32, #tpu.memory_space<vmem>>, vector<1x16xf32>
      tpu.vector_store %arg15[%swap3A_119, %swap3A_120], %broadcast_in_dim3A_118 {strides = array<i32>} : memref<1x16xf32, #tpu.memory_space<vmem>>, vector<1x16xf32>,
    } else {
    }
    %get3A_111 = arith.constant 0 : index
    %get3A_112 = arith.constant 0 : index
    %get3A_113 = vector.load %arg15[%get3A_111, %get3A_112] : memref<1x16xf32, #tpu.memory_space<vmem>>, vector<1x16xf32>
    %add3A_114 = arith.addf %get3A_113, %broadcast_in_dim3A_106 : vector<1x16xf32>
    %swap3A = arith.constant 0 : index
    %swap3A_115 = arith.constant 0 : index
    %swap3A_116 = vector.load %arg15[%swap3A, %swap3A_115] : memref<1x16xf32, #tpu.memory_space<vmem>>, vector<1x16xf32>
    tpu.vector_store %arg15[%swap3A, %swap3A_115], %add3A_114 {strides = array<i32>} : memref<1x16xf32, #tpu.memory_space<vmem>>, vector<1x16xf32>,
    return
  }
  func.func @transform_0(%arg0: i32) -> (i32, i32) {
    %c0_i32 = arith.constant 0 : i32
    %c0_i32_0 = arith.constant 0 : i32
    return %arg0, %c0_i32 : i32, i32
  }
  func.func @transform_1(%arg0: i32) -> (i32, i32) {
    %c0_i32 = arith.constant 0 : i32
    %c0_i32_0 = arith.constant 0 : i32
    return %arg0, %c0_i32 : i32, i32
  }
  func.func @transform_2(%arg0: i32) -> (i32, i32) {
    %c0_i32 = arith.constant 0 : i32
    %c0_i32_0 = arith.constant 0 : i32
    return %arg0, %c0_i32 : i32, i32
  }
  func.func @transform_3(%arg0: i32) -> (i32, i32) {
    %c0_i32 = arith.constant 0 : i32
    %c0_i32_0 = arith.constant 0 : i32
    return %arg0, %c0_i32 : i32, i32
  }
  func.func @transform_4(%arg0: i32) -> (i32, i32) {
    %c0_i32 = arith.constant 0 : i32
    %c0_i32_0 = arith.constant 0 : i32
    %c0_i32_1 = arith.constant 0 : i32
    return %c0_i32, %c0_i32_0 : i32, i32
  }
  func.func @transform_5(%arg0: i32) -> (i32, i32) {
    %c0_i32 = arith.constant 0 : i32
    %c0_i32_0 = arith.constant 0 : i32
    %c0_i32_1 = arith.constant 0 : i32
    return %c0_i32, %c0_i32_0 : i32, i32
  }
  func.func @transform_6(%arg0: i32) -> (i32, i32) {
    %c0_i32 = arith.constant 0 : i32
    %c0_i32_0 = arith.constant 0 : i32
    %c0_i32_1 = arith.constant 0 : i32
    return %c0_i32, %c0_i32_0 : i32, i32
  }
  func.func @transform_7(%arg0: i32) -> (i32, i32) {
    %c0_i32 = arith.constant 0 : i32
    %c0_i32_0 = arith.constant 0 : i32
    %c0_i32_1 = arith.constant 0 : i32
    return %c0_i32, %c0_i32_0 : i32, i32
  }
  func.func @transform_8(%arg0: i32) -> (i32, i32) {
    %c0_i32 = arith.constant 0 : i32
    %c0_i32_0 = arith.constant 0 : i32
    %c0_i32_1 = arith.constant 0 : i32
    return %c0_i32, %c0_i32_0 : i32, i32
  }
  func.func @transform_9(%arg0: i32) -> (i32, i32) {
    %c0_i32 = arith.constant 0 : i32
    %c0_i32_0 = arith.constant 0 : i32
    %c0_i32_1 = arith.constant 0 : i32
    return %c0_i32, %c0_i32_0 : i32, i32
  }
  func.func @transform_10(%arg0: i32) -> (i32, i32) {
    %c0_i32 = arith.constant 0 : i32
    %c0_i32_0 = arith.constant 0 : i32
    %c0_i32_1 = arith.constant 0 : i32
    return %c0_i32, %c0_i32_0 : i32, i32
  }
  func.func @transform_11(%arg0: i32) -> (i32, i32) {
    %c0_i32 = arith.constant 0 : i32
    %c0_i32_0 = arith.constant 0 : i32
    %c0_i32_1 = arith.constant 0 : i32
    return %c0_i32, %c0_i32_0 : i32, i32
  }
  func.func @transform_12(%arg0: i32) -> (i32, i32) {
    %c0_i32 = arith.constant 0 : i32
    %c0_i32_0 = arith.constant 0 : i32
    %c0_i32_1 = arith.constant 0 : i32
    return %c0_i32, %c0_i32_0 : i32, i32
  }
  func.func @transform_13(%arg0: i32) -> (i32, i32) {
    %c0_i32 = arith.constant 0 : i32
    %c0_i32_0 = arith.constant 0 : i32
    %c0_i32_1 = arith.constant 0 : i32
    return %c0_i32, %c0_i32_0 : i32, i32
  }
  func.func @transform_14(%arg0: i32) -> (i32, i32) {
    %c0_i32 = arith.constant 0 : i32
    %c0_i32_0 = arith.constant 0 : i32
    %c0_i32_1 = arith.constant 0 : i32
    return %c0_i32, %c0_i32_0 : i32, i32
  }
}

</mosaic_0001>

<sc_bundles>
// kernel: kernel.12.cloned.1.call-start
scs
__scs_entry_jumppad:
0x0: {  	(pc) =	sbr.rel $0x88, $3  }
0x1: {  	(tag) =	ssettag $0x0;
	lr =	simm.s32 $0x1  }
0x2: {  	[smem:$0x3F86] =	sst lr;
	_ =	strace $0xD0000000  }
0x3: {  	_ = 	snop  }
0x4: {  	_ = 	snop  }
0x5: {  	_ = 	snop  }
0x6: {  	_ = 	snop  }
0x7: {  	_ = 	snop  }
__scs_overlays_trampoline_lowered:
0x8: {  	[smem:$0x3F95] =	sst s0  }
0x9: {  	[smem:$0x3F96] =	sst s1  }
0xa: {  	[smem:$0x3F97] =	sst s2  }
0xb: {  	[smem:$0x3F98] =	sst s3  }
0xc: {  	[smem:$0x3F99] =	sst s4  }
0xd: {  	[smem:$0x3F9A] =	sst s5  }
0xe: {  	[smem:$0x3F9B] =	sst s6  }
0xf: {  	[smem:$0x3F9C] =	sst s7  }
0x10: {  	[smem:$0x3F9D] =	sst s8  }
0x11: {  	[smem:$0x3F9E] =	sst s9;
	s0 =	simm.s32 @!p0 $0x0  }
0x12: {  	s1 =	sld [smem:$0x3F84];
	s0 =	simm.s32 @p0 $0x1  }
0x13: {  	[smem:$0x3F9F] =	sst s0;
	s0 =	simm.s32 @!p1 $0x0  }
0x14: {  	s2 =	sld [smem:$0x3F83];
	s0 =	simm.s32 @p1 $0x1  }
0x15: {  	[smem:$0x3FA0] =	sst s0;
	s0 =	simm.s32 @!p2 $0x0  }
0x16: {  	s3 =	sld [smem:$0x3FDB];
	s0 =	simm.s32 @p2 $0x1  }
0x17: {  	s4 =	simm.s32 $0x1BF5;
	[smem:$0x3FA2] =	sst s0  }
0x18: {  	s0 =	sld [smem:$0x3F85];
	_ =	swait.ge [sflag:s4], $0x0  }
0x19: {  	s7 =	sld [smem:$0x3F86]  }
0x1a: {  	s8 =	sadd.s32 $0xFFFFE003, lr  }
0x1b: {  	s9 =	sadd.s32 $0xFFFFFEF7, lr;
	s5 =	simm.s32 $0xFFFFFFFF;
	p2 =	slt.u32 s8, $0xFFFFF086  }
0x1c: {  	p1 =	slt.u32 s9, $0xF7A;
	s5 =	simm.s32 @!p2 $0x0  }
0x1d: {  	s5 =	simm.s32 @p1 $0x1;
	p0 =	seq.s32 s7, s2  }
0x1e: {  	s7 =	smul.u32 @!p0 $0xF7A, s2;
	p2 =	seq.s32 @!p0 s5, $0x0  }
0x1f: {  	s9 =	smul.u32 $0xF7A, s1;
	s8 =	simm.s32 @!p0 $0x1BF5;
	p2 =	por !p2, p0  }
0x20: {  	[sflag:s8] =	ssyncset.s32 @!p0 $0xFFFFF086;
	s6 =	sadd.s32 @!p0 s3, s7;
	s7 =	simm.s32 @!p0 $0x108  }
0x21: {  	s3 =	sadd.s32 s3, s9;
	s6 =	sadd.s32 @!p0 $0x88, s6;
	s7 =	simm.s32 @p2 $0x1082  }
0x22: {  	[simem:s7], [sflag:s8] =	dma.local @!p0 [hbm:s6], $0xF7A  }
0x23: {  	s9 =	sor.u32 $0xD0000000, s2;
	s6 =	simm.s32 $0x108;
	_ =	swait.ge @!p0 [sflag:s8], $0x0  }
0x24: {  	s3 =	sadd.s32 $0x88, s3;
	s6 =	simm.s32 @!p1 $0x1082;
	[sflag:s4] =	ssyncset.s32 $0xFFFFF086  }
0x25: {  	[simem:s6], [sflag:s4] =	dma.local [hbm:s3], $0xF7A  }
0x26: {  	[smem:$0x3F86] =	sst s1;
	(tag) =	ssettag s2;
	_ =	strace s9  }
0x27: {  	s1 =	sld [smem:$0x3F96]  }
0x28: {  	s2 =	sld [smem:$0x3F97]  }
0x29: {  	s4 =	sld [smem:$0x3F99]  }
0x2a: {  	p0 =	seq.s32 s5, $0x0;
	s5 =	sld [smem:$0x3F9A]  }
0x2b: {  	s6 =	sld [smem:$0x3F9B]  }
0x2c: {  	s7 =	sld [smem:$0x3F9C]  }
0x2d: {  	s3 =	simm.s32 $0x108;
	s8 =	sld [smem:$0x3F9D]  }
0x2e: {  	s3 =	simm.s32 @!p0 $0x1082;
	s9 =	sld [smem:$0x3F9E]  }
0x2f: {  	lr =	sadd.s32 s0, s3;
	s0 =	sld [smem:$0x3F95]  }
0x30: {  	s3 =	sld [smem:$0x3F98]  }
0x31: {  	[smem:$0x3FA1] =	sst s10  }
0x32: {  	s10 =	sld [smem:$0x3F9F];
	_ =	sdelay $0x3  }
0x33: {  	p0 =	seq.s32 s10, $0x1;
	s10 =	sld [smem:$0x3FA1];
	_ =	sdelay $0x3  }
0x34: {  	[smem:$0x3FA1] =	sst s10  }
0x35: {  	s10 =	sld [smem:$0x3FA0];
	_ =	sdelay $0x3  }
0x36: {  	p1 =	seq.s32 s10, $0x1;
	s10 =	sld [smem:$0x3FA1];
	_ =	sdelay $0x3  }
0x37: {  	[smem:$0x3FA1] =	sst s10  }
0x38: {  	s10 =	sld [smem:$0x3FA2]  }
0x39: {  	_ = 	snop;
	(pc) =	sbr.ind lr, $3  }
0x3a: {  	_ = 	snop  }
0x3b: {  	_ = 	snop  }
0x3c: {  	p2 =	seq.s32 s10, $0x1;
	s10 =	sld [smem:$0x3FA1]  }
0x3d: {  	_ =	shalt  }
0x3e: {  	_ =	shalt  }
0x3f: {  	_ =	shalt  }
0x40: {  	_ =	shalt  }
0x41: {  	_ =	shalt  }
0x42: {  	_ =	shalt  }
0x43: {  	_ =	shalt  }
0x44: {  	_ =	shalt  }
0x45: {  	_ =	shalt  }
0x46: {  	_ =	shalt  }
0x47: {  	_ =	shalt  }
0x48: {  	_ =	shalt  }
0x49: {  	_ =	shalt  }
0x4a: {  	_ =	shalt  }
0x4b: {  	_ =	shalt  }
0x4c: {  	_ =	shalt  }
0x4d: {  	_ =	shalt  }
0x4e: {  	_ =	shalt  }
0x4f: {  	_ =	shalt  }
0x50: {  	_ =	shalt  }
0x51: {  	_ =	shalt  }
0x52: {  	_ =	shalt  }
0x53: {  	_ =	shalt  }
0x54: {  	_ =	shalt  }
0x55: {  	_ =	shalt  }
0x56: {  	_ =	shalt  }
0x57: {  	_ =	shalt  }
0x58: {  	_ =	shalt  }
0x59: {  	_ =	shalt  }
0x5a: {  	_ =	shalt  }
0x5b: {  	_ =	shalt  }
0x5c: {  	_ =	shalt  }
0x5d: {  	_ =	shalt  }
0x5e: {  	_ =	shalt  }
0x5f: {  	_ =	shalt  }
0x60: {  	_ =	shalt  }
0x61: {  	_ =	shalt  }
0x62: {  	_ =	shalt  }
0x63: {  	_ =	shalt  }
0x64: {  	_ =	shalt  }
0x65: {  	_ =	shalt  }
0x66: {  	_ =	shalt  }
0x67: {  	_ =	shalt  }
0x68: {  	_ =	shalt  }
0x69: {  	_ =	shalt  }
0x6a: {  	_ =	shalt  }
0x6b: {  	_ =	shalt  }
0x6c: {  	_ =	shalt  }
0x6d: {  	_ =	shalt  }
0x6e: {  	_ =	shalt  }
0x6f: {  	_ =	shalt  }
0x70: {  	_ =	shalt  }
0x71: {  	_ =	shalt  }
0x72: {  	_ =	shalt  }
0x73: {  	_ =	shalt  }
0x74: {  	_ =	shalt  }
0x75: {  	_ =	shalt  }
0x76: {  	_ =	shalt  }
0x77: {  	_ =	shalt  }
0x78: {  	_ =	shalt  }
0x79: {  	_ =	shalt  }
0x7a: {  	_ =	shalt  }
0x7b: {  	_ =	shalt  }
0x7c: {  	_ =	shalt  }
0x7d: {  	_ =	shalt  }
0x7e: {  	_ =	shalt  }
0x7f: {  	_ =	shalt  }
0x80: {  	_ =	shalt  }
0x81: {  	_ =	shalt  }
0x82: {  	_ =	shalt  }
0x83: {  	_ =	shalt  }
0x84: {  	_ =	shalt  }
0x85: {  	_ =	shalt  }
0x86: {  	_ =	shalt  }
0x87: {  	_ =	shalt  }
.Lfunc_end0:
.L_simem_size_0:
called_computation.1_lowered:
.L_overlay_start_0:
0x88: {  	s2 =	sld [smem:$0x3FD9]  }
0x89: {  	s3 =	sld [smem:$0x3FFE];
	_ =	sdelay $0x1  }
0x8a: {  	s1 =	srdreg.scid  }
0x8b: {  	s0 =	sand.u32 $0x1, s1  }
0x8c: {  	s16 =	sshll.u32 s0, $0xA;
	s2 =	sadd.s32 s3, s2  }
0x8d: {  	s2 =	sadd.s32 s2, s16  }
0x8e: {  	[smem:$0x3FAD] =	sst s2  }
0x8f: {  	_ = 	snop  }
0x90: {  	(tm) =	ssettm $0x1  }
0x91: {  	s17 =	sld [smem:$0x3FFB];
	_ =	sdelay $0x3  }
0x92: {  	_ =	strace s17  }
0x93: {  	s2 =	sld [smem:$0x3FFC];
	_ =	sdelay $0x3  }
0x94: {  	_ =	strace s2  }
0x95: {  	s2 =	sld [smem:$0x3FFD];
	_ =	sdelay $0x3  }
0x96: {  	_ =	strace s2  }
0x97: {  	_ =	strace $0x8FFFFFFF  }
0x98: {  	s18 =	sld [smem:$0x3FDB];
	_ =	sdelay $0x1  }
0x99: {  	s19 =	simm.s32 $_scs_section_size  }
0x9a: {  	s4 =	simm.s32 $_size__tile_overlayer_lowered;
	s5 =	simm.s32 $_tile_overlayer_lowered  }
0x9b: {  	s22 =	simm.s32 $0x1BFF;
	s21 =	sshll.u32 s5, $0x1;
	s2 =	sadd.s32 s19, s18  }
0x9c: {  	s6 =	simm.s32 $0x0;
	s20 =	sshll.u32 s4, $0x1;
	s4 =	sadd.s32 s21, s2  }
0x9d: {  	[timem:s6], [sflag:s22] =	dma.local [hbm:s4], s20  }
0x9e: {  	_ =	swait.ge [sflag:s22], s20  }
0x9f: {  	s3 =	ssub.s32 $0x0, s20;
	[sflag:s22] =	ssyncset.done $0x0  }
0xa0: {  	[sflag:s22] =	ssyncadd.s32 s3;
	_ =	sdelay $0x1  }
0xa1: {  	s23 =	simm.s32 $0x1B8B  }
0xa2: {  	_ =	swait.ge [sflag:s23], $0x1  }
0xa3: {  	[sflag:s23] =	ssyncset.done $0x0  }
0xa4: {  	s25 =	simm.s32 $0x1B8E;
	s24 =	sld [smem:$0x3FFE];
	[sflag:s23] =	ssyncadd.s32 $0xFFFFFFFF  }
0xa5: {  	s26 =	simm.s32 $execute0_lowered;
	[smem:$0x3FD2] =	sst s25  }
0xa6: {  	s4 =	sshll.u32 s26, $0x1;
	_ =	strace $0x80000049;
	[dreg:$0x1] =	wrdreg $0xFFFFFFFF  }
0xa7: {  	s28 =	simm.s32 $_size_execute0_lowered;
	s2 =	sadd.s32 s2, s4;
	[dreg:$0x0] =	wrdreg $0x0  }
0xa8: {  	s4 =	sshll.u32 s28, $0x1;
	[dreg:$0x2] =	wrdreg s2  }
0xa9: {  	[dreg:$0x3] =	wrdreg s4  }
0xaa: {  	[dreg:$0x4] =	wrdreg $0xC0  }
0xab: {  	_ =	task [dreg:s6], $0x5FFFF  }
0xac: {  	[dreg:$0x1] =	wrdreg $0xFFFFFFFF  }
0xad: {  	[dreg:$0x0] =	wrdreg $0x60  }
0xae: {  	[dreg:$0x2] =	wrdreg s24  }
0xaf: {  	[dreg:$0x3] =	wrdreg $0xA2000  }
0xb0: {  	[dreg:$0x4] =	wrdreg $0x9  }
0xb1: {  	_ =	task.clear_ibuf [dreg:s6], $0x5FFFF;
	_ =	strace $0x90000049  }
0xb2: {  	s29 =	simm.s32 $0x9;
	_ =	strace $0x8000004B  }
0xb3: {  	_ =	swait.ge [sflag:s29], $0x1  }
0xb4: {  	[sflag:s29] =	ssyncadd.s32 $0xFFFFFFFF  }
0xb5: {  	_ =	strace $0x9000004B  }
0xb6: {  	_ =	sfence  }
0xb7: {  	s30 =	sld [smem:$0x0];
	_ =	sdelay $0x2  }
0xb8: {  	s31 =	sshll.u32 s1, $0xD;
	s1 =	sshrl.u32 s1, $0x2  }
0xb9: {  	s3 =	sand.u32 $0x4000, s31;
	s1 =	sadd.s32 s1, s30  }
0xba: {  	s0 =	sor.u32 s3, s0;
	s1 =	sshll.u32 s1, $0x11  }
0xbb: {  	s0 =	sor.u32 s1, s0  }
0xbc: {  	s0 =	sadd.s32 $0x8F2B, s0  }
0xbd: {  	[sflag:s0] =	ssyncadd.remote.s32 $0x1  }
0xbe: {  	_ =	sfence.sel $0xFFFF  }
0xbf: {  	[dreg:$0x0] =	wrdreg $0xFFFFFFFF;
	(pc) =	sbr.abs _section_cstart, $3  }
0xc0: {  	[dreg:$0x1] =	wrdreg $0xFFFFFFFF  }
0xc1: {  	_ =	task.clear_ibuf [dreg:s6], $0x2FFFF;
	_ =	strace $0x9FFFFFFF  }
0xc2: {  	(tm) =	ssettm $0x7FFFFFFF  }
0xc3: {  	_ =	shalt  }
tec
execute0_lowered:
.L_overlay_start_1:
0x0: {  	(tag) =	ssettag $0x1  }
0x1: {  	s0 =	rddreg [dreg:$0x0]  }
0x2: {  	s1 =	rddreg [dreg:$0x1];
	s2 =	srdreg.scid;
	s3 =	simm.s32 $0x0  }
0x3: {  	s11 =	stileid.u32;
	s19 =	simm.s32 $0x5200;
	s20 =	simm.s32 $0x5  }
0x4: {  	s28 =	simm.s32 $0x2A00;
	s29 =	simm.s32 $0x7A00;
	s30 =	simm.s32 $0x1  }
0x5: {  	s31 =	simm.s32 $0x3;
	s2 =	sand.u32 $0x1, s2;
	s7 =	smul.u32 $0x14000, s11  }
0x6: {  	[smem:$0x7FF] =	sst s3;
	s4 =	sadd.s32 $0x23000, s0;
	s9 =	smul.u32 $0x50000, s11  }
0x7: {  	s5 =	sadd.s32 $0x4A200, s0;
	s6 =	smul.u32 $0x140000, s2;
	s21 =	ssub.s32 $0x2, s2  }
0x8: {  	s11 =	sshll.u32 s11, $0x1;
	_ =	strace $0x8000004A;
	s10 =	sshrl.u32 s21, $0x1  }
0x9: {  	s9 =	sshrl.u32 s9, $0x2;
	s7 =	sadd.s32 s7, s6;
	s6 =	sadd.s32 $0xE200, s0  }
0xa: {  	s10 =	ssub.s32 s21, s10;
	s9 =	sadd.s32 s9, s1;
	s21 =	simm.s32 $0x6  }
0xb: {  	s8 =	sshrl.u32 s7, $0x3;
	s7 =	sadd.s32 $0x4400, s0;
	s22 =	smax.u32 s10, $0x1  }
0xc: {  	s23 =	sadd.s32 $0x2800, s9;
	s24 =	sadd.s32 $0x5000, s9;
	[dreg:$0x4] =	wrdreg s22  }
0xd: {  	s25 =	sadd.s32 $0x7800, s9;
	s26 =	sadd.s32 $0xA000, s9;
	[dreg:$0x5] =	wrdreg s23  }
0xe: {  	s16 =	sadd.s32 $0xC800, s9;
	s17 =	sadd.s32 $0xF000, s9;
	[dreg:$0x6] =	wrdreg s24  }
0xf: {  	s18 =	sadd.s32 $0x11800, s9;
	s10 =	simm.s32 $0x0;
	[dreg:$0x7] =	wrdreg s25  }
0x10: {  	s0 =	sadd.s32 s8, s0;
	s8 =	sor.u32 s2, s11;
	[dreg:$0x8] =	wrdreg s26  }
0x11: {  	s22 =	simm.s32 $0x100;
	s23 =	simm.s32 $0x50;
	s24 =	simm.s32 $0x200  }
0x12: {  	s25 =	simm.s32 $0x80;
	s26 =	simm.s32 $0x180;
	s0 =	sadd.s32 $0xA12200, s0  }
0x13: {  	v0 =	vimm.f32 $0.0e+00;
	s2 =	simm.s32 $0x4;
	[dreg:$0x3] =	wrdreg s0;
	s0 =	simm.s32 $0x2  }
.LBB2_1:
0x14: {  	s11 =	simm.s32 $0x0;
	s12 =	simm.s32 $0x200  }
.LBB2_2:
0x15: {  	p0 =	sne.s32 s12, $0x9E00;
	[tilespmem:s11+$0x5270] =	vst v0  }
0x16: {  	[tilespmem:s11+$0x5200] =	vst v0  }
0x17: {  	[tilespmem:s11+$0x5210] =	vst v0  }
.Ltmp0:
0x18: {  	[tilespmem:s11+$0x5220] =	vst v0;
	(pc) =	sbr.rel @p0 .LBB2_2-.Ltmp0, $4  }
0x19: {  	[tilespmem:s11+$0x5230] =	vst v0  }
0x1a: {  	[tilespmem:s11+$0x5240] =	vst v0  }
0x1b: {  	[tilespmem:s11+$0x5250] =	vst v0  }
0x1c: {  	[tilespmem:s11+$0x5260] =	vst v0;
	s11 =	sshra.s32 s12, $0x2;
	s12 =	sadd.s32 $0x200, s12  }
0x1d: {  	[tilespmem:s11+$0x5270] =	vst v0  }
0x1e: {  	[tilespmem:s11+$0x5200] =	vst v0  }
0x1f: {  	[tilespmem:s11+$0x5210] =	vst v0  }
0x20: {  	[tilespmem:s11+$0x5220] =	vst v0  }
0x21: {  	[tilespmem:s11+$0x5230] =	vst v0  }
0x22: {  	[tilespmem:s11+$0x5240] =	vst v0  }
0x23: {  	[tilespmem:s11+$0x5250] =	vst v0  }
0x24: {  	[tilespmem:s11+$0x5260] =	vst v0  }
0x25: {  	[spmem:s9] =	stream.linear.scatter [tilespmem:s19], [sflag:$0x5], $0x2800, $0x38;
	[tilespmem:$0x1E200] =	vst v63  }
0x26: {  	_ =	swait.ge [sflag:s20], $0x2800  }
0x27: {  	[sflag:s20] =	ssyncset.done $0x0  }
0x28: {  	s12 =	rddreg [dreg:$0x5];
	[sflag:s20] =	ssyncadd.s32 $0xFFFFD800  }
0x29: {  	[spmem:s12] =	stream.linear.scatter [tilespmem:s19], [sflag:$0x5], $0x2800, $0x38;
	[tilespmem:$0x1E200] =	vst v63  }
0x2a: {  	_ =	swait.ge [sflag:s20], $0x2800  }
0x2b: {  	[sflag:s20] =	ssyncset.done $0x0  }
0x2c: {  	s13 =	rddreg [dreg:$0x6];
	[sflag:s20] =	ssyncadd.s32 $0xFFFFD800  }
0x2d: {  	[spmem:s13] =	stream.linear.scatter [tilespmem:s19], [sflag:$0x5], $0x2800, $0x38;
	[tilespmem:$0x1E200] =	vst v63  }
0x2e: {  	_ =	swait.ge [sflag:s20], $0x2800  }
0x2f: {  	[sflag:s20] =	ssyncset.done $0x0  }
0x30: {  	s14 =	rddreg [dreg:$0x7];
	[sflag:s20] =	ssyncadd.s32 $0xFFFFD800  }
0x31: {  	[spmem:s14] =	stream.linear.scatter [tilespmem:s19], [sflag:$0x5], $0x2800, $0x38;
	[tilespmem:$0x1E200] =	vst v63  }
0x32: {  	_ =	swait.ge [sflag:s20], $0x2800  }
0x33: {  	[sflag:s20] =	ssyncset.done $0x0  }
0x34: {  	s15 =	rddreg [dreg:$0x8];
	[sflag:s20] =	ssyncadd.s32 $0xFFFFD800  }
0x35: {  	[spmem:s15] =	stream.linear.scatter [tilespmem:s19], [sflag:$0x5], $0x2800, $0x38;
	[tilespmem:$0x1E200] =	vst v63  }
0x36: {  	_ =	swait.ge [sflag:s20], $0x2800  }
0x37: {  	[sflag:s20] =	ssyncset.done $0x0  }
0x38: {  	[sflag:s20] =	ssyncadd.s32 $0xFFFFD800  }
0x39: {  	[spmem:s16] =	stream.linear.scatter [tilespmem:s19], [sflag:$0x5], $0x2800, $0x38;
	[tilespmem:$0x1E200] =	vst v63  }
0x3a: {  	_ =	swait.ge [sflag:s20], $0x2800  }
0x3b: {  	[sflag:s20] =	ssyncset.done $0x0  }
0x3c: {  	[sflag:s20] =	ssyncadd.s32 $0xFFFFD800  }
0x3d: {  	[spmem:s17] =	stream.linear.scatter [tilespmem:s19], [sflag:$0x5], $0x2800, $0x38;
	[tilespmem:$0x1E200] =	vst v63  }
0x3e: {  	_ =	swait.ge [sflag:s20], $0x2800  }
0x3f: {  	[sflag:s20] =	ssyncset.done $0x0  }
0x40: {  	[sflag:s20] =	ssyncadd.s32 $0xFFFFD800  }
0x41: {  	[spmem:s18] =	stream.linear.scatter [tilespmem:s19], [sflag:$0x5], $0x2800, $0x38;
	[tilespmem:$0x1E200] =	vst v63  }
0x42: {  	_ =	swait.ge [sflag:s20], $0x2800  }
0x43: {  	[sflag:s20] =	ssyncset.done $0x0  }
0x44: {  	[sflag:s20] =	ssyncadd.s32 $0xFFFFD800  }
0x45: {  	s11 =	simm.s32 $0x0;
	[bflag:$0x0] =	sbarrier.arrive $0xFFFF  }
.LBB2_4:
0x46: {  	s12 =	sshll.u32 s11, $0x6  }
0x47: {  	s12 =	sor.u32 s8, s12  }
0x48: {  	s13 =	smul.u32 $0xA, s12;
	_ =	sdelay $0x1  }
0x49: {  	s14 =	sadd.s32 s6, s13  }
0x4a: {  	[tilespmem:s3], [sflag:$0x6] =	stream.linear.gather [hbm4b:s14+s3], $0x50, $0x38;
	[tilespmem:$0x1E200] =	vst v63  }
0x4b: {  	_ =	swait.ge [sflag:s21], $0x50  }
0x4c: {  	[sflag:s21] =	ssyncset.done $0x0  }
0x4d: {  	s13 =	sadd.s32 s7, s13;
	[sflag:s21] =	ssyncadd.s32 $0xFFFFFFB0  }
0x4e: {  	[tilespmem:s22], [sflag:$0x6] =	stream.linear.gather [hbm4b:s13+s3], $0x50, $0x38;
	[tilespmem:$0x1E200] =	vst v63  }
0x4f: {  	p0 =	seq.s32 s11, $0x0;
	_ =	swait.ge [sflag:s21], $0x50  }
.Ltmp1:
0x50: {  	[sflag:s21] =	ssyncset.done $0x0;
	(pc) =	sbr.rel @p0 .LBB2_5-.Ltmp1, $4  }
0x51: {  	s12 =	smul.u32 $0x500, s12;
	[sflag:s21] =	ssyncadd.s32 $0xFFFFFFB0  }
0x52: {  	[tilespmem:s24], [sflag:$0x1] =	stream.indirect.gather [hbm4b:s4+s23], $0x80, s3, s23, $0xb8;
	[tilespmem:$0x1E200] =	vst v63  }
0x53: {  	s12 =	sadd.s32 s5, s12  }
0x54: {  	[tilespmem:s19], [sflag:$0x3] =	stream.linear.gather [hbm4b:s12+s3], $0x2800, $0x38;
	[tilespmem:$0x1E200] =	vst v63  }
0x55: {  	_ =	swait.ge [sflag:s0], $0x2800  }
0x56: {  	[sflag:s0] =	ssyncset.done $0x0  }
0x57: {  	[sflag:s0] =	ssyncadd.s32 $0xFFFFD800  }
0x58: {  	_ =	swait.ge [sflag:s2], $0x2800  }
0x59: {  	[sflag:s2] =	ssyncset.done $0x0  }
0x5a: {  	s12 =	simm.s32 $0x0;
	[sflag:s2] =	ssyncadd.s32 $0xFFFFD800  }
0x5b: {  	v8 =	vld [tilespmem:s12+$0x2A00]  }
0x5c: {  	v12 =	vld [tilespmem:s12+$0x2A10]  }
0x5d: {  	v6 =	vld [tilespmem:s12+$0x2A20]  }
0x5e: {  	v5 =	vld [tilespmem:s12+$0x2A30]  }
0x5f: {  	v4 =	vld [tilespmem:s12+$0x2A40]  }
0x60: {  	v3 =	vld [tilespmem:s12+$0x2A50]  }
0x61: {  	v2 =	vld [tilespmem:s12+$0x2A60]  }
0x62: {  	v1 =	vld [tilespmem:s12+$0x2A70]  }
0x63: {  	v13 =	vld [tilespmem:s12+$0x7A00]  }
0x64: {  	v14 =	vld [tilespmem:s12+$0x7A10]  }
0x65: {  	v11 =	vld [tilespmem:s12+$0x7A20]  }
0x66: {  	v10 =	vld [tilespmem:s12+$0x7A30]  }
0x67: {  	v9 =	vld [tilespmem:s12+$0x7A40]  }
0x68: {  	v7 =	vld [tilespmem:s12+$0x7A50];
	v13 =	vmul.f32 v8, v13  }
0x69: {  	s13 =	sshll.u32 s11, $0x1;
	s14 =	simm.s32 $0x200;
	v12 =	vmul.f32 v12, v14;
	v8 =	vld [tilespmem:s12+$0x7A60]  }
.LBB2_7:
0x6a: {  	s15 =	sshra.s32 s14, $0x2;
	p0 =	sne.s32 s14, $0x9E00;
	[tilespmem:s12+$0x7A00] =	vst v13;
	v6 =	vmul.f32 v6, v11;
	v11 =	vld [tilespmem:s12+$0x7A70]  }
0x6b: {  	v13 =	vld [tilespmem:s15+$0x2A00];
	[tilespmem:s12+$0x7A10] =	vst v12;
	v5 =	vmul.f32 v5, v10  }
0x6c: {  	v12 =	vld [tilespmem:s15+$0x2A10];
	[tilespmem:s12+$0x7A20] =	vst v6;
	v4 =	vmul.f32 v4, v9  }
0x6d: {  	v6 =	vld [tilespmem:s15+$0x2A20];
	[tilespmem:s12+$0x7A30] =	vst v5;
	v3 =	vmul.f32 v3, v7  }
0x6e: {  	v5 =	vld [tilespmem:s15+$0x2A30];
	[tilespmem:s12+$0x7A40] =	vst v4;
	v2 =	vmul.f32 v2, v8  }
0x6f: {  	v4 =	vld [tilespmem:s15+$0x2A40];
	[tilespmem:s12+$0x7A50] =	vst v3;
	v1 =	vmul.f32 v1, v11  }
0x70: {  	v3 =	vld [tilespmem:s15+$0x2A50];
	[tilespmem:s12+$0x7A60] =	vst v2  }
0x71: {  	v2 =	vld [tilespmem:s15+$0x2A60];
	[tilespmem:s12+$0x7A70] =	vst v1;
	s12 =	smov.u32 s15  }
0x72: {  	v1 =	vld [tilespmem:s12+$0x2A70]  }
0x73: {  	v7 =	vld [tilespmem:s12+$0x7A00]  }
0x74: {  	v8 =	vld [tilespmem:s12+$0x7A10]  }
.Ltmp2:
0x75: {  	v11 =	vld [tilespmem:s12+$0x7A20];
	(pc) =	sbr.rel @p0 .LBB2_7-.Ltmp2, $4  }
0x76: {  	v10 =	vld [tilespmem:s12+$0x7A30]  }
0x77: {  	v9 =	vld [tilespmem:s12+$0x7A40]  }
0x78: {  	v13 =	vmul.f32 v13, v7;
	v7 =	vld [tilespmem:s12+$0x7A50]  }
0x79: {  	s14 =	sadd.s32 $0x200, s14;
	v12 =	vmul.f32 v12, v8;
	v8 =	vld [tilespmem:s12+$0x7A60]  }
0x7a: {  	[tilespmem:s12+$0x7A00] =	vst v13;
	v6 =	vmul.f32 v6, v11;
	v63 =	vld [tilespmem:s12+$0x7A70]  }
0x7b: {  	[tilespmem:s12+$0x7A10] =	vst v12;
	v5 =	vmul.f32 v5, v10  }
0x7c: {  	[tilespmem:s12+$0x7A20] =	vst v6;
	v4 =	vmul.f32 v4, v9  }
0x7d: {  	[tilespmem:s12+$0x7A30] =	vst v5;
	v3 =	vmul.f32 v3, v7  }
0x7e: {  	[tilespmem:s12+$0x7A40] =	vst v4;
	v2 =	vmul.f32 v2, v8  }
0x7f: {  	[tilespmem:s12+$0x7A50] =	vst v3;
	v1 =	vmul.f32 v1, v63  }
0x80: {  	[tilespmem:s12+$0x7A60] =	vst v2  }
0x81: {  	[tilespmem:s12+$0x7A70] =	vst v1;
	s12 =	sor.u32 $0x1, s13  }
0x82: {  	[spmem:s1] =	stream.indirect.scatter.add.f32 [tilespmem:s29], [sflag:$0x6], $0x80, s26, s23, $0xb8;
	[tilespmem:$0x1E200] =	vst v63  }
0x83: {  	p0 =	sgt.u32 s12, $0x7C  }
.Ltmp3:
0x84: {  	_ = 	snop;
	(pc) =	sbr.rel @p0 .LBB2_10-.Ltmp3, $4  }
.Ltmp4:
0x85: {  	_ = 	snop;
	(pc) =	sbr.rel @!p0 .LBB2_9-.Ltmp4, $4  }
0x86: {  	_ =	swait.ge [sflag:s21], $0x2800  }
0x87: {  	[sflag:s21] =	ssyncset.done $0x0  }
0x88: {  	[sflag:s21] =	ssyncadd.s32 $0xFFFFD800  }
0x89: {  	_ = 	snop  }
.LBB2_5:
0x8a: {  	s12 =	simm.s32 $0x1  }
.LBB2_9:
0x8b: {  	s12 =	sshll.u32 s12, $0x5  }
0x8c: {  	s12 =	sor.u32 s8, s12  }
0x8d: {  	s13 =	smul.u32 $0xA, s12;
	_ =	sdelay $0x1  }
0x8e: {  	s14 =	sadd.s32 s6, s13  }
0x8f: {  	[tilespmem:s25], [sflag:$0x6] =	stream.linear.gather [hbm4b:s14+s3], $0x50, $0x38;
	[tilespmem:$0x1E200] =	vst v63  }
0x90: {  	_ =	swait.ge [sflag:s21], $0x50  }
0x91: {  	[sflag:s21] =	ssyncset.done $0x0  }
0x92: {  	s13 =	sadd.s32 s7, s13;
	[sflag:s21] =	ssyncadd.s32 $0xFFFFFFB0  }
0x93: {  	[tilespmem:s26], [sflag:$0x6] =	stream.linear.gather [hbm4b:s13+s3], $0x50, $0x38;
	[tilespmem:$0x1E200] =	vst v63  }
0x94: {  	_ =	swait.ge [sflag:s21], $0x50  }
0x95: {  	[sflag:s21] =	ssyncset.done $0x0  }
0x96: {  	s12 =	smul.u32 $0x500, s12;
	[sflag:s21] =	ssyncadd.s32 $0xFFFFFFB0  }
0x97: {  	[tilespmem:s28], [sflag:$0x2] =	stream.indirect.gather [hbm4b:s4+s23], $0x80, s25, s23, $0xb8;
	[tilespmem:$0x1E200] =	vst v63  }
0x98: {  	s12 =	sadd.s32 s5, s12  }
0x99: {  	[tilespmem:s29], [sflag:$0x4] =	stream.linear.gather [hbm4b:s12+s3], $0x2800, $0x38;
	[tilespmem:$0x1E200] =	vst v63  }
.LBB2_10:
0x9a: {  	_ =	swait.ge [sflag:s30], $0x2800  }
0x9b: {  	[sflag:s30] =	ssyncset.done $0x0  }
0x9c: {  	[sflag:s30] =	ssyncadd.s32 $0xFFFFD800  }
0x9d: {  	_ =	swait.ge [sflag:s31], $0x2800  }
0x9e: {  	[sflag:s31] =	ssyncset.done $0x0  }
0x9f: {  	s12 =	simm.s32 $0x0;
	[sflag:s31] =	ssyncadd.s32 $0xFFFFD800  }
0xa0: {  	v8 =	vld [tilespmem:s12+$0x200]  }
0xa1: {  	v12 =	vld [tilespmem:s12+$0x210]  }
0xa2: {  	v6 =	vld [tilespmem:s12+$0x220]  }
0xa3: {  	v5 =	vld [tilespmem:s12+$0x230]  }
0xa4: {  	v4 =	vld [tilespmem:s12+$0x240]  }
0xa5: {  	v3 =	vld [tilespmem:s12+$0x250]  }
0xa6: {  	v2 =	vld [tilespmem:s12+$0x260]  }
0xa7: {  	v1 =	vld [tilespmem:s12+$0x270]  }
0xa8: {  	v13 =	vld [tilespmem:s12+$0x5200]  }
0xa9: {  	v14 =	vld [tilespmem:s12+$0x5210]  }
0xaa: {  	v11 =	vld [tilespmem:s12+$0x5220]  }
0xab: {  	v10 =	vld [tilespmem:s12+$0x5230]  }
0xac: {  	v9 =	vld [tilespmem:s12+$0x5240]  }
0xad: {  	v7 =	vld [tilespmem:s12+$0x5250];
	v13 =	vmul.f32 v8, v13  }
0xae: {  	s13 =	simm.s32 $0x200;
	v12 =	vmul.f32 v12, v14;
	v8 =	vld [tilespmem:s12+$0x5260]  }
.LBB2_11:
0xaf: {  	s14 =	sshra.s32 s13, $0x2;
	p0 =	sne.s32 s13, $0x9E00;
	[tilespmem:s12+$0x5200] =	vst v13;
	v6 =	vmul.f32 v6, v11;
	v11 =	vld [tilespmem:s12+$0x5270]  }
0xb0: {  	v13 =	vld [tilespmem:s14+$0x200];
	[tilespmem:s12+$0x5210] =	vst v12;
	v5 =	vmul.f32 v5, v10  }
0xb1: {  	v12 =	vld [tilespmem:s14+$0x210];
	[tilespmem:s12+$0x5220] =	vst v6;
	v4 =	vmul.f32 v4, v9  }
0xb2: {  	v6 =	vld [tilespmem:s14+$0x220];
	[tilespmem:s12+$0x5230] =	vst v5;
	v3 =	vmul.f32 v3, v7  }
0xb3: {  	v5 =	vld [tilespmem:s14+$0x230];
	[tilespmem:s12+$0x5240] =	vst v4;
	v2 =	vmul.f32 v2, v8  }
0xb4: {  	v4 =	vld [tilespmem:s14+$0x240];
	[tilespmem:s12+$0x5250] =	vst v3;
	v1 =	vmul.f32 v1, v11  }
0xb5: {  	v3 =	vld [tilespmem:s14+$0x250];
	[tilespmem:s12+$0x5260] =	vst v2  }
0xb6: {  	v2 =	vld [tilespmem:s14+$0x260];
	[tilespmem:s12+$0x5270] =	vst v1;
	s12 =	smov.u32 s14  }
0xb7: {  	v1 =	vld [tilespmem:s12+$0x270]  }
0xb8: {  	v7 =	vld [tilespmem:s12+$0x5200]  }
0xb9: {  	v8 =	vld [tilespmem:s12+$0x5210]  }
.Ltmp5:
0xba: {  	v11 =	vld [tilespmem:s12+$0x5220];
	(pc) =	sbr.rel @p0 .LBB2_11-.Ltmp5, $4  }
0xbb: {  	v10 =	vld [tilespmem:s12+$0x5230]  }
0xbc: {  	v9 =	vld [tilespmem:s12+$0x5240]  }
0xbd: {  	v13 =	vmul.f32 v13, v7;
	v7 =	vld [tilespmem:s12+$0x5250]  }
0xbe: {  	s13 =	sadd.s32 $0x200, s13;
	v12 =	vmul.f32 v12, v8;
	v8 =	vld [tilespmem:s12+$0x5260]  }
0xbf: {  	[tilespmem:s12+$0x5200] =	vst v13;
	v6 =	vmul.f32 v6, v11;
	v63 =	vld [tilespmem:s12+$0x5270]  }
0xc0: {  	[tilespmem:s12+$0x5210] =	vst v12;
	v5 =	vmul.f32 v5, v10  }
0xc1: {  	[tilespmem:s12+$0x5220] =	vst v6;
	v4 =	vmul.f32 v4, v9  }
0xc2: {  	[tilespmem:s12+$0x5230] =	vst v5;
	v3 =	vmul.f32 v3, v7  }
0xc3: {  	[tilespmem:s12+$0x5240] =	vst v4;
	v2 =	vmul.f32 v2, v8  }
0xc4: {  	s11 =	sadd.s32 $0x1, s11;
	[tilespmem:s12+$0x5250] =	vst v3;
	v1 =	vmul.f32 v1, v63  }
0xc5: {  	p0 =	sne.s32 s11, $0x3F;
	[tilespmem:s12+$0x5260] =	vst v2  }
.Ltmp6:
0xc6: {  	[tilespmem:s12+$0x5270] =	vst v1;
	(pc) =	sbr.rel @p0 .LBB2_4-.Ltmp6, $4  }
0xc7: {  	[spmem:s1] =	stream.indirect.scatter.add.f32 [tilespmem:s19], [sflag:$0x5], $0x80, s22, s23, $0xb8;
	[tilespmem:$0x1E200] =	vst v63  }
0xc8: {  	_ =	swait.ge [sflag:s20], $0x2800  }
0xc9: {  	[sflag:s20] =	ssyncset.done $0x0  }
0xca: {  	[sflag:s20] =	ssyncadd.s32 $0xFFFFD800  }
0xcb: {  	s11 =	stileid.u32  }
0xcc: {  	[bflag:$0x0] =	sbarrier.arrive $0xFFFF;
	s11 =	sshll.u32 s11, $0x6  }
0xcd: {  	s12 =	sshrl.u32 s9, $0x3;
	s13 =	rddreg [dreg:$0x3];
	s11 =	sor.u32 $0x1C05, s11  }
0xce: {  	[hbm:s13], [sflag:s11] =	dma.local [spmem:s12], $0x2800  }
0xcf: {  	_ =	swait.ge [sflag:s20], $0x2800  }
0xd0: {  	s10 =	sadd.s32 $0x1, s10;
	s15 =	rddreg [dreg:$0x4]  }
0xd1: {  	p0 =	sne.s32 s10, s15  }
.Ltmp7:
0xd2: {  	_ = 	snop;
	(pc) =	sbr.rel @p0 .LBB2_1-.Ltmp7, $3  }
0xd3: {  	_ =	sdelay $0x1  }
0xd4: {  	[sflag:s20] =	ssyncset.done $0x0  }
0xd5: {  	[sflag:s20] =	ssyncadd.s32 $0xFFFFD800  }
0xd6: {  	_ =	sfence.sel $0x180000  }
0xd7: {  	[bflag:$0x0] =	sbarrier.arrive $0xFFFF  }
0xd8: {  	_ =	strace $0x9000004A  }
0xd9: {  	s0 =	stileid.u32;
	[bflag:$0x2] =	sbarrier.arrive $0xFFFF  }
0xda: {  	p0 =	sne.s32 s0, $0x0;
	s0 =	rddreg [dreg:$0x2]  }
0xdb: {  	s0 =	sadd.s32 @!p0 $0x100000, s0  }
0xdc: {  	[sflag:s0] =	ssyncadd.tile.s32 @!p0 $0x1;
	_ =	shalt  }
.Lfunc_end2:
_tile_overlayer_lowered:
.L_overlay_start_2:
0xdd: {  	(tag) =	ssettag $0x2  }
0xde: {  	s0 =	rddreg [dreg:$0x0];
	s2 =	stileid.u32  }
0xdf: {  	s1 =	rddreg [dreg:$0x1];
	p0 =	sne.s32 s2, $0x0  }
0xe0: {  	s3 =	rddreg [dreg:$0x2];
	[bflag:$0x3] =	sbarrier.arrive $0xFFFF;
	s2 =	simm.s32 @!p0 $0x1C05  }
0xe1: {  	[timem:s3], [sflag:s2] =	dma.local @!p0 [hbm:s0], s1  }
0xe2: {  	s0 =	simm.s32 @!p0 $0x5  }
0xe3: {  	_ =	swait.ge @!p0 [sflag:s0], s1  }
0xe4: {  	s1 =	ssub.s32 @!p0 $0x0, s1;
	[sflag:s0] =	ssyncset.done @!p0 $0x0  }
0xe5: {  	[sflag:s0] =	ssyncadd.s32 @!p0 s1  }
0xe6: {  	[bflag:$0x3] =	sbarrier.arrive $0xFFFF  }
0xe7: {  	_ =	shalt  }

// kernel: kernel.15.cloned.1.call-start
scs
__scs_entry_jumppad:
0x0: {  	(pc) =	sbr.rel $0x88, $3  }
0x1: {  	(tag) =	ssettag $0x0;
	lr =	simm.s32 $0x1  }
0x2: {  	[smem:$0x3F86] =	sst lr;
	_ =	strace $0xD0000000  }
0x3: {  	_ = 	snop  }
0x4: {  	_ = 	snop  }
0x5: {  	_ = 	snop  }
0x6: {  	_ = 	snop  }
0x7: {  	_ = 	snop  }
__scs_overlays_trampoline_lowered:
0x8: {  	[smem:$0x3F95] =	sst s0  }
0x9: {  	[smem:$0x3F96] =	sst s1  }
0xa: {  	[smem:$0x3F97] =	sst s2  }
0xb: {  	[smem:$0x3F98] =	sst s3  }
0xc: {  	[smem:$0x3F99] =	sst s4  }
0xd: {  	[smem:$0x3F9A] =	sst s5  }
0xe: {  	[smem:$0x3F9B] =	sst s6  }
0xf: {  	[smem:$0x3F9C] =	sst s7  }
0x10: {  	[smem:$0x3F9D] =	sst s8  }
0x11: {  	[smem:$0x3F9E] =	sst s9;
	s0 =	simm.s32 @!p0 $0x0  }
0x12: {  	s1 =	sld [smem:$0x3F84];
	s0 =	simm.s32 @p0 $0x1  }
0x13: {  	[smem:$0x3F9F] =	sst s0;
	s0 =	simm.s32 @!p1 $0x0  }
0x14: {  	s2 =	sld [smem:$0x3F83];
	s0 =	simm.s32 @p1 $0x1  }
0x15: {  	[smem:$0x3FA0] =	sst s0;
	s0 =	simm.s32 @!p2 $0x0  }
0x16: {  	s3 =	sld [smem:$0x3FDB];
	s0 =	simm.s32 @p2 $0x1  }
0x17: {  	s4 =	simm.s32 $0x1BF5;
	[smem:$0x3FA2] =	sst s0  }
0x18: {  	s0 =	sld [smem:$0x3F85];
	_ =	swait.ge [sflag:s4], $0x0  }
0x19: {  	s7 =	sld [smem:$0x3F86]  }
0x1a: {  	s8 =	sadd.s32 $0xFFFFE003, lr  }
0x1b: {  	s9 =	sadd.s32 $0xFFFFFEF7, lr;
	s5 =	simm.s32 $0xFFFFFFFF;
	p2 =	slt.u32 s8, $0xFFFFF086  }
0x1c: {  	p1 =	slt.u32 s9, $0xF7A;
	s5 =	simm.s32 @!p2 $0x0  }
0x1d: {  	s5 =	simm.s32 @p1 $0x1;
	p0 =	seq.s32 s7, s2  }
0x1e: {  	s7 =	smul.u32 @!p0 $0xF7A, s2;
	p2 =	seq.s32 @!p0 s5, $0x0  }
0x1f: {  	s9 =	smul.u32 $0xF7A, s1;
	s8 =	simm.s32 @!p0 $0x1BF5;
	p2 =	por !p2, p0  }
0x20: {  	[sflag:s8] =	ssyncset.s32 @!p0 $0xFFFFF086;
	s6 =	sadd.s32 @!p0 s3, s7;
	s7 =	simm.s32 @!p0 $0x108  }
0x21: {  	s3 =	sadd.s32 s3, s9;
	s6 =	sadd.s32 @!p0 $0x88, s6;
	s7 =	simm.s32 @p2 $0x1082  }
0x22: {  	[simem:s7], [sflag:s8] =	dma.local @!p0 [hbm:s6], $0xF7A  }
0x23: {  	s9 =	sor.u32 $0xD0000000, s2;
	s6 =	simm.s32 $0x108;
	_ =	swait.ge @!p0 [sflag:s8], $0x0  }
0x24: {  	s3 =	sadd.s32 $0x88, s3;
	s6 =	simm.s32 @!p1 $0x1082;
	[sflag:s4] =	ssyncset.s32 $0xFFFFF086  }
0x25: {  	[simem:s6], [sflag:s4] =	dma.local [hbm:s3], $0xF7A  }
0x26: {  	[smem:$0x3F86] =	sst s1;
	(tag) =	ssettag s2;
	_ =	strace s9  }
0x27: {  	s1 =	sld [smem:$0x3F96]  }
0x28: {  	s2 =	sld [smem:$0x3F97]  }
0x29: {  	s4 =	sld [smem:$0x3F99]  }
0x2a: {  	p0 =	seq.s32 s5, $0x0;
	s5 =	sld [smem:$0x3F9A]  }
0x2b: {  	s6 =	sld [smem:$0x3F9B]  }
0x2c: {  	s7 =	sld [smem:$0x3F9C]  }
0x2d: {  	s3 =	simm.s32 $0x108;
	s8 =	sld [smem:$0x3F9D]  }
0x2e: {  	s3 =	simm.s32 @!p0 $0x1082;
	s9 =	sld [smem:$0x3F9E]  }
0x2f: {  	lr =	sadd.s32 s0, s3;
	s0 =	sld [smem:$0x3F95]  }
0x30: {  	s3 =	sld [smem:$0x3F98]  }
0x31: {  	[smem:$0x3FA1] =	sst s10  }
0x32: {  	s10 =	sld [smem:$0x3F9F];
	_ =	sdelay $0x3  }
0x33: {  	p0 =	seq.s32 s10, $0x1;
	s10 =	sld [smem:$0x3FA1];
	_ =	sdelay $0x3  }
0x34: {  	[smem:$0x3FA1] =	sst s10  }
0x35: {  	s10 =	sld [smem:$0x3FA0];
	_ =	sdelay $0x3  }
0x36: {  	p1 =	seq.s32 s10, $0x1;
	s10 =	sld [smem:$0x3FA1];
	_ =	sdelay $0x3  }
0x37: {  	[smem:$0x3FA1] =	sst s10  }
0x38: {  	s10 =	sld [smem:$0x3FA2]  }
0x39: {  	_ = 	snop;
	(pc) =	sbr.ind lr, $3  }
0x3a: {  	_ = 	snop  }
0x3b: {  	_ = 	snop  }
0x3c: {  	p2 =	seq.s32 s10, $0x1;
	s10 =	sld [smem:$0x3FA1]  }
0x3d: {  	_ =	shalt  }
0x3e: {  	_ =	shalt  }
0x3f: {  	_ =	shalt  }
0x40: {  	_ =	shalt  }
0x41: {  	_ =	shalt  }
0x42: {  	_ =	shalt  }
0x43: {  	_ =	shalt  }
0x44: {  	_ =	shalt  }
0x45: {  	_ =	shalt  }
0x46: {  	_ =	shalt  }
0x47: {  	_ =	shalt  }
0x48: {  	_ =	shalt  }
0x49: {  	_ =	shalt  }
0x4a: {  	_ =	shalt  }
0x4b: {  	_ =	shalt  }
0x4c: {  	_ =	shalt  }
0x4d: {  	_ =	shalt  }
0x4e: {  	_ =	shalt  }
0x4f: {  	_ =	shalt  }
0x50: {  	_ =	shalt  }
0x51: {  	_ =	shalt  }
0x52: {  	_ =	shalt  }
0x53: {  	_ =	shalt  }
0x54: {  	_ =	shalt  }
0x55: {  	_ =	shalt  }
0x56: {  	_ =	shalt  }
0x57: {  	_ =	shalt  }
0x58: {  	_ =	shalt  }
0x59: {  	_ =	shalt  }
0x5a: {  	_ =	shalt  }
0x5b: {  	_ =	shalt  }
0x5c: {  	_ =	shalt  }
0x5d: {  	_ =	shalt  }
0x5e: {  	_ =	shalt  }
0x5f: {  	_ =	shalt  }
0x60: {  	_ =	shalt  }
0x61: {  	_ =	shalt  }
0x62: {  	_ =	shalt  }
0x63: {  	_ =	shalt  }
0x64: {  	_ =	shalt  }
0x65: {  	_ =	shalt  }
0x66: {  	_ =	shalt  }
0x67: {  	_ =	shalt  }
0x68: {  	_ =	shalt  }
0x69: {  	_ =	shalt  }
0x6a: {  	_ =	shalt  }
0x6b: {  	_ =	shalt  }
0x6c: {  	_ =	shalt  }
0x6d: {  	_ =	shalt  }
0x6e: {  	_ =	shalt  }
0x6f: {  	_ =	shalt  }
0x70: {  	_ =	shalt  }
0x71: {  	_ =	shalt  }
0x72: {  	_ =	shalt  }
0x73: {  	_ =	shalt  }
0x74: {  	_ =	shalt  }
0x75: {  	_ =	shalt  }
0x76: {  	_ =	shalt  }
0x77: {  	_ =	shalt  }
0x78: {  	_ =	shalt  }
0x79: {  	_ =	shalt  }
0x7a: {  	_ =	shalt  }
0x7b: {  	_ =	shalt  }
0x7c: {  	_ =	shalt  }
0x7d: {  	_ =	shalt  }
0x7e: {  	_ =	shalt  }
0x7f: {  	_ =	shalt  }
0x80: {  	_ =	shalt  }
0x81: {  	_ =	shalt  }
0x82: {  	_ =	shalt  }
0x83: {  	_ =	shalt  }
0x84: {  	_ =	shalt  }
0x85: {  	_ =	shalt  }
0x86: {  	_ =	shalt  }
0x87: {  	_ =	shalt  }
.Lfunc_end0:
.L_simem_size_0:
called_computation.2_lowered:
.L_overlay_start_0:
0x88: {  	s2 =	sld [smem:$0x3FD9]  }
0x89: {  	s3 =	sld [smem:$0x3FFE];
	_ =	sdelay $0x1  }
0x8a: {  	s1 =	srdreg.scid  }
0x8b: {  	s0 =	sand.u32 $0x1, s1  }
0x8c: {  	s16 =	sshll.u32 s0, $0xA;
	s2 =	sadd.s32 s3, s2  }
0x8d: {  	s2 =	sadd.s32 s2, s16  }
0x8e: {  	[smem:$0x3FAD] =	sst s2  }
0x8f: {  	_ = 	snop  }
0x90: {  	(tm) =	ssettm $0x1  }
0x91: {  	s17 =	sld [smem:$0x3FFB];
	_ =	sdelay $0x3  }
0x92: {  	_ =	strace s17  }
0x93: {  	s2 =	sld [smem:$0x3FFC];
	_ =	sdelay $0x3  }
0x94: {  	_ =	strace s2  }
0x95: {  	s2 =	sld [smem:$0x3FFD];
	_ =	sdelay $0x3  }
0x96: {  	_ =	strace s2  }
0x97: {  	_ =	strace $0x8FFFFFFF  }
0x98: {  	s18 =	sld [smem:$0x3FDB];
	_ =	sdelay $0x1  }
0x99: {  	s19 =	simm.s32 $_scs_section_size  }
0x9a: {  	s4 =	simm.s32 $_size__tile_overlayer_lowered;
	s5 =	simm.s32 $_tile_overlayer_lowered  }
0x9b: {  	s22 =	simm.s32 $0x1BFF;
	s21 =	sshll.u32 s5, $0x1;
	s2 =	sadd.s32 s19, s18  }
0x9c: {  	s6 =	simm.s32 $0x0;
	s20 =	sshll.u32 s4, $0x1;
	s4 =	sadd.s32 s21, s2  }
0x9d: {  	[timem:s6], [sflag:s22] =	dma.local [hbm:s4], s20  }
0x9e: {  	_ =	swait.ge [sflag:s22], s20  }
0x9f: {  	s3 =	ssub.s32 $0x0, s20;
	[sflag:s22] =	ssyncset.done $0x0  }
0xa0: {  	[sflag:s22] =	ssyncadd.s32 s3;
	_ =	sdelay $0x1  }
0xa1: {  	s23 =	simm.s32 $0x1B8B  }
0xa2: {  	_ =	swait.ge [sflag:s23], $0x1  }
0xa3: {  	[sflag:s23] =	ssyncset.done $0x0  }
0xa4: {  	s25 =	simm.s32 $0x1B8E;
	s24 =	sld [smem:$0x3FFE];
	[sflag:s23] =	ssyncadd.s32 $0xFFFFFFFF  }
0xa5: {  	s26 =	simm.s32 $execute0_lowered;
	[smem:$0x3FD2] =	sst s25  }
0xa6: {  	s4 =	sshll.u32 s26, $0x1;
	_ =	strace $0x8000004C;
	[dreg:$0x1] =	wrdreg $0xFFFFFFFF  }
0xa7: {  	s28 =	simm.s32 $_size_execute0_lowered;
	s2 =	sadd.s32 s2, s4;
	[dreg:$0x0] =	wrdreg $0x0  }
0xa8: {  	s4 =	sshll.u32 s28, $0x1;
	[dreg:$0x2] =	wrdreg s2  }
0xa9: {  	[dreg:$0x3] =	wrdreg s4  }
0xaa: {  	[dreg:$0x4] =	wrdreg $0xC0  }
0xab: {  	_ =	task [dreg:s6], $0x5FFFF  }
0xac: {  	[dreg:$0x1] =	wrdreg $0xFFFFFFFF  }
0xad: {  	[dreg:$0x0] =	wrdreg $0x60  }
0xae: {  	[dreg:$0x2] =	wrdreg s24  }
0xaf: {  	[dreg:$0x3] =	wrdreg $0xA2000  }
0xb0: {  	[dreg:$0x4] =	wrdreg $0x9  }
0xb1: {  	_ =	task.clear_ibuf [dreg:s6], $0x5FFFF;
	_ =	strace $0x9000004C  }
0xb2: {  	s29 =	simm.s32 $0x9;
	_ =	strace $0x8000004E  }
0xb3: {  	_ =	swait.ge [sflag:s29], $0x1  }
0xb4: {  	[sflag:s29] =	ssyncadd.s32 $0xFFFFFFFF  }
0xb5: {  	_ =	strace $0x9000004E  }
0xb6: {  	_ =	sfence  }
0xb7: {  	s30 =	sld [smem:$0x0];
	_ =	sdelay $0x2  }
0xb8: {  	s31 =	sshll.u32 s1, $0xD;
	s1 =	sshrl.u32 s1, $0x2  }
0xb9: {  	s3 =	sand.u32 $0x4000, s31;
	s1 =	sadd.s32 s1, s30  }
0xba: {  	s0 =	sor.u32 s3, s0;
	s1 =	sshll.u32 s1, $0x11  }
0xbb: {  	s0 =	sor.u32 s1, s0  }
0xbc: {  	s0 =	sadd.s32 $0x8F2B, s0  }
0xbd: {  	[sflag:s0] =	ssyncadd.remote.s32 $0x1  }
0xbe: {  	_ =	sfence.sel $0xFFFF  }
0xbf: {  	[dreg:$0x0] =	wrdreg $0xFFFFFFFF;
	(pc) =	sbr.abs _section_cstart, $3  }
0xc0: {  	[dreg:$0x1] =	wrdreg $0xFFFFFFFF  }
0xc1: {  	_ =	task.clear_ibuf [dreg:s6], $0x2FFFF;
	_ =	strace $0x9FFFFFFF  }
0xc2: {  	(tm) =	ssettm $0x7FFFFFFF  }
0xc3: {  	_ =	shalt  }
tec
execute0_lowered:
.L_overlay_start_1:
0x0: {  	(tag) =	ssettag $0x1  }
0x1: {  	s0 =	rddreg [dreg:$0x0]  }
0x2: {  	s1 =	rddreg [dreg:$0x1];
	s2 =	srdreg.scid;
	s3 =	simm.s32 $0x0  }
0x3: {  	s11 =	stileid.u32;
	s19 =	simm.s32 $0x5200;
	s20 =	simm.s32 $0x5  }
0x4: {  	s28 =	simm.s32 $0x2A00;
	s29 =	simm.s32 $0x7A00;
	s30 =	simm.s32 $0x1  }
0x5: {  	s31 =	simm.s32 $0x3;
	s2 =	sand.u32 $0x1, s2;
	s7 =	smul.u32 $0x14000, s11  }
0x6: {  	[smem:$0x7FF] =	sst s3;
	s4 =	sadd.s32 $0x18000, s0;
	s9 =	smul.u32 $0x50000, s11  }
0x7: {  	s5 =	sadd.s32 $0x52E200, s0;
	s6 =	smul.u32 $0x140000, s2;
	s21 =	ssub.s32 $0x2, s2  }
0x8: {  	s11 =	sshll.u32 s11, $0x1;
	_ =	strace $0x8000004D;
	s10 =	sshrl.u32 s21, $0x1  }
0x9: {  	s9 =	sshrl.u32 s9, $0x2;
	s7 =	sadd.s32 s7, s6;
	s6 =	sadd.s32 $0xE200, s0  }
0xa: {  	s10 =	ssub.s32 s21, s10;
	s9 =	sadd.s32 s9, s1;
	s21 =	simm.s32 $0x6  }
0xb: {  	s8 =	sshrl.u32 s7, $0x3;
	s7 =	sadd.s32 $0x4400, s0;
	s22 =	smax.u32 s10, $0x1  }
0xc: {  	s23 =	sadd.s32 $0x2800, s9;
	s24 =	sadd.s32 $0x5000, s9;
	[dreg:$0x4] =	wrdreg s22  }
0xd: {  	s25 =	sadd.s32 $0x7800, s9;
	s26 =	sadd.s32 $0xA000, s9;
	[dreg:$0x5] =	wrdreg s23  }
0xe: {  	s16 =	sadd.s32 $0xC800, s9;
	s17 =	sadd.s32 $0xF000, s9;
	[dreg:$0x6] =	wrdreg s24  }
0xf: {  	s18 =	sadd.s32 $0x11800, s9;
	s10 =	simm.s32 $0x0;
	[dreg:$0x7] =	wrdreg s25  }
0x10: {  	s0 =	sadd.s32 s8, s0;
	s8 =	sor.u32 s2, s11;
	[dreg:$0x8] =	wrdreg s26  }
0x11: {  	s22 =	simm.s32 $0x100;
	s23 =	simm.s32 $0x50;
	s24 =	simm.s32 $0x200  }
0x12: {  	s25 =	simm.s32 $0x80;
	s26 =	simm.s32 $0x180;
	s0 =	sadd.s32 $0x3F200, s0  }
0x13: {  	v0 =	vimm.f32 $0.0e+00;
	s2 =	simm.s32 $0x4;
	[dreg:$0x3] =	wrdreg s0;
	s0 =	simm.s32 $0x2  }
.LBB2_1:
0x14: {  	s11 =	simm.s32 $0x0;
	s12 =	simm.s32 $0x200  }
.LBB2_2:
0x15: {  	p0 =	sne.s32 s12, $0x9E00;
	[tilespmem:s11+$0x5270] =	vst v0  }
0x16: {  	[tilespmem:s11+$0x5200] =	vst v0  }
0x17: {  	[tilespmem:s11+$0x5210] =	vst v0  }
.Ltmp0:
0x18: {  	[tilespmem:s11+$0x5220] =	vst v0;
	(pc) =	sbr.rel @p0 .LBB2_2-.Ltmp0, $4  }
0x19: {  	[tilespmem:s11+$0x5230] =	vst v0  }
0x1a: {  	[tilespmem:s11+$0x5240] =	vst v0  }
0x1b: {  	[tilespmem:s11+$0x5250] =	vst v0  }
0x1c: {  	[tilespmem:s11+$0x5260] =	vst v0;
	s11 =	sshra.s32 s12, $0x2;
	s12 =	sadd.s32 $0x200, s12  }
0x1d: {  	[tilespmem:s11+$0x5270] =	vst v0  }
0x1e: {  	[tilespmem:s11+$0x5200] =	vst v0  }
0x1f: {  	[tilespmem:s11+$0x5210] =	vst v0  }
0x20: {  	[tilespmem:s11+$0x5220] =	vst v0  }
0x21: {  	[tilespmem:s11+$0x5230] =	vst v0  }
0x22: {  	[tilespmem:s11+$0x5240] =	vst v0  }
0x23: {  	[tilespmem:s11+$0x5250] =	vst v0  }
0x24: {  	[tilespmem:s11+$0x5260] =	vst v0  }
0x25: {  	[spmem:s9] =	stream.linear.scatter [tilespmem:s19], [sflag:$0x5], $0x2800, $0x38;
	[tilespmem:$0x1E200] =	vst v63  }
0x26: {  	_ =	swait.ge [sflag:s20], $0x2800  }
0x27: {  	[sflag:s20] =	ssyncset.done $0x0  }
0x28: {  	s12 =	rddreg [dreg:$0x5];
	[sflag:s20] =	ssyncadd.s32 $0xFFFFD800  }
0x29: {  	[spmem:s12] =	stream.linear.scatter [tilespmem:s19], [sflag:$0x5], $0x2800, $0x38;
	[tilespmem:$0x1E200] =	vst v63  }
0x2a: {  	_ =	swait.ge [sflag:s20], $0x2800  }
0x2b: {  	[sflag:s20] =	ssyncset.done $0x0  }
0x2c: {  	s13 =	rddreg [dreg:$0x6];
	[sflag:s20] =	ssyncadd.s32 $0xFFFFD800  }
0x2d: {  	[spmem:s13] =	stream.linear.scatter [tilespmem:s19], [sflag:$0x5], $0x2800, $0x38;
	[tilespmem:$0x1E200] =	vst v63  }
0x2e: {  	_ =	swait.ge [sflag:s20], $0x2800  }
0x2f: {  	[sflag:s20] =	ssyncset.done $0x0  }
0x30: {  	s14 =	rddreg [dreg:$0x7];
	[sflag:s20] =	ssyncadd.s32 $0xFFFFD800  }
0x31: {  	[spmem:s14] =	stream.linear.scatter [tilespmem:s19], [sflag:$0x5], $0x2800, $0x38;
	[tilespmem:$0x1E200] =	vst v63  }
0x32: {  	_ =	swait.ge [sflag:s20], $0x2800  }
0x33: {  	[sflag:s20] =	ssyncset.done $0x0  }
0x34: {  	s15 =	rddreg [dreg:$0x8];
	[sflag:s20] =	ssyncadd.s32 $0xFFFFD800  }
0x35: {  	[spmem:s15] =	stream.linear.scatter [tilespmem:s19], [sflag:$0x5], $0x2800, $0x38;
	[tilespmem:$0x1E200] =	vst v63  }
0x36: {  	_ =	swait.ge [sflag:s20], $0x2800  }
0x37: {  	[sflag:s20] =	ssyncset.done $0x0  }
0x38: {  	[sflag:s20] =	ssyncadd.s32 $0xFFFFD800  }
0x39: {  	[spmem:s16] =	stream.linear.scatter [tilespmem:s19], [sflag:$0x5], $0x2800, $0x38;
	[tilespmem:$0x1E200] =	vst v63  }
0x3a: {  	_ =	swait.ge [sflag:s20], $0x2800  }
0x3b: {  	[sflag:s20] =	ssyncset.done $0x0  }
0x3c: {  	[sflag:s20] =	ssyncadd.s32 $0xFFFFD800  }
0x3d: {  	[spmem:s17] =	stream.linear.scatter [tilespmem:s19], [sflag:$0x5], $0x2800, $0x38;
	[tilespmem:$0x1E200] =	vst v63  }
0x3e: {  	_ =	swait.ge [sflag:s20], $0x2800  }
0x3f: {  	[sflag:s20] =	ssyncset.done $0x0  }
0x40: {  	[sflag:s20] =	ssyncadd.s32 $0xFFFFD800  }
0x41: {  	[spmem:s18] =	stream.linear.scatter [tilespmem:s19], [sflag:$0x5], $0x2800, $0x38;
	[tilespmem:$0x1E200] =	vst v63  }
0x42: {  	_ =	swait.ge [sflag:s20], $0x2800  }
0x43: {  	[sflag:s20] =	ssyncset.done $0x0  }
0x44: {  	[sflag:s20] =	ssyncadd.s32 $0xFFFFD800  }
0x45: {  	s11 =	simm.s32 $0x0;
	[bflag:$0x0] =	sbarrier.arrive $0xFFFF  }
.LBB2_4:
0x46: {  	s12 =	sshll.u32 s11, $0x6  }
0x47: {  	s12 =	sor.u32 s8, s12  }
0x48: {  	s13 =	smul.u32 $0xA, s12;
	_ =	sdelay $0x1  }
0x49: {  	s14 =	sadd.s32 s6, s13  }
0x4a: {  	[tilespmem:s3], [sflag:$0x6] =	stream.linear.gather [hbm4b:s14+s3], $0x50, $0x38;
	[tilespmem:$0x1E200] =	vst v63  }
0x4b: {  	_ =	swait.ge [sflag:s21], $0x50  }
0x4c: {  	[sflag:s21] =	ssyncset.done $0x0  }
0x4d: {  	s13 =	sadd.s32 s7, s13;
	[sflag:s21] =	ssyncadd.s32 $0xFFFFFFB0  }
0x4e: {  	[tilespmem:s22], [sflag:$0x6] =	stream.linear.gather [hbm4b:s13+s3], $0x50, $0x38;
	[tilespmem:$0x1E200] =	vst v63  }
0x4f: {  	p0 =	seq.s32 s11, $0x0;
	_ =	swait.ge [sflag:s21], $0x50  }
.Ltmp1:
0x50: {  	[sflag:s21] =	ssyncset.done $0x0;
	(pc) =	sbr.rel @p0 .LBB2_5-.Ltmp1, $4  }
0x51: {  	s12 =	smul.u32 $0x500, s12;
	[sflag:s21] =	ssyncadd.s32 $0xFFFFFFB0  }
0x52: {  	[tilespmem:s24], [sflag:$0x1] =	stream.indirect.gather [hbm4b:s4+s23], $0x80, s3, s23, $0xb8;
	[tilespmem:$0x1E200] =	vst v63  }
0x53: {  	s12 =	sadd.s32 s5, s12  }
0x54: {  	[tilespmem:s19], [sflag:$0x3] =	stream.linear.gather [hbm4b:s12+s3], $0x2800, $0x38;
	[tilespmem:$0x1E200] =	vst v63  }
0x55: {  	_ =	swait.ge [sflag:s0], $0x2800  }
0x56: {  	[sflag:s0] =	ssyncset.done $0x0  }
0x57: {  	[sflag:s0] =	ssyncadd.s32 $0xFFFFD800  }
0x58: {  	_ =	swait.ge [sflag:s2], $0x2800  }
0x59: {  	[sflag:s2] =	ssyncset.done $0x0  }
0x5a: {  	s12 =	simm.s32 $0x0;
	[sflag:s2] =	ssyncadd.s32 $0xFFFFD800  }
0x5b: {  	v8 =	vld [tilespmem:s12+$0x2A00]  }
0x5c: {  	v12 =	vld [tilespmem:s12+$0x2A10]  }
0x5d: {  	v6 =	vld [tilespmem:s12+$0x2A20]  }
0x5e: {  	v5 =	vld [tilespmem:s12+$0x2A30]  }
0x5f: {  	v4 =	vld [tilespmem:s12+$0x2A40]  }
0x60: {  	v3 =	vld [tilespmem:s12+$0x2A50]  }
0x61: {  	v2 =	vld [tilespmem:s12+$0x2A60]  }
0x62: {  	v1 =	vld [tilespmem:s12+$0x2A70]  }
0x63: {  	v13 =	vld [tilespmem:s12+$0x7A00]  }
0x64: {  	v14 =	vld [tilespmem:s12+$0x7A10]  }
0x65: {  	v11 =	vld [tilespmem:s12+$0x7A20]  }
0x66: {  	v10 =	vld [tilespmem:s12+$0x7A30]  }
0x67: {  	v9 =	vld [tilespmem:s12+$0x7A40]  }
0x68: {  	v7 =	vld [tilespmem:s12+$0x7A50];
	v13 =	vmul.f32 v8, v13  }
0x69: {  	s13 =	sshll.u32 s11, $0x1;
	s14 =	simm.s32 $0x200;
	v12 =	vmul.f32 v12, v14;
	v8 =	vld [tilespmem:s12+$0x7A60]  }
.LBB2_7:
0x6a: {  	s15 =	sshra.s32 s14, $0x2;
	p0 =	sne.s32 s14, $0x9E00;
	[tilespmem:s12+$0x7A00] =	vst v13;
	v6 =	vmul.f32 v6, v11;
	v11 =	vld [tilespmem:s12+$0x7A70]  }
0x6b: {  	v13 =	vld [tilespmem:s15+$0x2A00];
	[tilespmem:s12+$0x7A10] =	vst v12;
	v5 =	vmul.f32 v5, v10  }
0x6c: {  	v12 =	vld [tilespmem:s15+$0x2A10];
	[tilespmem:s12+$0x7A20] =	vst v6;
	v4 =	vmul.f32 v4, v9  }
0x6d: {  	v6 =	vld [tilespmem:s15+$0x2A20];
	[tilespmem:s12+$0x7A30] =	vst v5;
	v3 =	vmul.f32 v3, v7  }
0x6e: {  	v5 =	vld [tilespmem:s15+$0x2A30];
	[tilespmem:s12+$0x7A40] =	vst v4;
	v2 =	vmul.f32 v2, v8  }
0x6f: {  	v4 =	vld [tilespmem:s15+$0x2A40];
	[tilespmem:s12+$0x7A50] =	vst v3;
	v1 =	vmul.f32 v1, v11  }
0x70: {  	v3 =	vld [tilespmem:s15+$0x2A50];
	[tilespmem:s12+$0x7A60] =	vst v2  }
0x71: {  	v2 =	vld [tilespmem:s15+$0x2A60];
	[tilespmem:s12+$0x7A70] =	vst v1;
	s12 =	smov.u32 s15  }
0x72: {  	v1 =	vld [tilespmem:s12+$0x2A70]  }
0x73: {  	v7 =	vld [tilespmem:s12+$0x7A00]  }
0x74: {  	v8 =	vld [tilespmem:s12+$0x7A10]  }
.Ltmp2:
0x75: {  	v11 =	vld [tilespmem:s12+$0x7A20];
	(pc) =	sbr.rel @p0 .LBB2_7-.Ltmp2, $4  }
0x76: {  	v10 =	vld [tilespmem:s12+$0x7A30]  }
0x77: {  	v9 =	vld [tilespmem:s12+$0x7A40]  }
0x78: {  	v13 =	vmul.f32 v13, v7;
	v7 =	vld [tilespmem:s12+$0x7A50]  }
0x79: {  	s14 =	sadd.s32 $0x200, s14;
	v12 =	vmul.f32 v12, v8;
	v8 =	vld [tilespmem:s12+$0x7A60]  }
0x7a: {  	[tilespmem:s12+$0x7A00] =	vst v13;
	v6 =	vmul.f32 v6, v11;
	v63 =	vld [tilespmem:s12+$0x7A70]  }
0x7b: {  	[tilespmem:s12+$0x7A10] =	vst v12;
	v5 =	vmul.f32 v5, v10  }
0x7c: {  	[tilespmem:s12+$0x7A20] =	vst v6;
	v4 =	vmul.f32 v4, v9  }
0x7d: {  	[tilespmem:s12+$0x7A30] =	vst v5;
	v3 =	vmul.f32 v3, v7  }
0x7e: {  	[tilespmem:s12+$0x7A40] =	vst v4;
	v2 =	vmul.f32 v2, v8  }
0x7f: {  	[tilespmem:s12+$0x7A50] =	vst v3;
	v1 =	vmul.f32 v1, v63  }
0x80: {  	[tilespmem:s12+$0x7A60] =	vst v2  }
0x81: {  	[tilespmem:s12+$0x7A70] =	vst v1;
	s12 =	sor.u32 $0x1, s13  }
0x82: {  	[spmem:s1] =	stream.indirect.scatter.add.f32 [tilespmem:s29], [sflag:$0x6], $0x80, s26, s23, $0xb8;
	[tilespmem:$0x1E200] =	vst v63  }
0x83: {  	p0 =	sgt.u32 s12, $0x7C  }
.Ltmp3:
0x84: {  	_ = 	snop;
	(pc) =	sbr.rel @p0 .LBB2_10-.Ltmp3, $4  }
.Ltmp4:
0x85: {  	_ = 	snop;
	(pc) =	sbr.rel @!p0 .LBB2_9-.Ltmp4, $4  }
0x86: {  	_ =	swait.ge [sflag:s21], $0x2800  }
0x87: {  	[sflag:s21] =	ssyncset.done $0x0  }
0x88: {  	[sflag:s21] =	ssyncadd.s32 $0xFFFFD800  }
0x89: {  	_ = 	snop  }
.LBB2_5:
0x8a: {  	s12 =	simm.s32 $0x1  }
.LBB2_9:
0x8b: {  	s12 =	sshll.u32 s12, $0x5  }
0x8c: {  	s12 =	sor.u32 s8, s12  }
0x8d: {  	s13 =	smul.u32 $0xA, s12;
	_ =	sdelay $0x1  }
0x8e: {  	s14 =	sadd.s32 s6, s13  }
0x8f: {  	[tilespmem:s25], [sflag:$0x6] =	stream.linear.gather [hbm4b:s14+s3], $0x50, $0x38;
	[tilespmem:$0x1E200] =	vst v63  }
0x90: {  	_ =	swait.ge [sflag:s21], $0x50  }
0x91: {  	[sflag:s21] =	ssyncset.done $0x0  }
0x92: {  	s13 =	sadd.s32 s7, s13;
	[sflag:s21] =	ssyncadd.s32 $0xFFFFFFB0  }
0x93: {  	[tilespmem:s26], [sflag:$0x6] =	stream.linear.gather [hbm4b:s13+s3], $0x50, $0x38;
	[tilespmem:$0x1E200] =	vst v63  }
0x94: {  	_ =	swait.ge [sflag:s21], $0x50  }
0x95: {  	[sflag:s21] =	ssyncset.done $0x0  }
0x96: {  	s12 =	smul.u32 $0x500, s12;
	[sflag:s21] =	ssyncadd.s32 $0xFFFFFFB0  }
0x97: {  	[tilespmem:s28], [sflag:$0x2] =	stream.indirect.gather [hbm4b:s4+s23], $0x80, s25, s23, $0xb8;
	[tilespmem:$0x1E200] =	vst v63  }
0x98: {  	s12 =	sadd.s32 s5, s12  }
0x99: {  	[tilespmem:s29], [sflag:$0x4] =	stream.linear.gather [hbm4b:s12+s3], $0x2800, $0x38;
	[tilespmem:$0x1E200] =	vst v63  }
.LBB2_10:
0x9a: {  	_ =	swait.ge [sflag:s30], $0x2800  }
0x9b: {  	[sflag:s30] =	ssyncset.done $0x0  }
0x9c: {  	[sflag:s30] =	ssyncadd.s32 $0xFFFFD800  }
0x9d: {  	_ =	swait.ge [sflag:s31], $0x2800  }
0x9e: {  	[sflag:s31] =	ssyncset.done $0x0  }
0x9f: {  	s12 =	simm.s32 $0x0;
	[sflag:s31] =	ssyncadd.s32 $0xFFFFD800  }
0xa0: {  	v8 =	vld [tilespmem:s12+$0x200]  }
0xa1: {  	v12 =	vld [tilespmem:s12+$0x210]  }
0xa2: {  	v6 =	vld [tilespmem:s12+$0x220]  }
0xa3: {  	v5 =	vld [tilespmem:s12+$0x230]  }
0xa4: {  	v4 =	vld [tilespmem:s12+$0x240]  }
0xa5: {  	v3 =	vld [tilespmem:s12+$0x250]  }
0xa6: {  	v2 =	vld [tilespmem:s12+$0x260]  }
0xa7: {  	v1 =	vld [tilespmem:s12+$0x270]  }
0xa8: {  	v13 =	vld [tilespmem:s12+$0x5200]  }
0xa9: {  	v14 =	vld [tilespmem:s12+$0x5210]  }
0xaa: {  	v11 =	vld [tilespmem:s12+$0x5220]  }
0xab: {  	v10 =	vld [tilespmem:s12+$0x5230]  }
0xac: {  	v9 =	vld [tilespmem:s12+$0x5240]  }
0xad: {  	v7 =	vld [tilespmem:s12+$0x5250];
	v13 =	vmul.f32 v8, v13  }
0xae: {  	s13 =	simm.s32 $0x200;
	v12 =	vmul.f32 v12, v14;
	v8 =	vld [tilespmem:s12+$0x5260]  }
.LBB2_11:
0xaf: {  	s14 =	sshra.s32 s13, $0x2;
	p0 =	sne.s32 s13, $0x9E00;
	[tilespmem:s12+$0x5200] =	vst v13;
	v6 =	vmul.f32 v6, v11;
	v11 =	vld [tilespmem:s12+$0x5270]  }
0xb0: {  	v13 =	vld [tilespmem:s14+$0x200];
	[tilespmem:s12+$0x5210] =	vst v12;
	v5 =	vmul.f32 v5, v10  }
0xb1: {  	v12 =	vld [tilespmem:s14+$0x210];
	[tilespmem:s12+$0x5220] =	vst v6;
	v4 =	vmul.f32 v4, v9  }
0xb2: {  	v6 =	vld [tilespmem:s14+$0x220];
	[tilespmem:s12+$0x5230] =	vst v5;
	v3 =	vmul.f32 v3, v7  }
0xb3: {  	v5 =	vld [tilespmem:s14+$0x230];
	[tilespmem:s12+$0x5240] =	vst v4;
	v2 =	vmul.f32 v2, v8  }
0xb4: {  	v4 =	vld [tilespmem:s14+$0x240];
	[tilespmem:s12+$0x5250] =	vst v3;
	v1 =	vmul.f32 v1, v11  }
0xb5: {  	v3 =	vld [tilespmem:s14+$0x250];
	[tilespmem:s12+$0x5260] =	vst v2  }
0xb6: {  	v2 =	vld [tilespmem:s14+$0x260];
	[tilespmem:s12+$0x5270] =	vst v1;
	s12 =	smov.u32 s14  }
0xb7: {  	v1 =	vld [tilespmem:s12+$0x270]  }
0xb8: {  	v7 =	vld [tilespmem:s12+$0x5200]  }
0xb9: {  	v8 =	vld [tilespmem:s12+$0x5210]  }
.Ltmp5:
0xba: {  	v11 =	vld [tilespmem:s12+$0x5220];
	(pc) =	sbr.rel @p0 .LBB2_11-.Ltmp5, $4  }
0xbb: {  	v10 =	vld [tilespmem:s12+$0x5230]  }
0xbc: {  	v9 =	vld [tilespmem:s12+$0x5240]  }
0xbd: {  	v13 =	vmul.f32 v13, v7;
	v7 =	vld [tilespmem:s12+$0x5250]  }
0xbe: {  	s13 =	sadd.s32 $0x200, s13;
	v12 =	vmul.f32 v12, v8;
	v8 =	vld [tilespmem:s12+$0x5260]  }
0xbf: {  	[tilespmem:s12+$0x5200] =	vst v13;
	v6 =	vmul.f32 v6, v11;
	v63 =	vld [tilespmem:s12+$0x5270]  }
0xc0: {  	[tilespmem:s12+$0x5210] =	vst v12;
	v5 =	vmul.f32 v5, v10  }
0xc1: {  	[tilespmem:s12+$0x5220] =	vst v6;
	v4 =	vmul.f32 v4, v9  }
0xc2: {  	[tilespmem:s12+$0x5230] =	vst v5;
	v3 =	vmul.f32 v3, v7  }
0xc3: {  	[tilespmem:s12+$0x5240] =	vst v4;
	v2 =	vmul.f32 v2, v8  }
0xc4: {  	s11 =	sadd.s32 $0x1, s11;
	[tilespmem:s12+$0x5250] =	vst v3;
	v1 =	vmul.f32 v1, v63  }
0xc5: {  	p0 =	sne.s32 s11, $0x3F;
	[tilespmem:s12+$0x5260] =	vst v2  }
.Ltmp6:
0xc6: {  	[tilespmem:s12+$0x5270] =	vst v1;
	(pc) =	sbr.rel @p0 .LBB2_4-.Ltmp6, $4  }
0xc7: {  	[spmem:s1] =	stream.indirect.scatter.add.f32 [tilespmem:s19], [sflag:$0x5], $0x80, s22, s23, $0xb8;
	[tilespmem:$0x1E200] =	vst v63  }
0xc8: {  	_ =	swait.ge [sflag:s20], $0x2800  }
0xc9: {  	[sflag:s20] =	ssyncset.done $0x0  }
0xca: {  	[sflag:s20] =	ssyncadd.s32 $0xFFFFD800  }
0xcb: {  	s11 =	stileid.u32  }
0xcc: {  	[bflag:$0x0] =	sbarrier.arrive $0xFFFF;
	s11 =	sshll.u32 s11, $0x6  }
0xcd: {  	s12 =	sshrl.u32 s9, $0x3;
	s13 =	rddreg [dreg:$0x3];
	s11 =	sor.u32 $0x1C05, s11  }
0xce: {  	[hbm:s13], [sflag:s11] =	dma.local [spmem:s12], $0x2800  }
0xcf: {  	_ =	swait.ge [sflag:s20], $0x2800  }
0xd0: {  	s10 =	sadd.s32 $0x1, s10;
	s15 =	rddreg [dreg:$0x4]  }
0xd1: {  	p0 =	sne.s32 s10, s15  }
.Ltmp7:
0xd2: {  	_ = 	snop;
	(pc) =	sbr.rel @p0 .LBB2_1-.Ltmp7, $3  }
0xd3: {  	_ =	sdelay $0x1  }
0xd4: {  	[sflag:s20] =	ssyncset.done $0x0  }
0xd5: {  	[sflag:s20] =	ssyncadd.s32 $0xFFFFD800  }
0xd6: {  	_ =	sfence.sel $0x180000  }
0xd7: {  	[bflag:$0x0] =	sbarrier.arrive $0xFFFF  }
0xd8: {  	_ =	strace $0x9000004D  }
0xd9: {  	s0 =	stileid.u32;
	[bflag:$0x2] =	sbarrier.arrive $0xFFFF  }
0xda: {  	p0 =	sne.s32 s0, $0x0;
	s0 =	rddreg [dreg:$0x2]  }
0xdb: {  	s0 =	sadd.s32 @!p0 $0x100000, s0  }
0xdc: {  	[sflag:s0] =	ssyncadd.tile.s32 @!p0 $0x1;
	_ =	shalt  }
.Lfunc_end2:
_tile_overlayer_lowered:
.L_overlay_start_2:
0xdd: {  	(tag) =	ssettag $0x2  }
0xde: {  	s0 =	rddreg [dreg:$0x0];
	s2 =	stileid.u32  }
0xdf: {  	s1 =	rddreg [dreg:$0x1];
	p0 =	sne.s32 s2, $0x0  }
0xe0: {  	s3 =	rddreg [dreg:$0x2];
	[bflag:$0x3] =	sbarrier.arrive $0xFFFF;
	s2 =	simm.s32 @!p0 $0x1C05  }
0xe1: {  	[timem:s3], [sflag:s2] =	dma.local @!p0 [hbm:s0], s1  }
0xe2: {  	s0 =	simm.s32 @!p0 $0x5  }
0xe3: {  	_ =	swait.ge @!p0 [sflag:s0], s1  }
0xe4: {  	s1 =	ssub.s32 @!p0 $0x0, s1;
	[sflag:s0] =	ssyncset.done @!p0 $0x0  }
0xe5: {  	[sflag:s0] =	ssyncadd.s32 @!p0 s1  }
0xe6: {  	[bflag:$0x3] =	sbarrier.arrive $0xFFFF  }
0xe7: {  	_ =	shalt  }

// kernel: kernel.9.cloned.1.call-start
scs
__scs_entry_jumppad:
0x0: {  	(pc) =	sbr.rel $0x88, $3  }
0x1: {  	(tag) =	ssettag $0x0;
	lr =	simm.s32 $0x1  }
0x2: {  	[smem:$0x3F86] =	sst lr;
	_ =	strace $0xD0000000  }
0x3: {  	_ = 	snop  }
0x4: {  	_ = 	snop  }
0x5: {  	_ = 	snop  }
0x6: {  	_ = 	snop  }
0x7: {  	_ = 	snop  }
__scs_overlays_trampoline_lowered:
0x8: {  	[smem:$0x3F95] =	sst s0  }
0x9: {  	[smem:$0x3F96] =	sst s1  }
0xa: {  	[smem:$0x3F97] =	sst s2  }
0xb: {  	[smem:$0x3F98] =	sst s3  }
0xc: {  	[smem:$0x3F99] =	sst s4  }
0xd: {  	[smem:$0x3F9A] =	sst s5  }
0xe: {  	[smem:$0x3F9B] =	sst s6  }
0xf: {  	[smem:$0x3F9C] =	sst s7  }
0x10: {  	[smem:$0x3F9D] =	sst s8  }
0x11: {  	[smem:$0x3F9E] =	sst s9;
	s0 =	simm.s32 @!p0 $0x0  }
0x12: {  	s1 =	sld [smem:$0x3F84];
	s0 =	simm.s32 @p0 $0x1  }
0x13: {  	[smem:$0x3F9F] =	sst s0;
	s0 =	simm.s32 @!p1 $0x0  }
0x14: {  	s2 =	sld [smem:$0x3F83];
	s0 =	simm.s32 @p1 $0x1  }
0x15: {  	[smem:$0x3FA0] =	sst s0;
	s0 =	simm.s32 @!p2 $0x0  }
0x16: {  	s3 =	sld [smem:$0x3FDB];
	s0 =	simm.s32 @p2 $0x1  }
0x17: {  	s4 =	simm.s32 $0x1BF5;
	[smem:$0x3FA2] =	sst s0  }
0x18: {  	s0 =	sld [smem:$0x3F85];
	_ =	swait.ge [sflag:s4], $0x0  }
0x19: {  	s7 =	sld [smem:$0x3F86]  }
0x1a: {  	s8 =	sadd.s32 $0xFFFFE003, lr  }
0x1b: {  	s9 =	sadd.s32 $0xFFFFFEF7, lr;
	s5 =	simm.s32 $0xFFFFFFFF;
	p2 =	slt.u32 s8, $0xFFFFF086  }
0x1c: {  	p1 =	slt.u32 s9, $0xF7A;
	s5 =	simm.s32 @!p2 $0x0  }
0x1d: {  	s5 =	simm.s32 @p1 $0x1;
	p0 =	seq.s32 s7, s2  }
0x1e: {  	s7 =	smul.u32 @!p0 $0xF7A, s2;
	p2 =	seq.s32 @!p0 s5, $0x0  }
0x1f: {  	s9 =	smul.u32 $0xF7A, s1;
	s8 =	simm.s32 @!p0 $0x1BF5;
	p2 =	por !p2, p0  }
0x20: {  	[sflag:s8] =	ssyncset.s32 @!p0 $0xFFFFF086;
	s6 =	sadd.s32 @!p0 s3, s7;
	s7 =	simm.s32 @!p0 $0x108  }
0x21: {  	s3 =	sadd.s32 s3, s9;
	s6 =	sadd.s32 @!p0 $0x88, s6;
	s7 =	simm.s32 @p2 $0x1082  }
0x22: {  	[simem:s7], [sflag:s8] =	dma.local @!p0 [hbm:s6], $0xF7A  }
0x23: {  	s9 =	sor.u32 $0xD0000000, s2;
	s6 =	simm.s32 $0x108;
	_ =	swait.ge @!p0 [sflag:s8], $0x0  }
0x24: {  	s3 =	sadd.s32 $0x88, s3;
	s6 =	simm.s32 @!p1 $0x1082;
	[sflag:s4] =	ssyncset.s32 $0xFFFFF086  }
0x25: {  	[simem:s6], [sflag:s4] =	dma.local [hbm:s3], $0xF7A  }
0x26: {  	[smem:$0x3F86] =	sst s1;
	(tag) =	ssettag s2;
	_ =	strace s9  }
0x27: {  	s1 =	sld [smem:$0x3F96]  }
0x28: {  	s2 =	sld [smem:$0x3F97]  }
0x29: {  	s4 =	sld [smem:$0x3F99]  }
0x2a: {  	p0 =	seq.s32 s5, $0x0;
	s5 =	sld [smem:$0x3F9A]  }
0x2b: {  	s6 =	sld [smem:$0x3F9B]  }
0x2c: {  	s7 =	sld [smem:$0x3F9C]  }
0x2d: {  	s3 =	simm.s32 $0x108;
	s8 =	sld [smem:$0x3F9D]  }
0x2e: {  	s3 =	simm.s32 @!p0 $0x1082;
	s9 =	sld [smem:$0x3F9E]  }
0x2f: {  	lr =	sadd.s32 s0, s3;
	s0 =	sld [smem:$0x3F95]  }
0x30: {  	s3 =	sld [smem:$0x3F98]  }
0x31: {  	[smem:$0x3FA1] =	sst s10  }
0x32: {  	s10 =	sld [smem:$0x3F9F];
	_ =	sdelay $0x3  }
0x33: {  	p0 =	seq.s32 s10, $0x1;
	s10 =	sld [smem:$0x3FA1];
	_ =	sdelay $0x3  }
0x34: {  	[smem:$0x3FA1] =	sst s10  }
0x35: {  	s10 =	sld [smem:$0x3FA0];
	_ =	sdelay $0x3  }
0x36: {  	p1 =	seq.s32 s10, $0x1;
	s10 =	sld [smem:$0x3FA1];
	_ =	sdelay $0x3  }
0x37: {  	[smem:$0x3FA1] =	sst s10  }
0x38: {  	s10 =	sld [smem:$0x3FA2]  }
0x39: {  	_ = 	snop;
	(pc) =	sbr.ind lr, $3  }
0x3a: {  	_ = 	snop  }
0x3b: {  	_ = 	snop  }
0x3c: {  	p2 =	seq.s32 s10, $0x1;
	s10 =	sld [smem:$0x3FA1]  }
0x3d: {  	_ =	shalt  }
0x3e: {  	_ =	shalt  }
0x3f: {  	_ =	shalt  }
0x40: {  	_ =	shalt  }
0x41: {  	_ =	shalt  }
0x42: {  	_ =	shalt  }
0x43: {  	_ =	shalt  }
0x44: {  	_ =	shalt  }
0x45: {  	_ =	shalt  }
0x46: {  	_ =	shalt  }
0x47: {  	_ =	shalt  }
0x48: {  	_ =	shalt  }
0x49: {  	_ =	shalt  }
0x4a: {  	_ =	shalt  }
0x4b: {  	_ =	shalt  }
0x4c: {  	_ =	shalt  }
0x4d: {  	_ =	shalt  }
0x4e: {  	_ =	shalt  }
0x4f: {  	_ =	shalt  }
0x50: {  	_ =	shalt  }
0x51: {  	_ =	shalt  }
0x52: {  	_ =	shalt  }
0x53: {  	_ =	shalt  }
0x54: {  	_ =	shalt  }
0x55: {  	_ =	shalt  }
0x56: {  	_ =	shalt  }
0x57: {  	_ =	shalt  }
0x58: {  	_ =	shalt  }
0x59: {  	_ =	shalt  }
0x5a: {  	_ =	shalt  }
0x5b: {  	_ =	shalt  }
0x5c: {  	_ =	shalt  }
0x5d: {  	_ =	shalt  }
0x5e: {  	_ =	shalt  }
0x5f: {  	_ =	shalt  }
0x60: {  	_ =	shalt  }
0x61: {  	_ =	shalt  }
0x62: {  	_ =	shalt  }
0x63: {  	_ =	shalt  }
0x64: {  	_ =	shalt  }
0x65: {  	_ =	shalt  }
0x66: {  	_ =	shalt  }
0x67: {  	_ =	shalt  }
0x68: {  	_ =	shalt  }
0x69: {  	_ =	shalt  }
0x6a: {  	_ =	shalt  }
0x6b: {  	_ =	shalt  }
0x6c: {  	_ =	shalt  }
0x6d: {  	_ =	shalt  }
0x6e: {  	_ =	shalt  }
0x6f: {  	_ =	shalt  }
0x70: {  	_ =	shalt  }
0x71: {  	_ =	shalt  }
0x72: {  	_ =	shalt  }
0x73: {  	_ =	shalt  }
0x74: {  	_ =	shalt  }
0x75: {  	_ =	shalt  }
0x76: {  	_ =	shalt  }
0x77: {  	_ =	shalt  }
0x78: {  	_ =	shalt  }
0x79: {  	_ =	shalt  }
0x7a: {  	_ =	shalt  }
0x7b: {  	_ =	shalt  }
0x7c: {  	_ =	shalt  }
0x7d: {  	_ =	shalt  }
0x7e: {  	_ =	shalt  }
0x7f: {  	_ =	shalt  }
0x80: {  	_ =	shalt  }
0x81: {  	_ =	shalt  }
0x82: {  	_ =	shalt  }
0x83: {  	_ =	shalt  }
0x84: {  	_ =	shalt  }
0x85: {  	_ =	shalt  }
0x86: {  	_ =	shalt  }
0x87: {  	_ =	shalt  }
.Lfunc_end0:
.L_simem_size_0:
called_computation_lowered:
.L_overlay_start_0:
0x88: {  	s2 =	sld [smem:$0x3FD9]  }
0x89: {  	s3 =	sld [smem:$0x3FFE];
	_ =	sdelay $0x1  }
0x8a: {  	s1 =	srdreg.scid  }
0x8b: {  	s0 =	sand.u32 $0x1, s1  }
0x8c: {  	s16 =	sshll.u32 s0, $0xA;
	s2 =	sadd.s32 s3, s2  }
0x8d: {  	s2 =	sadd.s32 s2, s16  }
0x8e: {  	[smem:$0x3FAD] =	sst s2  }
0x8f: {  	_ = 	snop  }
0x90: {  	(tm) =	ssettm $0x1  }
0x91: {  	s17 =	sld [smem:$0x3FFB];
	_ =	sdelay $0x3  }
0x92: {  	_ =	strace s17  }
0x93: {  	s2 =	sld [smem:$0x3FFC];
	_ =	sdelay $0x3  }
0x94: {  	_ =	strace s2  }
0x95: {  	s2 =	sld [smem:$0x3FFD];
	_ =	sdelay $0x3  }
0x96: {  	_ =	strace s2  }
0x97: {  	_ =	strace $0x8FFFFFFF  }
0x98: {  	s18 =	sld [smem:$0x3FDB];
	_ =	sdelay $0x1  }
0x99: {  	s19 =	simm.s32 $_scs_section_size  }
0x9a: {  	s4 =	simm.s32 $_size__tile_overlayer_lowered;
	s5 =	simm.s32 $_tile_overlayer_lowered  }
0x9b: {  	s22 =	simm.s32 $0x1BFF;
	s21 =	sshll.u32 s5, $0x1;
	s2 =	sadd.s32 s19, s18  }
0x9c: {  	s6 =	simm.s32 $0x0;
	s20 =	sshll.u32 s4, $0x1;
	s4 =	sadd.s32 s21, s2  }
0x9d: {  	[timem:s6], [sflag:s22] =	dma.local [hbm:s4], s20  }
0x9e: {  	_ =	swait.ge [sflag:s22], s20  }
0x9f: {  	s3 =	ssub.s32 $0x0, s20;
	[sflag:s22] =	ssyncset.done $0x0  }
0xa0: {  	[sflag:s22] =	ssyncadd.s32 s3;
	_ =	sdelay $0x1  }
0xa1: {  	s23 =	simm.s32 $0x1B8B  }
0xa2: {  	_ =	swait.ge [sflag:s23], $0x1  }
0xa3: {  	[sflag:s23] =	ssyncset.done $0x0  }
0xa4: {  	s25 =	simm.s32 $0x1B8E;
	s24 =	sld [smem:$0x3FFE];
	[sflag:s23] =	ssyncadd.s32 $0xFFFFFFFF  }
0xa5: {  	s26 =	simm.s32 $execute0_lowered;
	[smem:$0x3FD2] =	sst s25  }
0xa6: {  	s4 =	sshll.u32 s26, $0x1;
	_ =	strace $0x80000046;
	[dreg:$0x1] =	wrdreg $0xFFFFFFFF  }
0xa7: {  	s28 =	simm.s32 $_size_execute0_lowered;
	s2 =	sadd.s32 s2, s4;
	[dreg:$0x0] =	wrdreg $0x0  }
0xa8: {  	s4 =	sshll.u32 s28, $0x1;
	[dreg:$0x2] =	wrdreg s2  }
0xa9: {  	[dreg:$0x3] =	wrdreg s4  }
0xaa: {  	[dreg:$0x4] =	wrdreg $0xC0  }
0xab: {  	_ =	task [dreg:s6], $0x5FFFF  }
0xac: {  	[dreg:$0x1] =	wrdreg $0xFFFFFFFF  }
0xad: {  	[dreg:$0x0] =	wrdreg $0x60  }
0xae: {  	[dreg:$0x2] =	wrdreg s24  }
0xaf: {  	[dreg:$0x3] =	wrdreg $0x9  }
0xb0: {  	_ =	task.clear_ibuf [dreg:s6], $0x4FFFF;
	_ =	strace $0x90000046  }
0xb1: {  	s29 =	simm.s32 $0x9;
	_ =	strace $0x80000048  }
0xb2: {  	_ =	swait.ge [sflag:s29], $0x1  }
0xb3: {  	[sflag:s29] =	ssyncadd.s32 $0xFFFFFFFF  }
0xb4: {  	_ =	strace $0x90000048  }
0xb5: {  	_ =	sfence  }
0xb6: {  	s30 =	sld [smem:$0x0];
	_ =	sdelay $0x2  }
0xb7: {  	s31 =	sshll.u32 s1, $0xD;
	s1 =	sshrl.u32 s1, $0x2  }
0xb8: {  	s3 =	sand.u32 $0x4000, s31;
	s1 =	sadd.s32 s1, s30  }
0xb9: {  	s0 =	sor.u32 s3, s0;
	s1 =	sshll.u32 s1, $0x11  }
0xba: {  	s0 =	sor.u32 s1, s0  }
0xbb: {  	s0 =	sadd.s32 $0x8F2B, s0  }
0xbc: {  	[sflag:s0] =	ssyncadd.remote.s32 $0x1  }
0xbd: {  	_ =	sfence.sel $0xFFFF  }
0xbe: {  	[dreg:$0x0] =	wrdreg $0xFFFFFFFF;
	(pc) =	sbr.abs _section_cstart, $3  }
0xbf: {  	[dreg:$0x1] =	wrdreg $0xFFFFFFFF  }
0xc0: {  	_ =	task.clear_ibuf [dreg:s6], $0x2FFFF;
	_ =	strace $0x9FFFFFFF  }
0xc1: {  	(tm) =	ssettm $0x7FFFFFFF  }
tec
execute0_lowered:
.L_overlay_start_1:
0x0: {  	(tag) =	ssettag $0x1  }
0x1: {  	s6 =	rddreg [dreg:$0x0]  }
0x2: {  	s0 =	rddreg [dreg:$0x1]  }
0x3: {  	s1 =	simm.s32 $0x0;
	s5 =	srdreg.scid;
	s2 =	stileid.u32  }
0x4: {  	s11 =	simm.s32 $0x1;
	s12 =	simm.s32 $0x2780;
	s13 =	simm.s32 $0x4F00  }
0x5: {  	s14 =	simm.s32 $0x7680;
	s15 =	simm.s32 $0x2;
	s16 =	simm.s32 $0x7700  }
0x6: {  	s17 =	simm.s32 $0x7780;
	s18 =	simm.s32 $0x0;
	[smem:$0x7FF] =	sst s1  }
0x7: {  	s3 =	sadd.s32 $0x18C00, s6;
	s4 =	sadd.s32 $0x18600, s6;
	s7 =	sand.u32 $0x1, s5  }
.Ltmp0:
0x8: {  	s5 =	sadd.s32 $0x18000, s6;
	s8 =	sshll.u32 s2, $0x5;
	(pc) =	sbr.rel .LBB2_1-.Ltmp0, $4  }
0x9: {  	s9 =	ssub.s32 $0x2, s7;
	s8 =	sadd.s32 s8, s6;
	s7 =	sshll.u32 s7, $0x4  }
0xa: {  	_ =	strace $0x80000047;
	s31 =	sshrl.u32 s9, $0x1;
	s10 =	sadd.s32 s7, s8  }
0xb: {  	s6 =	sshll.u32 s2, $0x1;
	s9 =	ssub.s32 s9, s31;
	s8 =	sadd.s32 $0x19200, s10  }
0xc: {  	s7 =	smax.u32 s9, $0x1;
	s9 =	sadd.s32 $0x4400, s10;
	s10 =	sadd.s32 $0xE200, s10  }
.LBB2_5:
0xd: {  	s18 =	sadd.s32 $0x1, s18  }
0xe: {  	p0 =	sne.s32 s18, s7  }
.Ltmp1:
0xf: {  	_ = 	snop;
	(pc) =	sbr.rel @!p0 .LBB2_6-.Ltmp1, $1  }
0x10: {  	_ =	sdelay $0x3  }
.LBB2_1:
0x11: {  	[tilespmem:s1], [sflag:$0x1] =	stream.linear.gather [hbm4b:s3+s1], $0x2780, $0x38;
	[tilespmem:$0x7800] =	vst v63  }
0x12: {  	_ =	swait.ge [sflag:s11], $0x2780  }
0x13: {  	[sflag:s11] =	ssyncset.done $0x0  }
0x14: {  	[sflag:s11] =	ssyncadd.s32 $0xFFFFD880  }
0x15: {  	[tilespmem:s12], [sflag:$0x1] =	stream.linear.gather [hbm4b:s4+s1], $0x2780, $0x38;
	[tilespmem:$0x7800] =	vst v63  }
0x16: {  	_ =	swait.ge [sflag:s11], $0x2780  }
0x17: {  	[sflag:s11] =	ssyncset.done $0x0  }
.Ltmp2:
0x18: {  	[sflag:s11] =	ssyncadd.s32 $0xFFFFD880;
	(pc) =	sbr.rel .LBB2_2-.Ltmp2, $4  }
0x19: {  	[tilespmem:s13], [sflag:$0x1] =	stream.linear.gather [hbm4b:s5+s1], $0x2780, $0x38;
	[tilespmem:$0x7800] =	vst v63  }
0x1a: {  	_ =	swait.ge [sflag:s11], $0x2780  }
0x1b: {  	[sflag:s11] =	ssyncset.done $0x0  }
0x1c: {  	s19 =	smov.u32 s6;
	s20 =	simm.s32 $0x0;
	[sflag:s11] =	ssyncadd.s32 $0xFFFFD880  }
.LBB2_4:
0x1d: {  	s20 =	sadd.s32 $0x200, s20  }
0x1e: {  	p0 =	sne.s32 s20, $0x9E00  }
.Ltmp3:
0x1f: {  	_ = 	snop;
	(pc) =	sbr.rel @!p0 .LBB2_5-.Ltmp3, $2  }
0x20: {  	_ =	sdelay $0x2  }
0x21: {  	s19 =	sadd.s32 $0x20, s19  }
.LBB2_2:
0x22: {  	p0 =	sgt.u32 s19, $0x9C3  }
.Ltmp4:
0x23: {  	_ = 	snop;
	(pc) =	sbr.rel @p0 .LBB2_4-.Ltmp4, $1  }
0x24: {  	_ =	sdelay $0x3  }
0x25: {  	s21 =	sadd.s32 s20, s10  }
0x26: {  	[tilespmem:s14], [sflag:$0x2] =	stream.linear.gather [hbm4b:s21+s1], $0x80, $0x38;
	[tilespmem:$0x7800] =	vst v63  }
0x27: {  	_ =	swait.ge [sflag:s15], $0x80  }
0x28: {  	[sflag:s15] =	ssyncset.done $0x0  }
0x29: {  	s30 =	sadd.s32 s20, s9;
	[sflag:s15] =	ssyncadd.s32 $0xFFFFFF80  }
0x2a: {  	[tilespmem:s16], [sflag:$0x2] =	stream.linear.gather [hbm4b:s30+s1], $0x80, $0x38;
	[tilespmem:$0x7800] =	vst v63  }
0x2b: {  	_ =	swait.ge [sflag:s15], $0x80  }
0x2c: {  	[sflag:s15] =	ssyncset.done $0x0  }
0x2d: {  	[sflag:s15] =	ssyncadd.s32 $0xFFFFFF80  }
0x2e: {  	v0 =	vld [tilespmem:$0x7680]  }
0x2f: {  	v1 =	vld [tilespmem:$0x7700];
	_ =	sdelay $0x6  }
0x30: {  	v2 =	vld.idx.msk [tilespmem:v0+s1+$0x0], $0xffff  }
0x31: {  	v3 =	vld.idx.msk [tilespmem:v1+s1+$0x0], $0xffff  }
0x32: {  	v4 =	vld.idx.msk [tilespmem:v0+s12+$0x0], $0xffff  }
0x33: {  	v5 =	vld.idx.msk [tilespmem:v1+s12+$0x0], $0xffff  }
0x34: {  	v0 =	vld.idx.msk [tilespmem:v0+s13+$0x0], $0xffff  }
0x35: {  	v1 =	vld.idx.msk [tilespmem:v1+s13+$0x0], $0xffff;
	_ =	sdelay $0x2  }
0x36: {  	v2 =	vsub.f32 v2, v3;
	v11 =	vsub.f32 v4, v5  }
0x37: {  	v12 =	vld [tilespmem:$0x7690]  }
0x38: {  	v15 =	vld [tilespmem:$0x7710];
	v0 =	vsub.f32 v0, v1;
	v13 =	vmul.f32 v2, v2;
	v14 =	vmul.f32 v11, v11;
	_ =	sdelay $0x1  }
0x39: {  	v0 =	vmul.f32 v0, v0;
	v1 =	vadd.f32 v14, v13;
	_ =	sdelay $0x1  }
0x3a: {  	v0 =	vadd.f32 v0, v1;
	_ =	sdelay $0x1  }
0x3b: {  	[tilespmem:$0x7780] =	vst v0  }
0x3c: {  	v0 =	vld.idx.msk [tilespmem:v12+s1+$0x0], $0xffff  }
0x3d: {  	v16 =	vld.idx.msk [tilespmem:v15+s1+$0x0], $0xffff  }
0x3e: {  	v17 =	vld.idx.msk [tilespmem:v12+s12+$0x0], $0xffff  }
0x3f: {  	v18 =	vld.idx.msk [tilespmem:v15+s12+$0x0], $0xffff  }
0x40: {  	v4 =	vld.idx.msk [tilespmem:v12+s13+$0x0], $0xffff  }
0x41: {  	v3 =	vld.idx.msk [tilespmem:v15+s13+$0x0], $0xffff;
	_ =	sdelay $0x2  }
0x42: {  	v0 =	vsub.f32 v0, v16;
	v19 =	vsub.f32 v17, v18  }
0x43: {  	v20 =	vld [tilespmem:$0x76A0]  }
0x44: {  	v21 =	vld [tilespmem:$0x7720];
	v3 =	vsub.f32 v4, v3;
	v0 =	vmul.f32 v0, v0;
	v1 =	vmul.f32 v19, v19;
	_ =	sdelay $0x1  }
0x45: {  	v22 =	vmul.f32 v3, v3;
	v0 =	vadd.f32 v1, v0;
	_ =	sdelay $0x1  }
0x46: {  	v0 =	vadd.f32 v22, v0;
	_ =	sdelay $0x1  }
0x47: {  	[tilespmem:$0x7790] =	vst v0  }
0x48: {  	v0 =	vld.idx.msk [tilespmem:v20+s1+$0x0], $0xffff  }
0x49: {  	v23 =	vld.idx.msk [tilespmem:v21+s1+$0x0], $0xffff  }
0x4a: {  	v24 =	vld.idx.msk [tilespmem:v20+s12+$0x0], $0xffff  }
0x4b: {  	v25 =	vld.idx.msk [tilespmem:v21+s12+$0x0], $0xffff  }
0x4c: {  	v2 =	vld.idx.msk [tilespmem:v20+s13+$0x0], $0xffff  }
0x4d: {  	v4 =	vld.idx.msk [tilespmem:v21+s13+$0x0], $0xffff;
	_ =	sdelay $0x2  }
0x4e: {  	v0 =	vsub.f32 v0, v23;
	v26 =	vsub.f32 v24, v25  }
0x4f: {  	v27 =	vld [tilespmem:$0x76B0]  }
0x50: {  	v28 =	vld [tilespmem:$0x7730];
	v2 =	vsub.f32 v2, v4;
	v0 =	vmul.f32 v0, v0;
	v1 =	vmul.f32 v26, v26;
	_ =	sdelay $0x1  }
0x51: {  	v29 =	vmul.f32 v2, v2;
	v0 =	vadd.f32 v1, v0;
	_ =	sdelay $0x1  }
0x52: {  	v0 =	vadd.f32 v29, v0;
	_ =	sdelay $0x1  }
0x53: {  	[tilespmem:$0x77A0] =	vst v0  }
0x54: {  	v0 =	vld.idx.msk [tilespmem:v27+s1+$0x0], $0xffff  }
0x55: {  	v30 =	vld.idx.msk [tilespmem:v28+s1+$0x0], $0xffff  }
0x56: {  	v31 =	vld.idx.msk [tilespmem:v27+s12+$0x0], $0xffff  }
0x57: {  	v32 =	vld.idx.msk [tilespmem:v28+s12+$0x0], $0xffff  }
0x58: {  	v3 =	vld.idx.msk [tilespmem:v27+s13+$0x0], $0xffff  }
0x59: {  	v4 =	vld.idx.msk [tilespmem:v28+s13+$0x0], $0xffff;
	_ =	sdelay $0x2  }
0x5a: {  	v0 =	vsub.f32 v0, v30;
	v33 =	vsub.f32 v31, v32  }
0x5b: {  	v34 =	vld [tilespmem:$0x76C0]  }
0x5c: {  	v35 =	vld [tilespmem:$0x7740];
	v3 =	vsub.f32 v3, v4;
	v0 =	vmul.f32 v0, v0;
	v1 =	vmul.f32 v33, v33;
	_ =	sdelay $0x1  }
0x5d: {  	v36 =	vmul.f32 v3, v3;
	v0 =	vadd.f32 v1, v0;
	_ =	sdelay $0x1  }
0x5e: {  	v0 =	vadd.f32 v36, v0;
	_ =	sdelay $0x1  }
0x5f: {  	[tilespmem:$0x77B0] =	vst v0  }
0x60: {  	v0 =	vld.idx.msk [tilespmem:v34+s1+$0x0], $0xffff  }
0x61: {  	v37 =	vld.idx.msk [tilespmem:v35+s1+$0x0], $0xffff  }
0x62: {  	v38 =	vld.idx.msk [tilespmem:v34+s12+$0x0], $0xffff  }
0x63: {  	v39 =	vld.idx.msk [tilespmem:v35+s12+$0x0], $0xffff  }
0x64: {  	v2 =	vld.idx.msk [tilespmem:v34+s13+$0x0], $0xffff  }
0x65: {  	v4 =	vld.idx.msk [tilespmem:v35+s13+$0x0], $0xffff;
	_ =	sdelay $0x2  }
0x66: {  	v0 =	vsub.f32 v0, v37;
	v40 =	vsub.f32 v38, v39  }
0x67: {  	v41 =	vld [tilespmem:$0x76D0]  }
0x68: {  	v42 =	vld [tilespmem:$0x7750];
	v2 =	vsub.f32 v2, v4;
	v0 =	vmul.f32 v0, v0;
	v1 =	vmul.f32 v40, v40;
	_ =	sdelay $0x1  }
0x69: {  	v43 =	vmul.f32 v2, v2;
	v0 =	vadd.f32 v1, v0;
	_ =	sdelay $0x1  }
0x6a: {  	v0 =	vadd.f32 v43, v0;
	_ =	sdelay $0x1  }
0x6b: {  	[tilespmem:$0x77C0] =	vst v0  }
0x6c: {  	v0 =	vld.idx.msk [tilespmem:v41+s1+$0x0], $0xffff  }
0x6d: {  	v44 =	vld.idx.msk [tilespmem:v42+s1+$0x0], $0xffff  }
0x6e: {  	v45 =	vld.idx.msk [tilespmem:v41+s12+$0x0], $0xffff  }
0x6f: {  	v46 =	vld.idx.msk [tilespmem:v42+s12+$0x0], $0xffff  }
0x70: {  	v3 =	vld.idx.msk [tilespmem:v41+s13+$0x0], $0xffff  }
0x71: {  	v4 =	vld.idx.msk [tilespmem:v42+s13+$0x0], $0xffff;
	_ =	sdelay $0x2  }
0x72: {  	v0 =	vsub.f32 v0, v44;
	v47 =	vsub.f32 v45, v46  }
0x73: {  	v48 =	vld [tilespmem:$0x76E0]  }
0x74: {  	v49 =	vld [tilespmem:$0x7760];
	v3 =	vsub.f32 v3, v4;
	v0 =	vmul.f32 v0, v0;
	v1 =	vmul.f32 v47, v47;
	_ =	sdelay $0x1  }
0x75: {  	v50 =	vmul.f32 v3, v3;
	v0 =	vadd.f32 v1, v0;
	_ =	sdelay $0x1  }
0x76: {  	v0 =	vadd.f32 v50, v0;
	_ =	sdelay $0x1  }
0x77: {  	[tilespmem:$0x77D0] =	vst v0  }
0x78: {  	v0 =	vld.idx.msk [tilespmem:v48+s1+$0x0], $0xffff  }
0x79: {  	v51 =	vld.idx.msk [tilespmem:v49+s1+$0x0], $0xffff  }
0x7a: {  	v52 =	vld.idx.msk [tilespmem:v48+s12+$0x0], $0xffff  }
0x7b: {  	v53 =	vld.idx.msk [tilespmem:v49+s12+$0x0], $0xffff  }
0x7c: {  	v2 =	vld.idx.msk [tilespmem:v48+s13+$0x0], $0xffff  }
0x7d: {  	v4 =	vld.idx.msk [tilespmem:v49+s13+$0x0], $0xffff;
	_ =	sdelay $0x2  }
0x7e: {  	v0 =	vsub.f32 v0, v51;
	v54 =	vsub.f32 v52, v53  }
0x7f: {  	v55 =	vld [tilespmem:$0x76F0]  }
0x80: {  	v56 =	vld [tilespmem:$0x7770];
	v2 =	vsub.f32 v2, v4;
	v0 =	vmul.f32 v0, v0;
	v1 =	vmul.f32 v54, v54;
	_ =	sdelay $0x1  }
0x81: {  	v57 =	vmul.f32 v2, v2;
	v0 =	vadd.f32 v1, v0;
	_ =	sdelay $0x1  }
0x82: {  	v0 =	vadd.f32 v57, v0;
	_ =	sdelay $0x1  }
0x83: {  	[tilespmem:$0x77E0] =	vst v0  }
0x84: {  	v0 =	vld.idx.msk [tilespmem:v55+s1+$0x0], $0xffff  }
0x85: {  	v58 =	vld.idx.msk [tilespmem:v56+s1+$0x0], $0xffff  }
0x86: {  	v59 =	vld.idx.msk [tilespmem:v55+s12+$0x0], $0xffff  }
0x87: {  	v60 =	vld.idx.msk [tilespmem:v56+s12+$0x0], $0xffff  }
0x88: {  	v3 =	vld.idx.msk [tilespmem:v55+s13+$0x0], $0xffff  }
0x89: {  	v4 =	vld.idx.msk [tilespmem:v56+s13+$0x0], $0xffff;
	_ =	sdelay $0x2  }
0x8a: {  	v0 =	vsub.f32 v0, v58;
	v61 =	vsub.f32 v59, v60;
	_ =	sdelay $0x1  }
0x8b: {  	v62 =	vsub.f32 v3, v4;
	v0 =	vmul.f32 v0, v0;
	v1 =	vmul.f32 v61, v61;
	_ =	sdelay $0x1  }
0x8c: {  	v63 =	vmul.f32 v62, v62;
	v0 =	vadd.f32 v1, v0;
	_ =	sdelay $0x1  }
0x8d: {  	v0 =	vadd.f32 v63, v0;
	_ =	sdelay $0x1  }
.Ltmp5:
0x8e: {  	s31 =	sadd.s32 s20, s8;
	[tilespmem:$0x77F0] =	vst v0;
	(pc) =	sbr.rel .LBB2_4-.Ltmp5, $4  }
0x8f: {  	[hbm4b:s31+s1] =	stream.linear.scatter [tilespmem:s17], [sflag:$0x1], $0x80, $0x38;
	[tilespmem:$0x7800] =	vst v63  }
0x90: {  	_ =	swait.ge [sflag:s11], $0x80  }
0x91: {  	[sflag:s11] =	ssyncset.done $0x0  }
0x92: {  	[sflag:s11] =	ssyncadd.s32 $0xFFFFFF80  }
.LBB2_6:
0x93: {  	_ =	sfence.sel $0x180000  }
0x94: {  	[bflag:$0x0] =	sbarrier.arrive $0xFFFF  }
0x95: {  	p0 =	sne.s32 s2, $0x0;
	_ =	strace $0x90000047  }
0x96: {  	s0 =	sadd.s32 @!p0 $0x100000, s0;
	[bflag:$0x2] =	sbarrier.arrive $0xFFFF  }
0x97: {  	[sflag:s0] =	ssyncadd.tile.s32 @!p0 $0x1;
	_ =	shalt  }
.Lfunc_end2:
_tile_overlayer_lowered:
.L_overlay_start_2:
0x98: {  	(tag) =	ssettag $0x2  }
0x99: {  	s0 =	rddreg [dreg:$0x0];
	s2 =	stileid.u32  }
0x9a: {  	s1 =	rddreg [dreg:$0x1];
	p0 =	sne.s32 s2, $0x0  }
0x9b: {  	s3 =	rddreg [dreg:$0x2];
	[bflag:$0x3] =	sbarrier.arrive $0xFFFF;
	s2 =	simm.s32 @!p0 $0x1C01  }
0x9c: {  	[timem:s3], [sflag:s2] =	dma.local @!p0 [hbm:s0], s1  }
0x9d: {  	s0 =	simm.s32 @!p0 $0x1  }
0x9e: {  	_ =	swait.ge @!p0 [sflag:s0], s1  }
0x9f: {  	s1 =	ssub.s32 @!p0 $0x0, s1;
	[sflag:s0] =	ssyncset.done @!p0 $0x0  }
0xa0: {  	[sflag:s0] =	ssyncadd.s32 @!p0 s1  }
0xa1: {  	[bflag:$0x3] =	sbarrier.arrive $0xFFFF  }
0xa2: {  	_ =	shalt  }

</sc_bundles>
